<compile_context>
chip_gen: v7x
topology: tpu7x:2x2x1
jax: 0.10.2.dev20260603
libtpu: 0.0.44.dev20260713+nightly
codegen_flags: <defaults>
</compile_context>

<pallas_src>
import jax
import jax.numpy as jnp
from jax import lax
from jax.experimental import pallas as pl
from jax.experimental.pallas import tpu as pltpu
from jax.experimental.pallas import tpu_sc as plsc

N = 10000
E = 320000
D = 128
NC = 2
NS = 16
NW = NC * NS
EPW = E // NW
CH = 80
NCHUNK = EPW // CH
RSUB = 624
TAIL = 16
TAIL0 = NS * RSUB
ZR = 24
DW = 128
LANES = 16

_mesh = plsc.VectorSubcoreMesh(core_axis_name="c", subcore_axis_name="s",
                               num_cores=NC, num_subcores=NS)


def _hist_body(src_hbm, dst_hbm, hist_hbm,
               idx_v, ones_v, zrow_v, acc_sh, sem_a, sem_b):
    c = lax.axis_index("c")
    s = lax.axis_index("s")
    r0 = s * RSUB

    @pl.when(c == 0)
    def _load_src():
        pltpu.sync_copy(src_hbm.at[pl.ds(2 * s, 2)], idx_v)

    @pl.when(c == 1)
    def _load_dst():
        pltpu.sync_copy(dst_hbm.at[pl.ds(2 * s, 2)], idx_v)

    def fill_ones(i, carry):
        def fill_col(j, carry2):
            ones_v[i, pl.ds(j * LANES, LANES)] = jnp.full(
                (LANES,), 1.0, jnp.float32)
            return carry2

        lax.fori_loop(0, DW // LANES, fill_col, 0)
        return carry

    lax.fori_loop(0, CH, fill_ones, 0)

    def fill_zero(i, carry):
        def fill_col(j, carry2):
            zrow_v[i, pl.ds(j * LANES, LANES)] = jnp.zeros(
                (LANES,), jnp.float32)
            return carry2

        lax.fori_loop(0, DW // LANES, fill_col, 0)
        return carry

    lax.fori_loop(0, ZR, fill_zero, 0)

    for k in range(RSUB // ZR):
        pltpu.async_copy(zrow_v, acc_sh.at[pl.ds(r0 + k * ZR, ZR)], sem_a)

    @pl.when(s == 0)
    def _zero_tail():
        pltpu.sync_copy(zrow_v.at[pl.ds(0, TAIL)],
                        acc_sh.at[pl.ds(TAIL0, TAIL)])

    for k in range(RSUB // ZR):
        pltpu.make_async_copy(zrow_v, acc_sh.at[pl.ds(r0, ZR)], sem_a).wait()

    plsc.subcore_barrier()

    pltpu.async_copy(ones_v, acc_sh.at[idx_v.at[0, 0]], sem_a, add=True)

    def wait_sem(sem):
        pltpu.make_async_copy(ones_v, acc_sh.at[idx_v.at[0, 0]], sem).wait()

    def body_loop(ci, carry):
        pltpu.async_copy(ones_v, acc_sh.at[idx_v.at[1, ci]], sem_b, add=True)
        wait_sem(sem_a)

        @pl.when(ci + 1 < NCHUNK)
        def _next_a():
            pltpu.async_copy(ones_v, acc_sh.at[idx_v.at[0, ci + 1]],
                             sem_a, add=True)

        wait_sem(sem_b)
        return carry

    lax.fori_loop(0, NCHUNK, body_loop, 0)
    plsc.subcore_barrier()

    pltpu.sync_copy(acc_sh.at[pl.ds(r0, RSUB)],
                    hist_hbm.at[pl.ds(c * N + r0, RSUB)])

    @pl.when(s == 0)
    def _out_tail():
        pltpu.sync_copy(acc_sh.at[pl.ds(TAIL0, TAIL)],
                        hist_hbm.at[pl.ds(c * N + TAIL0, TAIL)])


_hist_kernel = pl.kernel(
    _hist_body,
    out_type=jax.ShapeDtypeStruct((NC * N, DW), jnp.float32),
    mesh=_mesh,
    scratch_types=[
        pltpu.VMEM((2, NCHUNK, CH), jnp.int32),
        pltpu.VMEM((CH, DW), jnp.float32),
        pltpu.VMEM((ZR, DW), jnp.float32),
        pltpu.VMEM_SHARED((N, DW), jnp.float32),
        pltpu.SemaphoreType.DMA,
        pltpu.SemaphoreType.DMA,
    ],
)


_AGG_OUT = jax.ShapeDtypeStruct((NC * N, D), jnp.float32)
_AGG_SCRATCH = [
    pltpu.VMEM((EPW,), jnp.int32),
    pltpu.VMEM((NCHUNK, CH), jnp.int32),
    pltpu.VMEM((CH, D), jnp.float32),
    pltpu.VMEM((CH, D), jnp.float32),
    pltpu.VMEM_SHARED((N, D), jnp.float32),
    pltpu.SemaphoreType.DMA,
    pltpu.SemaphoreType.DMA,
]


def _agg_body(y_hbm, src_hbm, dst_hbm, out_hbm,
              sidx_v, didx_v, rows_a, rows_b, acc_sh, sem_a, sem_b):
    c = lax.axis_index("c")
    s = lax.axis_index("s")
    wid = s * NC + c
    r0 = s * RSUB

    pltpu.sync_copy(src_hbm.at[pl.ds(wid * EPW, EPW)], sidx_v)
    pltpu.sync_copy(dst_hbm.at[wid], didx_v)

    def fill_zero(i, carry):
        def fill_row(j, carry2):
            rows_a[i, pl.ds(j * LANES, LANES)] = jnp.zeros((LANES,), jnp.float32)
            return carry2

        lax.fori_loop(0, D // LANES, fill_row, 0)
        return carry

    lax.fori_loop(0, CH, fill_zero, 0)
    for k in range(RSUB // CH):
        pltpu.async_copy(rows_a, acc_sh.at[pl.ds(r0 + k * CH, CH)], sem_a)
    _rem = RSUB - (RSUB // CH) * CH
    if _rem:
        pltpu.async_copy(rows_a.at[pl.ds(0, _rem)],
                         acc_sh.at[pl.ds(r0 + (RSUB // CH) * CH, _rem)], sem_b)

    @pl.when(s == 0)
    def _zero_tail():
        pltpu.sync_copy(rows_a.at[pl.ds(0, TAIL)], acc_sh.at[pl.ds(TAIL0, TAIL)])

    for k in range(RSUB // CH):
        pltpu.make_async_copy(rows_a, acc_sh.at[pl.ds(r0, CH)], sem_a).wait()
    if _rem:
        pltpu.make_async_copy(rows_a.at[pl.ds(0, _rem)],
                              acc_sh.at[pl.ds(r0, _rem)], sem_b).wait()

    pltpu.async_copy(y_hbm.at[sidx_v.at[pl.ds(0, CH)]], rows_a, sem_a)
    plsc.subcore_barrier()

    def wait_a():
        pltpu.make_async_copy(y_hbm.at[sidx_v.at[pl.ds(0, CH)]],
                              rows_a, sem_a).wait()

    def body(k, carry):
        c0 = 2 * k
        gb = pltpu.async_copy(
            y_hbm.at[sidx_v.at[pl.ds((c0 + 1) * CH, CH)]], rows_b, sem_b)
        wait_a()
        pltpu.sync_copy(rows_a, acc_sh.at[didx_v.at[c0]], add=True)
        pltpu.async_copy(
            y_hbm.at[sidx_v.at[pl.ds((c0 + 2) * CH, CH)]], rows_a, sem_a)
        gb.wait()
        pltpu.sync_copy(rows_b, acc_sh.at[didx_v.at[c0 + 1]], add=True)
        return carry

    lax.fori_loop(0, NCHUNK // 2, body, 0)
    wait_a()
    pltpu.sync_copy(rows_a, acc_sh.at[didx_v.at[NCHUNK - 1]], add=True)
    plsc.subcore_barrier()

    pltpu.sync_copy(acc_sh.at[pl.ds(r0, RSUB)],
                    out_hbm.at[pl.ds(c * N + r0, RSUB)])

    @pl.when(s == 0)
    def _out_tail():
        pltpu.sync_copy(acc_sh.at[pl.ds(TAIL0, TAIL)],
                        out_hbm.at[pl.ds(c * N + TAIL0, TAIL)])


_agg_kernel = pl.kernel(
    _agg_body, out_type=_AGG_OUT, mesh=_mesh, scratch_types=_AGG_SCRATCH)


BLK = 1000
_GRID = N // BLK


def _deg_norm(h, which):
    return lax.rsqrt(jnp.maximum(h[which, :, 0:1], 1.0))


def _tc_first_body(x_ref, h_ref, w_ref, o_ref, nrm_ref):
    h = h_ref[...]
    ns = _deg_norm(h, 0)
    nd = _deg_norm(h, 1)
    o_ref[...] = jnp.dot(x_ref[...] * ns, w_ref[...],
                         preferred_element_type=jnp.float32)
    col = lax.broadcasted_iota(jnp.int32, (BLK, D), 1)
    nrm_ref[...] = jnp.where(col == 0, ns, jnp.where(col == 1, nd, 0.0))


def _tc_mid_body(ap_ref, nrm_ref, b_ref, w_ref, o_ref):
    a = ap_ref[0] + ap_ref[1]
    nrm = nrm_ref[...]
    h = jnp.maximum(a * nrm[:, 1:2] + b_ref[...], 0.0)
    o_ref[...] = jnp.dot(h * nrm[:, 0:1], w_ref[...],
                         preferred_element_type=jnp.float32)


def _tc_last_body(ap_ref, nrm_ref, b_ref, o_ref):
    a = ap_ref[0] + ap_ref[1]
    o_ref[...] = a * nrm_ref[:, 1:2] + b_ref[...]


_spec_rows = pl.BlockSpec((BLK, D), lambda i: (i, 0))
_spec_parts = pl.BlockSpec((2, BLK, D), lambda i: (0, i, 0))
_spec_hists = pl.BlockSpec((2, BLK, DW), lambda i: (0, i, 0))
_spec_w = pl.BlockSpec((D, D), lambda i: (0, 0))
_spec_b = pl.BlockSpec((1, D), lambda i: (0, 0))
_out_rows = jax.ShapeDtypeStruct((N, D), jnp.float32)


def _tc_first(x, hists, w):
    return pl.pallas_call(
        _tc_first_body,
        grid=(_GRID,),
        in_specs=[_spec_rows, _spec_hists, _spec_w],
        out_specs=(_spec_rows, _spec_rows),
        out_shape=(_out_rows, _out_rows),
    )(x, hists, w)


def _tc_mid(agg_parts, nrm, b, w):
    return pl.pallas_call(
        _tc_mid_body,
        grid=(_GRID,),
        in_specs=[_spec_parts, _spec_rows, _spec_b, _spec_w],
        out_specs=_spec_rows,
        out_shape=_out_rows,
    )(agg_parts, nrm, b, w)


def _tc_last(agg_parts, nrm, b):
    return pl.pallas_call(
        _tc_last_body,
        grid=(_GRID,),
        in_specs=[_spec_parts, _spec_rows, _spec_b],
        out_specs=_spec_rows,
        out_shape=_out_rows,
    )(agg_parts, nrm, b)


def kernel(features, edge_index, W0, b0, W1, b1, W2, b2):
    src = edge_index[0]
    src3 = src.reshape(NW, NCHUNK, CH)
    dst3 = edge_index[1].reshape(NW, NCHUNK, CH)

    hists = _hist_kernel(src3, dst3).reshape(2, N, DW)

    t0, nrm = _tc_first(features, hists, W0)
    a0 = _agg_kernel(t0, src, dst3).reshape(NC, N, D)
    t1 = _tc_mid(a0, nrm, b0.reshape(1, D), W1)
    a1 = _agg_kernel(t1, src, dst3).reshape(NC, N, D)
    t2 = _tc_mid(a1, nrm, b1.reshape(1, D), W2)
    a2 = _agg_kernel(t2, src, dst3).reshape(NC, N, D)
    return _tc_last(a2, nrm, b2.reshape(1, D))

# --- scband reference (transcript-rebuilt; emitter-appended) ---
"""Pipeline reference for scband-gconv-net-4707284156789 (READ-ONLY COPY).

The authoritative reference and input builder live on the scoring server;
editing this copy changes nothing except your own understanding.
"""

import jax, jax.numpy as jnp
import numpy as np

N = 10000
E = 320000
D_IN = 128
D_HID = 128
D_OUT = 128


def setup_inputs(seed: int = 0) -> dict:
    key = jax.random.key(seed)
    ks = jax.random.split(key, 9)
    features = jax.random.normal(ks[0], (N, D_IN), dtype=jnp.float32)
    edge_index = jax.random.randint(ks[1], (2, E), 0, N, dtype=jnp.int32)
    s0 = 1.0 / np.sqrt(D_IN)
    s1 = 1.0 / np.sqrt(D_HID)
    W0 = jax.random.normal(ks[2], (D_IN, D_HID), dtype=jnp.float32) * s0
    b0 = jnp.zeros((D_HID,), dtype=jnp.float32)
    W1 = jax.random.normal(ks[3], (D_HID, D_HID), dtype=jnp.float32) * s1
    b1 = jnp.zeros((D_HID,), dtype=jnp.float32)
    W2 = jax.random.normal(ks[4], (D_HID, D_OUT), dtype=jnp.float32) * s1
    b2 = jnp.zeros((D_OUT,), dtype=jnp.float32)
    return {"features": features, "edge_index": edge_index,
            "W0": W0, "b0": b0, "W1": W1, "b1": b1, "W2": W2, "b2": b2}


def _graph_conv(h, W, b, src, dst, apply_relu):
    # DGL GraphConv with norm='both': D^{-1/2} A D^{-1/2} X W + b
    ones = jnp.ones((E,), dtype=jnp.float32)
    deg_out = jax.ops.segment_sum(ones, src, num_segments=N)
    norm_src = jnp.where(deg_out > 0, deg_out, 1.0) ** -0.5
    h = h * norm_src[:, None]
    msg = jnp.take(h, src, axis=0)
    agg = jax.ops.segment_sum(msg, dst, num_segments=N)
    deg_in = jax.ops.segment_sum(ones, dst, num_segments=N)
    norm_dst = jnp.where(deg_in > 0, deg_in, 1.0) ** -0.5
    agg = agg * norm_dst[:, None]
    out = agg @ W + b
    if apply_relu:
        out = jax.nn.relu(out)
    return out


def reference(features, edge_index, W0, b0, W1, b1, W2, b2):
    src = edge_index[0]
    dst = edge_index[1]
    # dropout is identity at inference time
    h = _graph_conv(features, W0, b0, src, dst, True)
    h = _graph_conv(h, W1, b1, src, dst, True)
    h = _graph_conv(h, W2, b2, src, dst, False)
    return h

if __name__ == "__main__":
    import jax
    _d = setup_inputs()
    print(jax.jit(kernel)(*tuple(_d.values())))

</pallas_src>

<mosaic_0001>
#map = affine_map<(d0, d1) -> (0, 0)>
#map1 = affine_map<(d0, d1) -> (0)>
#map2 = affine_map<(d0, d1) -> (0, 0, 0)>
module attributes {stable_mosaic.version = 14 : i64} {
  func.func @_agg_body(%arg0: i32, %arg1: i32, %arg2: memref<10000x128xf32, #tpu.memory_space<hbm>>, %arg3: memref<320000xi32, #tpu.memory_space<hbm>>, %arg4: memref<32x125x80xi32, #tpu.memory_space<hbm>>, %arg5: memref<20000x128xf32, #tpu.memory_space<hbm>>, %arg6: memref<10000xi32, #tpu.memory_space<vmem>>, %arg7: memref<125x80xi32, #tpu.memory_space<vmem>>, %arg8: memref<80x128xf32, #tpu.memory_space<vmem>>, %arg9: memref<80x128xf32, #tpu.memory_space<vmem>>, %arg10: memref<10000x128xf32, #tpu.memory_space<vmem_shared>>, %arg11: memref<!tpu.dma_semaphore, #tpu.memory_space<semaphore_mem>>, %arg12: memref<!tpu.dma_semaphore, #tpu.memory_space<semaphore_mem>>) attributes {dimension_semantics = [#tpu.dimension_semantics<core_parallel>, #tpu.dimension_semantics<subcore_parallel>], iteration_bounds = array<i64: 2, 16>, scalar_prefetch = 0 : i64, scratch_operands = 7 : i64, tpu.core_type = #tpu.core_type<sc_vector_subcore>, window_params = [{transform_indices = #map}, {transform_indices = #map1}, {transform_indices = #map2}, {transform_indices = #map}]} {
    %mul3A = arith.constant 2 : i32
    %mul3A_0 = arith.muli %arg1, %mul3A : i32
    %add3A = arith.addi %mul3A_0, %arg0 : i32
    %mul3A_1 = arith.constant 624 : i32
    %mul3A_2 = arith.muli %arg1, %mul3A_1 : i32
    %mul3A_3 = arith.constant 10000 : i32
    %mul3A_4 = arith.muli %add3A, %mul3A_3 : i32
    "tpu.region"() ({
      %run_scoped3A_127 = tpu.sem_alloc : memref<!tpu.dma_semaphore, #tpu.memory_space<semaphore_mem>>
      %dma_start3A_128 = tpu.memref_slice %arg3[%mul3A_4] : memref<320000xi32, #tpu.memory_space<hbm>> -> memref<10000xi32, #tpu.memory_space<hbm>>
      %dma_start3A_129 = tpu.memref_slice %arg3[%mul3A_4] : memref<320000xi32, #tpu.memory_space<hbm>> -> memref<10000xi32, #tpu.memory_space<hbm>>
      tpu.enqueue_dma source(%dma_start3A_129 : memref<10000xi32, #tpu.memory_space<hbm>>) target(%arg6 : memref<10000xi32, #tpu.memory_space<vmem>>) target_semaphore(%run_scoped3A_127 : memref<!tpu.dma_semaphore, #tpu.memory_space<semaphore_mem>>)
      %dma_wait3A_130 = tpu.memref_slice %arg3[%mul3A_4] : memref<320000xi32, #tpu.memory_space<hbm>> -> memref<10000xi32, #tpu.memory_space<hbm>>
      %dma_wait3A_131 = tpu.memref_slice %arg3[%mul3A_4] : memref<320000xi32, #tpu.memory_space<hbm>> -> memref<10000xi32, #tpu.memory_space<hbm>>
      tpu.wait_dma2 semaphore(%run_scoped3A_127 : memref<!tpu.dma_semaphore, #tpu.memory_space<semaphore_mem>>) src(%dma_wait3A_131 : memref<10000xi32, #tpu.memory_space<hbm>>) dst(%arg6 : memref<10000xi32, #tpu.memory_space<vmem>>)
      tpu.yield
    }) : () -> ()
    "tpu.region"() ({
      %run_scoped3A_127 = tpu.sem_alloc : memref<!tpu.dma_semaphore, #tpu.memory_space<semaphore_mem>>
      %dma_start3A_128 = arith.constant 0 : i32
      %dma_start3A_129 = arith.constant 0 : i32
      %dma_start3A_130 = tpu.memref_slice %arg4[%add3A, %dma_start3A_128, %dma_start3A_129] : memref<32x125x80xi32, #tpu.memory_space<hbm>> -> memref<1x125x80xi32, #tpu.memory_space<hbm>>
      %dma_start3A_131 = tpu.memref_squeeze %dma_start3A_130 : memref<1x125x80xi32, #tpu.memory_space<hbm>> -> memref<125x80xi32, #tpu.memory_space<hbm>>
      %dma_start3A_132 = arith.constant 0 : i32
      %dma_start3A_133 = arith.constant 0 : i32
      %dma_start3A_134 = tpu.memref_slice %arg4[%add3A, %dma_start3A_132, %dma_start3A_133] : memref<32x125x80xi32, #tpu.memory_space<hbm>> -> memref<1x125x80xi32, #tpu.memory_space<hbm>>
      %dma_start3A_135 = tpu.memref_squeeze %dma_start3A_134 : memref<1x125x80xi32, #tpu.memory_space<hbm>> -> memref<125x80xi32, #tpu.memory_space<hbm>>
      tpu.enqueue_dma source(%dma_start3A_135 : memref<125x80xi32, #tpu.memory_space<hbm>>) target(%arg7 : memref<125x80xi32, #tpu.memory_space<vmem>>) target_semaphore(%run_scoped3A_127 : memref<!tpu.dma_semaphore, #tpu.memory_space<semaphore_mem>>)
      %dma_wait3A_136 = arith.constant 0 : i32
      %dma_wait3A_137 = arith.constant 0 : i32
      %dma_wait3A_138 = tpu.memref_slice %arg4[%add3A, %dma_wait3A_136, %dma_wait3A_137] : memref<32x125x80xi32, #tpu.memory_space<hbm>> -> memref<1x125x80xi32, #tpu.memory_space<hbm>>
      %dma_wait3A_139 = tpu.memref_squeeze %dma_wait3A_138 : memref<1x125x80xi32, #tpu.memory_space<hbm>> -> memref<125x80xi32, #tpu.memory_space<hbm>>
      %dma_wait3A_140 = arith.constant 0 : i32
      %dma_wait3A_141 = arith.constant 0 : i32
      %dma_wait3A_142 = tpu.memref_slice %arg4[%add3A, %dma_wait3A_140, %dma_wait3A_141] : memref<32x125x80xi32, #tpu.memory_space<hbm>> -> memref<1x125x80xi32, #tpu.memory_space<hbm>>
      %dma_wait3A_143 = tpu.memref_squeeze %dma_wait3A_142 : memref<1x125x80xi32, #tpu.memory_space<hbm>> -> memref<125x80xi32, #tpu.memory_space<hbm>>
      tpu.wait_dma2 semaphore(%run_scoped3A_127 : memref<!tpu.dma_semaphore, #tpu.memory_space<semaphore_mem>>) src(%dma_wait3A_143 : memref<125x80xi32, #tpu.memory_space<hbm>>) dst(%arg7 : memref<125x80xi32, #tpu.memory_space<vmem>>)
      tpu.yield
    }) : () -> ()
    %scan3A = arith.constant 0 : i32
    %scan3A_5 = arith.constant 0 : i32
    %scan3A_6 = arith.constant 80 : i32
    %scan3A_7 = arith.addi %scan3A_5, %scan3A_6 : i32
    %scan3A_8 = arith.constant 1 : i32
    scf.for %scan3A_127 = %scan3A_5 to %scan3A_7 step %scan3A_8  : i32 {
      %scan3A_128 = arith.constant 0 : i32
      %scan3A_129 = arith.constant 0 : i32
      %scan3A_130 = arith.constant 8 : i32
      %scan3A_131 = arith.addi %scan3A_129, %scan3A_130 : i32
      %scan3A_132 = arith.constant 1 : i32
      scf.for %scan3A_134 = %scan3A_129 to %scan3A_131 step %scan3A_132  : i32 {
        %broadcast_in_dim3A = arith.constant 0.000000e+00 : f32
        %broadcast_in_dim3A_135 = vector.broadcast %broadcast_in_dim3A : f32 to vector<16xf32>
        %mul3A_136 = arith.constant 16 : i32
        %mul3A_137 = arith.muli %scan3A_134, %mul3A_136 : i32
        %swap3A = arith.index_cast %scan3A_127 : i32 to index
        %swap3A_138 = arith.index_cast %mul3A_137 : i32 to index
        %swap3A_139 = tpu.vector_load %arg8[%swap3A, %swap3A_138] {strides = array<i32>} : memref<80x128xf32, #tpu.memory_space<vmem>>, vector<1x16xf32>,
        %swap3A_140 = vector.shape_cast %swap3A_139 : vector<1x16xf32> to vector<16xf32>
        %swap3A_141 = vector.shape_cast %broadcast_in_dim3A_135 : vector<16xf32> to vector<1x16xf32>
        tpu.vector_store %arg8[%swap3A, %swap3A_138], %swap3A_141 {strides = array<i32>} : memref<80x128xf32, #tpu.memory_space<vmem>>, vector<1x16xf32>,
      }
      %scan3A_133 = arith.constant 8 : i32
    }
    %scan3A_9 = arith.constant 80 : i32
    %add3A_10 = arith.constant 0 : i32
    %add3A_11 = arith.addi %mul3A_2, %add3A_10 : i32
    %dma_start3A = arith.constant 0 : i32
    %dma_start3A_12 = tpu.memref_slice %arg10[%add3A_11, %dma_start3A] : memref<10000x128xf32, #tpu.memory_space<vmem_shared>> -> memref<80x128xf32, #tpu.memory_space<vmem_shared>>
    %dma_start3A_13 = arith.constant 0 : i32
    %dma_start3A_14 = tpu.memref_slice %arg10[%add3A_11, %dma_start3A_13] : memref<10000x128xf32, #tpu.memory_space<vmem_shared>> -> memref<80x128xf32, #tpu.memory_space<vmem_shared>>
    tpu.enqueue_dma source(%arg8 : memref<80x128xf32, #tpu.memory_space<vmem>>) target(%dma_start3A_14 : memref<80x128xf32, #tpu.memory_space<vmem_shared>>) target_semaphore(%arg11 : memref<!tpu.dma_semaphore, #tpu.memory_space<semaphore_mem>>)
    %add3A_15 = arith.constant 80 : i32
    %add3A_16 = arith.addi %mul3A_2, %add3A_15 : i32
    %dma_start3A_17 = arith.constant 0 : i32
    %dma_start3A_18 = tpu.memref_slice %arg10[%add3A_16, %dma_start3A_17] : memref<10000x128xf32, #tpu.memory_space<vmem_shared>> -> memref<80x128xf32, #tpu.memory_space<vmem_shared>>
    %dma_start3A_19 = arith.constant 0 : i32
    %dma_start3A_20 = tpu.memref_slice %arg10[%add3A_16, %dma_start3A_19] : memref<10000x128xf32, #tpu.memory_space<vmem_shared>> -> memref<80x128xf32, #tpu.memory_space<vmem_shared>>
    tpu.enqueue_dma source(%arg8 : memref<80x128xf32, #tpu.memory_space<vmem>>) target(%dma_start3A_20 : memref<80x128xf32, #tpu.memory_space<vmem_shared>>) target_semaphore(%arg11 : memref<!tpu.dma_semaphore, #tpu.memory_space<semaphore_mem>>)
    %add3A_21 = arith.constant 160 : i32
    %add3A_22 = arith.addi %mul3A_2, %add3A_21 : i32
    %dma_start3A_23 = arith.constant 0 : i32
    %dma_start3A_24 = tpu.memref_slice %arg10[%add3A_22, %dma_start3A_23] : memref<10000x128xf32, #tpu.memory_space<vmem_shared>> -> memref<80x128xf32, #tpu.memory_space<vmem_shared>>
    %dma_start3A_25 = arith.constant 0 : i32
    %dma_start3A_26 = tpu.memref_slice %arg10[%add3A_22, %dma_start3A_25] : memref<10000x128xf32, #tpu.memory_space<vmem_shared>> -> memref<80x128xf32, #tpu.memory_space<vmem_shared>>
    tpu.enqueue_dma source(%arg8 : memref<80x128xf32, #tpu.memory_space<vmem>>) target(%dma_start3A_26 : memref<80x128xf32, #tpu.memory_space<vmem_shared>>) target_semaphore(%arg11 : memref<!tpu.dma_semaphore, #tpu.memory_space<semaphore_mem>>)
    %add3A_27 = arith.constant 240 : i32
    %add3A_28 = arith.addi %mul3A_2, %add3A_27 : i32
    %dma_start3A_29 = arith.constant 0 : i32
    %dma_start3A_30 = tpu.memref_slice %arg10[%add3A_28, %dma_start3A_29] : memref<10000x128xf32, #tpu.memory_space<vmem_shared>> -> memref<80x128xf32, #tpu.memory_space<vmem_shared>>
    %dma_start3A_31 = arith.constant 0 : i32
    %dma_start3A_32 = tpu.memref_slice %arg10[%add3A_28, %dma_start3A_31] : memref<10000x128xf32, #tpu.memory_space<vmem_shared>> -> memref<80x128xf32, #tpu.memory_space<vmem_shared>>
    tpu.enqueue_dma source(%arg8 : memref<80x128xf32, #tpu.memory_space<vmem>>) target(%dma_start3A_32 : memref<80x128xf32, #tpu.memory_space<vmem_shared>>) target_semaphore(%arg11 : memref<!tpu.dma_semaphore, #tpu.memory_space<semaphore_mem>>)
    %add3A_33 = arith.constant 320 : i32
    %add3A_34 = arith.addi %mul3A_2, %add3A_33 : i32
    %dma_start3A_35 = arith.constant 0 : i32
    %dma_start3A_36 = tpu.memref_slice %arg10[%add3A_34, %dma_start3A_35] : memref<10000x128xf32, #tpu.memory_space<vmem_shared>> -> memref<80x128xf32, #tpu.memory_space<vmem_shared>>
    %dma_start3A_37 = arith.constant 0 : i32
    %dma_start3A_38 = tpu.memref_slice %arg10[%add3A_34, %dma_start3A_37] : memref<10000x128xf32, #tpu.memory_space<vmem_shared>> -> memref<80x128xf32, #tpu.memory_space<vmem_shared>>
    tpu.enqueue_dma source(%arg8 : memref<80x128xf32, #tpu.memory_space<vmem>>) target(%dma_start3A_38 : memref<80x128xf32, #tpu.memory_space<vmem_shared>>) target_semaphore(%arg11 : memref<!tpu.dma_semaphore, #tpu.memory_space<semaphore_mem>>)
    %add3A_39 = arith.constant 400 : i32
    %add3A_40 = arith.addi %mul3A_2, %add3A_39 : i32
    %dma_start3A_41 = arith.constant 0 : i32
    %dma_start3A_42 = tpu.memref_slice %arg10[%add3A_40, %dma_start3A_41] : memref<10000x128xf32, #tpu.memory_space<vmem_shared>> -> memref<80x128xf32, #tpu.memory_space<vmem_shared>>
    %dma_start3A_43 = arith.constant 0 : i32
    %dma_start3A_44 = tpu.memref_slice %arg10[%add3A_40, %dma_start3A_43] : memref<10000x128xf32, #tpu.memory_space<vmem_shared>> -> memref<80x128xf32, #tpu.memory_space<vmem_shared>>
    tpu.enqueue_dma source(%arg8 : memref<80x128xf32, #tpu.memory_space<vmem>>) target(%dma_start3A_44 : memref<80x128xf32, #tpu.memory_space<vmem_shared>>) target_semaphore(%arg11 : memref<!tpu.dma_semaphore, #tpu.memory_space<semaphore_mem>>)
    %add3A_45 = arith.constant 480 : i32
    %add3A_46 = arith.addi %mul3A_2, %add3A_45 : i32
    %dma_start3A_47 = arith.constant 0 : i32
    %dma_start3A_48 = tpu.memref_slice %arg10[%add3A_46, %dma_start3A_47] : memref<10000x128xf32, #tpu.memory_space<vmem_shared>> -> memref<80x128xf32, #tpu.memory_space<vmem_shared>>
    %dma_start3A_49 = arith.constant 0 : i32
    %dma_start3A_50 = tpu.memref_slice %arg10[%add3A_46, %dma_start3A_49] : memref<10000x128xf32, #tpu.memory_space<vmem_shared>> -> memref<80x128xf32, #tpu.memory_space<vmem_shared>>
    tpu.enqueue_dma source(%arg8 : memref<80x128xf32, #tpu.memory_space<vmem>>) target(%dma_start3A_50 : memref<80x128xf32, #tpu.memory_space<vmem_shared>>) target_semaphore(%arg11 : memref<!tpu.dma_semaphore, #tpu.memory_space<semaphore_mem>>)
    %add3A_51 = arith.constant 560 : i32
    %add3A_52 = arith.addi %mul3A_2, %add3A_51 : i32
    %dma_start3A_53 = arith.constant 0 : i32
    %dma_start3A_54 = arith.constant 0 : i32
    %dma_start3A_55 = tpu.memref_slice %arg8[%dma_start3A_53, %dma_start3A_54] : memref<80x128xf32, #tpu.memory_space<vmem>> -> memref<64x128xf32, #tpu.memory_space<vmem>>
    %dma_start3A_56 = arith.constant 0 : i32
    %dma_start3A_57 = tpu.memref_slice %arg10[%add3A_52, %dma_start3A_56] : memref<10000x128xf32, #tpu.memory_space<vmem_shared>> -> memref<64x128xf32, #tpu.memory_space<vmem_shared>>
    %dma_start3A_58 = arith.constant 0 : i32
    %dma_start3A_59 = tpu.memref_slice %arg10[%add3A_52, %dma_start3A_58] : memref<10000x128xf32, #tpu.memory_space<vmem_shared>> -> memref<64x128xf32, #tpu.memory_space<vmem_shared>>
    %dma_start3A_60 = arith.constant 0 : i32
    %dma_start3A_61 = arith.constant 0 : i32
    %dma_start3A_62 = tpu.memref_slice %arg8[%dma_start3A_60, %dma_start3A_61] : memref<80x128xf32, #tpu.memory_space<vmem>> -> memref<64x128xf32, #tpu.memory_space<vmem>>
    tpu.enqueue_dma source(%dma_start3A_62 : memref<64x128xf32, #tpu.memory_space<vmem>>) target(%dma_start3A_59 : memref<64x128xf32, #tpu.memory_space<vmem_shared>>) target_semaphore(%arg12 : memref<!tpu.dma_semaphore, #tpu.memory_space<semaphore_mem>>)
    %eq3A = arith.constant 0 : i32
    %eq3A_63 = arith.cmpi eq, %arg1, %eq3A : i32
    %convert_element_type3A = arith.extui %eq3A_63 : i1 to i32
    %cond3A = arith.constant 0 : i32
    %cond3A_64 = arith.cmpi ne, %convert_element_type3A, %cond3A : i32
    scf.if %cond3A_64 {
      "tpu.region"() ({
        %run_scoped3A_127 = tpu.sem_alloc : memref<!tpu.dma_semaphore, #tpu.memory_space<semaphore_mem>>
        %dma_start3A_128 = arith.constant 0 : i32
        %dma_start3A_129 = arith.constant 0 : i32
        %dma_start3A_130 = tpu.memref_slice %arg8[%dma_start3A_128, %dma_start3A_129] : memref<80x128xf32, #tpu.memory_space<vmem>> -> memref<16x128xf32, #tpu.memory_space<vmem>>
        %dma_start3A_131 = arith.constant 9984 : i32
        %dma_start3A_132 = arith.constant 0 : i32
        %dma_start3A_133 = tpu.memref_slice %arg10[%dma_start3A_131, %dma_start3A_132] : memref<10000x128xf32, #tpu.memory_space<vmem_shared>> -> memref<16x128xf32, #tpu.memory_space<vmem_shared>>
        %dma_start3A_134 = arith.constant 9984 : i32
        %dma_start3A_135 = arith.constant 0 : i32
        %dma_start3A_136 = tpu.memref_slice %arg10[%dma_start3A_134, %dma_start3A_135] : memref<10000x128xf32, #tpu.memory_space<vmem_shared>> -> memref<16x128xf32, #tpu.memory_space<vmem_shared>>
        %dma_start3A_137 = arith.constant 0 : i32
        %dma_start3A_138 = arith.constant 0 : i32
        %dma_start3A_139 = tpu.memref_slice %arg8[%dma_start3A_137, %dma_start3A_138] : memref<80x128xf32, #tpu.memory_space<vmem>> -> memref<16x128xf32, #tpu.memory_space<vmem>>
        tpu.enqueue_dma source(%dma_start3A_139 : memref<16x128xf32, #tpu.memory_space<vmem>>) target(%dma_start3A_136 : memref<16x128xf32, #tpu.memory_space<vmem_shared>>) target_semaphore(%run_scoped3A_127 : memref<!tpu.dma_semaphore, #tpu.memory_space<semaphore_mem>>)
        %dma_wait3A_140 = arith.constant 0 : i32
        %dma_wait3A_141 = arith.constant 0 : i32
        %dma_wait3A_142 = tpu.memref_slice %arg8[%dma_wait3A_140, %dma_wait3A_141] : memref<80x128xf32, #tpu.memory_space<vmem>> -> memref<16x128xf32, #tpu.memory_space<vmem>>
        %dma_wait3A_143 = arith.constant 9984 : i32
        %dma_wait3A_144 = arith.constant 0 : i32
        %dma_wait3A_145 = tpu.memref_slice %arg10[%dma_wait3A_143, %dma_wait3A_144] : memref<10000x128xf32, #tpu.memory_space<vmem_shared>> -> memref<16x128xf32, #tpu.memory_space<vmem_shared>>
        %dma_wait3A_146 = arith.constant 9984 : i32
        %dma_wait3A_147 = arith.constant 0 : i32
        %dma_wait3A_148 = tpu.memref_slice %arg10[%dma_wait3A_146, %dma_wait3A_147] : memref<10000x128xf32, #tpu.memory_space<vmem_shared>> -> memref<16x128xf32, #tpu.memory_space<vmem_shared>>
        %dma_wait3A_149 = arith.constant 0 : i32
        %dma_wait3A_150 = arith.constant 0 : i32
        %dma_wait3A_151 = tpu.memref_slice %arg8[%dma_wait3A_149, %dma_wait3A_150] : memref<80x128xf32, #tpu.memory_space<vmem>> -> memref<16x128xf32, #tpu.memory_space<vmem>>
        tpu.wait_dma2 semaphore(%run_scoped3A_127 : memref<!tpu.dma_semaphore, #tpu.memory_space<semaphore_mem>>) src(%dma_wait3A_151 : memref<16x128xf32, #tpu.memory_space<vmem>>) dst(%dma_wait3A_148 : memref<16x128xf32, #tpu.memory_space<vmem_shared>>)
        tpu.yield
      }) : () -> ()
    } else {
    }
    %dma_wait3A = arith.constant 0 : i32
    %dma_wait3A_65 = tpu.memref_slice %arg10[%mul3A_2, %dma_wait3A] : memref<10000x128xf32, #tpu.memory_space<vmem_shared>> -> memref<80x128xf32, #tpu.memory_space<vmem_shared>>
    %dma_wait3A_66 = arith.constant 0 : i32
    %dma_wait3A_67 = tpu.memref_slice %arg10[%mul3A_2, %dma_wait3A_66] : memref<10000x128xf32, #tpu.memory_space<vmem_shared>> -> memref<80x128xf32, #tpu.memory_space<vmem_shared>>
    tpu.wait_dma2 semaphore(%arg11 : memref<!tpu.dma_semaphore, #tpu.memory_space<semaphore_mem>>) src(%arg8 : memref<80x128xf32, #tpu.memory_space<vmem>>) dst(%dma_wait3A_67 : memref<80x128xf32, #tpu.memory_space<vmem_shared>>)
    %dma_wait3A_68 = arith.constant 0 : i32
    %dma_wait3A_69 = tpu.memref_slice %arg10[%mul3A_2, %dma_wait3A_68] : memref<10000x128xf32, #tpu.memory_space<vmem_shared>> -> memref<80x128xf32, #tpu.memory_space<vmem_shared>>
    %dma_wait3A_70 = arith.constant 0 : i32
    %dma_wait3A_71 = tpu.memref_slice %arg10[%mul3A_2, %dma_wait3A_70] : memref<10000x128xf32, #tpu.memory_space<vmem_shared>> -> memref<80x128xf32, #tpu.memory_space<vmem_shared>>
    tpu.wait_dma2 semaphore(%arg11 : memref<!tpu.dma_semaphore, #tpu.memory_space<semaphore_mem>>) src(%arg8 : memref<80x128xf32, #tpu.memory_space<vmem>>) dst(%dma_wait3A_71 : memref<80x128xf32, #tpu.memory_space<vmem_shared>>)
    %dma_wait3A_72 = arith.constant 0 : i32
    %dma_wait3A_73 = tpu.memref_slice %arg10[%mul3A_2, %dma_wait3A_72] : memref<10000x128xf32, #tpu.memory_space<vmem_shared>> -> memref<80x128xf32, #tpu.memory_space<vmem_shared>>
    %dma_wait3A_74 = arith.constant 0 : i32
    %dma_wait3A_75 = tpu.memref_slice %arg10[%mul3A_2, %dma_wait3A_74] : memref<10000x128xf32, #tpu.memory_space<vmem_shared>> -> memref<80x128xf32, #tpu.memory_space<vmem_shared>>
    tpu.wait_dma2 semaphore(%arg11 : memref<!tpu.dma_semaphore, #tpu.memory_space<semaphore_mem>>) src(%arg8 : memref<80x128xf32, #tpu.memory_space<vmem>>) dst(%dma_wait3A_75 : memref<80x128xf32, #tpu.memory_space<vmem_shared>>)
    %dma_wait3A_76 = arith.constant 0 : i32
    %dma_wait3A_77 = tpu.memref_slice %arg10[%mul3A_2, %dma_wait3A_76] : memref<10000x128xf32, #tpu.memory_space<vmem_shared>> -> memref<80x128xf32, #tpu.memory_space<vmem_shared>>
    %dma_wait3A_78 = arith.constant 0 : i32
    %dma_wait3A_79 = tpu.memref_slice %arg10[%mul3A_2, %dma_wait3A_78] : memref<10000x128xf32, #tpu.memory_space<vmem_shared>> -> memref<80x128xf32, #tpu.memory_space<vmem_shared>>
    tpu.wait_dma2 semaphore(%arg11 : memref<!tpu.dma_semaphore, #tpu.memory_space<semaphore_mem>>) src(%arg8 : memref<80x128xf32, #tpu.memory_space<vmem>>) dst(%dma_wait3A_79 : memref<80x128xf32, #tpu.memory_space<vmem_shared>>)
    %dma_wait3A_80 = arith.constant 0 : i32
    %dma_wait3A_81 = tpu.memref_slice %arg10[%mul3A_2, %dma_wait3A_80] : memref<10000x128xf32, #tpu.memory_space<vmem_shared>> -> memref<80x128xf32, #tpu.memory_space<vmem_shared>>
    %dma_wait3A_82 = arith.constant 0 : i32
    %dma_wait3A_83 = tpu.memref_slice %arg10[%mul3A_2, %dma_wait3A_82] : memref<10000x128xf32, #tpu.memory_space<vmem_shared>> -> memref<80x128xf32, #tpu.memory_space<vmem_shared>>
    tpu.wait_dma2 semaphore(%arg11 : memref<!tpu.dma_semaphore, #tpu.memory_space<semaphore_mem>>) src(%arg8 : memref<80x128xf32, #tpu.memory_space<vmem>>) dst(%dma_wait3A_83 : memref<80x128xf32, #tpu.memory_space<vmem_shared>>)
    %dma_wait3A_84 = arith.constant 0 : i32
    %dma_wait3A_85 = tpu.memref_slice %arg10[%mul3A_2, %dma_wait3A_84] : memref<10000x128xf32, #tpu.memory_space<vmem_shared>> -> memref<80x128xf32, #tpu.memory_space<vmem_shared>>
    %dma_wait3A_86 = arith.constant 0 : i32
    %dma_wait3A_87 = tpu.memref_slice %arg10[%mul3A_2, %dma_wait3A_86] : memref<10000x128xf32, #tpu.memory_space<vmem_shared>> -> memref<80x128xf32, #tpu.memory_space<vmem_shared>>
    tpu.wait_dma2 semaphore(%arg11 : memref<!tpu.dma_semaphore, #tpu.memory_space<semaphore_mem>>) src(%arg8 : memref<80x128xf32, #tpu.memory_space<vmem>>) dst(%dma_wait3A_87 : memref<80x128xf32, #tpu.memory_space<vmem_shared>>)
    %dma_wait3A_88 = arith.constant 0 : i32
    %dma_wait3A_89 = tpu.memref_slice %arg10[%mul3A_2, %dma_wait3A_88] : memref<10000x128xf32, #tpu.memory_space<vmem_shared>> -> memref<80x128xf32, #tpu.memory_space<vmem_shared>>
    %dma_wait3A_90 = arith.constant 0 : i32
    %dma_wait3A_91 = tpu.memref_slice %arg10[%mul3A_2, %dma_wait3A_90] : memref<10000x128xf32, #tpu.memory_space<vmem_shared>> -> memref<80x128xf32, #tpu.memory_space<vmem_shared>>
    tpu.wait_dma2 semaphore(%arg11 : memref<!tpu.dma_semaphore, #tpu.memory_space<semaphore_mem>>) src(%arg8 : memref<80x128xf32, #tpu.memory_space<vmem>>) dst(%dma_wait3A_91 : memref<80x128xf32, #tpu.memory_space<vmem_shared>>)
    %dma_wait3A_92 = arith.constant 0 : i32
    %dma_wait3A_93 = arith.constant 0 : i32
    %dma_wait3A_94 = tpu.memref_slice %arg8[%dma_wait3A_92, %dma_wait3A_93] : memref<80x128xf32, #tpu.memory_space<vmem>> -> memref<64x128xf32, #tpu.memory_space<vmem>>
    %dma_wait3A_95 = arith.constant 0 : i32
    %dma_wait3A_96 = tpu.memref_slice %arg10[%mul3A_2, %dma_wait3A_95] : memref<10000x128xf32, #tpu.memory_space<vmem_shared>> -> memref<64x128xf32, #tpu.memory_space<vmem_shared>>
    %dma_wait3A_97 = arith.constant 0 : i32
    %dma_wait3A_98 = tpu.memref_slice %arg10[%mul3A_2, %dma_wait3A_97] : memref<10000x128xf32, #tpu.memory_space<vmem_shared>> -> memref<64x128xf32, #tpu.memory_space<vmem_shared>>
    %dma_wait3A_99 = arith.constant 0 : i32
    %dma_wait3A_100 = arith.constant 0 : i32
    %dma_wait3A_101 = tpu.memref_slice %arg8[%dma_wait3A_99, %dma_wait3A_100] : memref<80x128xf32, #tpu.memory_space<vmem>> -> memref<64x128xf32, #tpu.memory_space<vmem>>
    tpu.wait_dma2 semaphore(%arg12 : memref<!tpu.dma_semaphore, #tpu.memory_space<semaphore_mem>>) src(%dma_wait3A_101 : memref<64x128xf32, #tpu.memory_space<vmem>>) dst(%dma_wait3A_98 : memref<64x128xf32, #tpu.memory_space<vmem_shared>>)
    %dma_start3A_102 = arith.constant 0 : i32
    %dma_start3A_103 = tpu.memref_slice %arg6[%dma_start3A_102] : memref<10000xi32, #tpu.memory_space<vmem>> -> memref<80xi32, #tpu.memory_space<vmem>>
    %dma_start3A_104 = arith.constant 0 : i32
    %dma_start3A_105 = arith.constant 0 : i32
    %dma_start3A_106 = tpu.memref_slice %arg2[%dma_start3A_104, %dma_start3A_105] : memref<10000x128xf32, #tpu.memory_space<hbm>> -> memref<10000x128xf32, #tpu.memory_space<hbm>>
    tpu.enqueue_indirect_dma source(%dma_start3A_106 : memref<10000x128xf32, #tpu.memory_space<hbm>>) target(%arg8 : memref<80x128xf32, #tpu.memory_space<vmem>>) offsets(%dma_start3A_103 : memref<80xi32, #tpu.memory_space<vmem>>) semaphore(%arg11 : memref<!tpu.dma_semaphore, #tpu.memory_space<semaphore_mem>>)
    %barrier3A = arith.constant 0 : index
    tpu.barrier barrier_id(%barrier3A)
    %scan3A_107 = arith.constant 0 : i32
    %scan3A_108 = arith.constant 0 : i32
    %scan3A_109 = arith.constant 62 : i32
    %scan3A_110 = arith.addi %scan3A_108, %scan3A_109 : i32
    %scan3A_111 = arith.constant 1 : i32
    scf.for %scan3A_127 = %scan3A_108 to %scan3A_110 step %scan3A_111  : i32 {
      %mul3A_128 = arith.constant 2 : i32
      %mul3A_129 = arith.muli %mul3A_128, %scan3A_127 : i32
      %add3A_130 = arith.constant 1 : i32
      %add3A_131 = arith.addi %mul3A_129, %add3A_130 : i32
      %mul3A_132 = arith.constant 80 : i32
      %mul3A_133 = arith.muli %add3A_131, %mul3A_132 : i32
      %dma_start3A_134 = tpu.memref_slice %arg6[%mul3A_133] : memref<10000xi32, #tpu.memory_space<vmem>> -> memref<80xi32, #tpu.memory_space<vmem>>
      %dma_start3A_135 = arith.constant 0 : i32
      %dma_start3A_136 = arith.constant 0 : i32
      %dma_start3A_137 = tpu.memref_slice %arg2[%dma_start3A_135, %dma_start3A_136] : memref<10000x128xf32, #tpu.memory_space<hbm>> -> memref<10000x128xf32, #tpu.memory_space<hbm>>
      tpu.enqueue_indirect_dma source(%dma_start3A_137 : memref<10000x128xf32, #tpu.memory_space<hbm>>) target(%arg9 : memref<80x128xf32, #tpu.memory_space<vmem>>) offsets(%dma_start3A_134 : memref<80xi32, #tpu.memory_space<vmem>>) semaphore(%arg12 : memref<!tpu.dma_semaphore, #tpu.memory_space<semaphore_mem>>)
      %dma_wait3A_138 = arith.constant 0 : i32
      %dma_wait3A_139 = tpu.memref_slice %arg6[%dma_wait3A_138] : memref<10000xi32, #tpu.memory_space<vmem>> -> memref<80xi32, #tpu.memory_space<vmem>>
      %dma_wait3A_140 = arith.constant 0 : i32
      %dma_wait3A_141 = arith.constant 0 : i32
      %dma_wait3A_142 = tpu.memref_slice %arg2[%dma_wait3A_140, %dma_wait3A_141] : memref<10000x128xf32, #tpu.memory_space<hbm>> -> memref<10000x128xf32, #tpu.memory_space<hbm>>
      tpu.wait_indirect_dma semaphore(%arg11 : memref<!tpu.dma_semaphore, #tpu.memory_space<semaphore_mem>>) src(%dma_wait3A_142 : memref<10000x128xf32, #tpu.memory_space<hbm>>) dst(%arg8 : memref<80x128xf32, #tpu.memory_space<vmem>>)
      "tpu.region"() ({
        %run_scoped3A_157 = tpu.sem_alloc : memref<!tpu.dma_semaphore, #tpu.memory_space<semaphore_mem>>
        %dma_start3A_158 = arith.constant 0 : i32
        %dma_start3A_159 = tpu.memref_slice %arg7[%mul3A_129, %dma_start3A_158] : memref<125x80xi32, #tpu.memory_space<vmem>> -> memref<1x80xi32, #tpu.memory_space<vmem>>
        %dma_start3A_160 = tpu.memref_squeeze %dma_start3A_159 : memref<1x80xi32, #tpu.memory_space<vmem>> -> memref<80xi32, #tpu.memory_space<vmem>>
        %dma_start3A_161 = arith.constant 0 : i32
        %dma_start3A_162 = arith.constant 0 : i32
        %dma_start3A_163 = tpu.memref_slice %arg10[%dma_start3A_161, %dma_start3A_162] : memref<10000x128xf32, #tpu.memory_space<vmem_shared>> -> memref<10000x128xf32, #tpu.memory_space<vmem_shared>>
        tpu.enqueue_indirect_dma source(%arg8 : memref<80x128xf32, #tpu.memory_space<vmem>>) target(%dma_start3A_163 : memref<10000x128xf32, #tpu.memory_space<vmem_shared>>) offsets(%dma_start3A_160 : memref<80xi32, #tpu.memory_space<vmem>>) semaphore(%run_scoped3A_157 : memref<!tpu.dma_semaphore, #tpu.memory_space<semaphore_mem>>) {add = true}
        %dma_wait3A_164 = arith.constant 0 : i32
        %dma_wait3A_165 = tpu.memref_slice %arg7[%mul3A_129, %dma_wait3A_164] : memref<125x80xi32, #tpu.memory_space<vmem>> -> memref<1x80xi32, #tpu.memory_space<vmem>>
        %dma_wait3A_166 = tpu.memref_squeeze %dma_wait3A_165 : memref<1x80xi32, #tpu.memory_space<vmem>> -> memref<80xi32, #tpu.memory_space<vmem>>
        %dma_wait3A_167 = arith.constant 0 : i32
        %dma_wait3A_168 = arith.constant 0 : i32
        %dma_wait3A_169 = tpu.memref_slice %arg10[%dma_wait3A_167, %dma_wait3A_168] : memref<10000x128xf32, #tpu.memory_space<vmem_shared>> -> memref<10000x128xf32, #tpu.memory_space<vmem_shared>>
        tpu.wait_indirect_dma semaphore(%run_scoped3A_157 : memref<!tpu.dma_semaphore, #tpu.memory_space<semaphore_mem>>) src(%arg8 : memref<80x128xf32, #tpu.memory_space<vmem>>) dst(%dma_wait3A_169 : memref<10000x128xf32, #tpu.memory_space<vmem_shared>>)
        tpu.yield
      }) : () -> ()
      %add3A_143 = arith.constant 2 : i32
      %add3A_144 = arith.addi %mul3A_129, %add3A_143 : i32
      %mul3A_145 = arith.constant 80 : i32
      %mul3A_146 = arith.muli %add3A_144, %mul3A_145 : i32
      %dma_start3A_147 = tpu.memref_slice %arg6[%mul3A_146] : memref<10000xi32, #tpu.memory_space<vmem>> -> memref<80xi32, #tpu.memory_space<vmem>>
      %dma_start3A_148 = arith.constant 0 : i32
      %dma_start3A_149 = arith.constant 0 : i32
      %dma_start3A_150 = tpu.memref_slice %arg2[%dma_start3A_148, %dma_start3A_149] : memref<10000x128xf32, #tpu.memory_space<hbm>> -> memref<10000x128xf32, #tpu.memory_space<hbm>>
      tpu.enqueue_indirect_dma source(%dma_start3A_150 : memref<10000x128xf32, #tpu.memory_space<hbm>>) target(%arg8 : memref<80x128xf32, #tpu.memory_space<vmem>>) offsets(%dma_start3A_147 : memref<80xi32, #tpu.memory_space<vmem>>) semaphore(%arg11 : memref<!tpu.dma_semaphore, #tpu.memory_space<semaphore_mem>>)
      %dma_wait3A_151 = tpu.memref_slice %arg6[%mul3A_133] : memref<10000xi32, #tpu.memory_space<vmem>> -> memref<80xi32, #tpu.memory_space<vmem>>
      %dma_wait3A_152 = arith.constant 0 : i32
      %dma_wait3A_153 = arith.constant 0 : i32
      %dma_wait3A_154 = tpu.memref_slice %arg2[%dma_wait3A_152, %dma_wait3A_153] : memref<10000x128xf32, #tpu.memory_space<hbm>> -> memref<10000x128xf32, #tpu.memory_space<hbm>>
      tpu.wait_indirect_dma semaphore(%arg12 : memref<!tpu.dma_semaphore, #tpu.memory_space<semaphore_mem>>) src(%dma_wait3A_154 : memref<10000x128xf32, #tpu.memory_space<hbm>>) dst(%arg9 : memref<80x128xf32, #tpu.memory_space<vmem>>)
      %add3A_155 = arith.constant 1 : i32
      %add3A_156 = arith.addi %mul3A_129, %add3A_155 : i32
      "tpu.region"() ({
        %run_scoped3A_157 = tpu.sem_alloc : memref<!tpu.dma_semaphore, #tpu.memory_space<semaphore_mem>>
        %dma_start3A_158 = arith.constant 0 : i32
        %dma_start3A_159 = tpu.memref_slice %arg7[%add3A_156, %dma_start3A_158] : memref<125x80xi32, #tpu.memory_space<vmem>> -> memref<1x80xi32, #tpu.memory_space<vmem>>
        %dma_start3A_160 = tpu.memref_squeeze %dma_start3A_159 : memref<1x80xi32, #tpu.memory_space<vmem>> -> memref<80xi32, #tpu.memory_space<vmem>>
        %dma_start3A_161 = arith.constant 0 : i32
        %dma_start3A_162 = arith.constant 0 : i32
        %dma_start3A_163 = tpu.memref_slice %arg10[%dma_start3A_161, %dma_start3A_162] : memref<10000x128xf32, #tpu.memory_space<vmem_shared>> -> memref<10000x128xf32, #tpu.memory_space<vmem_shared>>
        tpu.enqueue_indirect_dma source(%arg9 : memref<80x128xf32, #tpu.memory_space<vmem>>) target(%dma_start3A_163 : memref<10000x128xf32, #tpu.memory_space<vmem_shared>>) offsets(%dma_start3A_160 : memref<80xi32, #tpu.memory_space<vmem>>) semaphore(%run_scoped3A_157 : memref<!tpu.dma_semaphore, #tpu.memory_space<semaphore_mem>>) {add = true}
        %dma_wait3A_164 = arith.constant 0 : i32
        %dma_wait3A_165 = tpu.memref_slice %arg7[%add3A_156, %dma_wait3A_164] : memref<125x80xi32, #tpu.memory_space<vmem>> -> memref<1x80xi32, #tpu.memory_space<vmem>>
        %dma_wait3A_166 = tpu.memref_squeeze %dma_wait3A_165 : memref<1x80xi32, #tpu.memory_space<vmem>> -> memref<80xi32, #tpu.memory_space<vmem>>
        %dma_wait3A_167 = arith.constant 0 : i32
        %dma_wait3A_168 = arith.constant 0 : i32
        %dma_wait3A_169 = tpu.memref_slice %arg10[%dma_wait3A_167, %dma_wait3A_168] : memref<10000x128xf32, #tpu.memory_space<vmem_shared>> -> memref<10000x128xf32, #tpu.memory_space<vmem_shared>>
        tpu.wait_indirect_dma semaphore(%run_scoped3A_157 : memref<!tpu.dma_semaphore, #tpu.memory_space<semaphore_mem>>) src(%arg9 : memref<80x128xf32, #tpu.memory_space<vmem>>) dst(%dma_wait3A_169 : memref<10000x128xf32, #tpu.memory_space<vmem_shared>>)
        tpu.yield
      }) : () -> ()
    }
    %scan3A_112 = arith.constant 62 : i32
    %dma_wait3A_113 = arith.constant 0 : i32
    %dma_wait3A_114 = tpu.memref_slice %arg6[%dma_wait3A_113] : memref<10000xi32, #tpu.memory_space<vmem>> -> memref<80xi32, #tpu.memory_space<vmem>>
    %dma_wait3A_115 = arith.constant 0 : i32
    %dma_wait3A_116 = arith.constant 0 : i32
    %dma_wait3A_117 = tpu.memref_slice %arg2[%dma_wait3A_115, %dma_wait3A_116] : memref<10000x128xf32, #tpu.memory_space<hbm>> -> memref<10000x128xf32, #tpu.memory_space<hbm>>
    tpu.wait_indirect_dma semaphore(%arg11 : memref<!tpu.dma_semaphore, #tpu.memory_space<semaphore_mem>>) src(%dma_wait3A_117 : memref<10000x128xf32, #tpu.memory_space<hbm>>) dst(%arg8 : memref<80x128xf32, #tpu.memory_space<vmem>>)
    %run_scoped3A = arith.constant 124 : i32
    "tpu.region"() ({
      %run_scoped3A_127 = tpu.sem_alloc : memref<!tpu.dma_semaphore, #tpu.memory_space<semaphore_mem>>
      %dma_start3A_128 = arith.constant 0 : i32
      %dma_start3A_129 = tpu.memref_slice %arg7[%run_scoped3A, %dma_start3A_128] : memref<125x80xi32, #tpu.memory_space<vmem>> -> memref<1x80xi32, #tpu.memory_space<vmem>>
      %dma_start3A_130 = tpu.memref_squeeze %dma_start3A_129 : memref<1x80xi32, #tpu.memory_space<vmem>> -> memref<80xi32, #tpu.memory_space<vmem>>
      %dma_start3A_131 = arith.constant 0 : i32
      %dma_start3A_132 = arith.constant 0 : i32
      %dma_start3A_133 = tpu.memref_slice %arg10[%dma_start3A_131, %dma_start3A_132] : memref<10000x128xf32, #tpu.memory_space<vmem_shared>> -> memref<10000x128xf32, #tpu.memory_space<vmem_shared>>
      tpu.enqueue_indirect_dma source(%arg8 : memref<80x128xf32, #tpu.memory_space<vmem>>) target(%dma_start3A_133 : memref<10000x128xf32, #tpu.memory_space<vmem_shared>>) offsets(%dma_start3A_130 : memref<80xi32, #tpu.memory_space<vmem>>) semaphore(%run_scoped3A_127 : memref<!tpu.dma_semaphore, #tpu.memory_space<semaphore_mem>>) {add = true}
      %dma_wait3A_134 = arith.constant 0 : i32
      %dma_wait3A_135 = tpu.memref_slice %arg7[%run_scoped3A, %dma_wait3A_134] : memref<125x80xi32, #tpu.memory_space<vmem>> -> memref<1x80xi32, #tpu.memory_space<vmem>>
      %dma_wait3A_136 = tpu.memref_squeeze %dma_wait3A_135 : memref<1x80xi32, #tpu.memory_space<vmem>> -> memref<80xi32, #tpu.memory_space<vmem>>
      %dma_wait3A_137 = arith.constant 0 : i32
      %dma_wait3A_138 = arith.constant 0 : i32
      %dma_wait3A_139 = tpu.memref_slice %arg10[%dma_wait3A_137, %dma_wait3A_138] : memref<10000x128xf32, #tpu.memory_space<vmem_shared>> -> memref<10000x128xf32, #tpu.memory_space<vmem_shared>>
      tpu.wait_indirect_dma semaphore(%run_scoped3A_127 : memref<!tpu.dma_semaphore, #tpu.memory_space<semaphore_mem>>) src(%arg8 : memref<80x128xf32, #tpu.memory_space<vmem>>) dst(%dma_wait3A_139 : memref<10000x128xf32, #tpu.memory_space<vmem_shared>>)
      tpu.yield
    }) : () -> ()
    %barrier3A_118 = arith.constant 0 : index
    tpu.barrier barrier_id(%barrier3A_118)
    %mul3A_119 = arith.constant 10000 : i32
    %mul3A_120 = arith.muli %arg0, %mul3A_119 : i32
    %add3A_121 = arith.addi %mul3A_120, %mul3A_2 : i32
    "tpu.region"() ({
      %run_scoped3A_127 = tpu.sem_alloc : memref<!tpu.dma_semaphore, #tpu.memory_space<semaphore_mem>>
      %dma_start3A_128 = arith.constant 0 : i32
      %dma_start3A_129 = tpu.memref_slice %arg5[%add3A_121, %dma_start3A_128] : memref<20000x128xf32, #tpu.memory_space<hbm>> -> memref<624x128xf32, #tpu.memory_space<hbm>>
      %dma_start3A_130 = arith.constant 0 : i32
      %dma_start3A_131 = tpu.memref_slice %arg10[%mul3A_2, %dma_start3A_130] : memref<10000x128xf32, #tpu.memory_space<vmem_shared>> -> memref<624x128xf32, #tpu.memory_space<vmem_shared>>
      tpu.enqueue_dma source(%dma_start3A_131 : memref<624x128xf32, #tpu.memory_space<vmem_shared>>) target(%dma_start3A_129 : memref<624x128xf32, #tpu.memory_space<hbm>>) target_semaphore(%run_scoped3A_127 : memref<!tpu.dma_semaphore, #tpu.memory_space<semaphore_mem>>)
      %dma_wait3A_132 = arith.constant 0 : i32
      %dma_wait3A_133 = tpu.memref_slice %arg5[%add3A_121, %dma_wait3A_132] : memref<20000x128xf32, #tpu.memory_space<hbm>> -> memref<624x128xf32, #tpu.memory_space<hbm>>
      %dma_wait3A_134 = arith.constant 0 : i32
      %dma_wait3A_135 = tpu.memref_slice %arg10[%mul3A_2, %dma_wait3A_134] : memref<10000x128xf32, #tpu.memory_space<vmem_shared>> -> memref<624x128xf32, #tpu.memory_space<vmem_shared>>
      tpu.wait_dma2 semaphore(%run_scoped3A_127 : memref<!tpu.dma_semaphore, #tpu.memory_space<semaphore_mem>>) src(%dma_wait3A_135 : memref<624x128xf32, #tpu.memory_space<vmem_shared>>) dst(%dma_wait3A_133 : memref<624x128xf32, #tpu.memory_space<hbm>>)
      tpu.yield
    }) : () -> ()
    %eq3A_122 = arith.constant 0 : i32
    %eq3A_123 = arith.cmpi eq, %arg1, %eq3A_122 : i32
    %convert_element_type3A_124 = arith.extui %eq3A_123 : i1 to i32
    %cond3A_125 = arith.constant 0 : i32
    %cond3A_126 = arith.cmpi ne, %convert_element_type3A_124, %cond3A_125 : i32
    scf.if %cond3A_126 {
      %mul3A_127 = arith.constant 10000 : i32
      %mul3A_128 = arith.muli %arg0, %mul3A_127 : i32
      %add3A_129 = arith.constant 9984 : i32
      %add3A_130 = arith.addi %mul3A_128, %add3A_129 : i32
      "tpu.region"() ({
        %run_scoped3A_131 = tpu.sem_alloc : memref<!tpu.dma_semaphore, #tpu.memory_space<semaphore_mem>>
        %dma_start3A_132 = arith.constant 0 : i32
        %dma_start3A_133 = tpu.memref_slice %arg5[%add3A_130, %dma_start3A_132] : memref<20000x128xf32, #tpu.memory_space<hbm>> -> memref<16x128xf32, #tpu.memory_space<hbm>>
        %dma_start3A_134 = arith.constant 9984 : i32
        %dma_start3A_135 = arith.constant 0 : i32
        %dma_start3A_136 = tpu.memref_slice %arg10[%dma_start3A_134, %dma_start3A_135] : memref<10000x128xf32, #tpu.memory_space<vmem_shared>> -> memref<16x128xf32, #tpu.memory_space<vmem_shared>>
        tpu.enqueue_dma source(%dma_start3A_136 : memref<16x128xf32, #tpu.memory_space<vmem_shared>>) target(%dma_start3A_133 : memref<16x128xf32, #tpu.memory_space<hbm>>) target_semaphore(%run_scoped3A_131 : memref<!tpu.dma_semaphore, #tpu.memory_space<semaphore_mem>>)
        %dma_wait3A_137 = arith.constant 0 : i32
        %dma_wait3A_138 = tpu.memref_slice %arg5[%add3A_130, %dma_wait3A_137] : memref<20000x128xf32, #tpu.memory_space<hbm>> -> memref<16x128xf32, #tpu.memory_space<hbm>>
        %dma_wait3A_139 = arith.constant 9984 : i32
        %dma_wait3A_140 = arith.constant 0 : i32
        %dma_wait3A_141 = tpu.memref_slice %arg10[%dma_wait3A_139, %dma_wait3A_140] : memref<10000x128xf32, #tpu.memory_space<vmem_shared>> -> memref<16x128xf32, #tpu.memory_space<vmem_shared>>
        tpu.wait_dma2 semaphore(%run_scoped3A_131 : memref<!tpu.dma_semaphore, #tpu.memory_space<semaphore_mem>>) src(%dma_wait3A_141 : memref<16x128xf32, #tpu.memory_space<vmem_shared>>) dst(%dma_wait3A_138 : memref<16x128xf32, #tpu.memory_space<hbm>>)
        tpu.yield
      }) : () -> ()
    } else {
    }
    return
  }
}

#map = affine_map<(d0, d1) -> (0, 0)>
#map1 = affine_map<(d0, d1) -> (0)>
#map2 = affine_map<(d0, d1) -> (0, 0, 0)>
module attributes {stable_mosaic.version = 14 : i64} {
  func.func @_agg_body(%arg0: i32, %arg1: i32, %arg2: memref<10000x128xf32, #tpu.memory_space<hbm>>, %arg3: memref<320000xi32, #tpu.memory_space<hbm>>, %arg4: memref<32x125x80xi32, #tpu.memory_space<hbm>>, %arg5: memref<20000x128xf32, #tpu.memory_space<hbm>>, %arg6: memref<10000xi32, #tpu.memory_space<vmem>>, %arg7: memref<125x80xi32, #tpu.memory_space<vmem>>, %arg8: memref<80x128xf32, #tpu.memory_space<vmem>>, %arg9: memref<80x128xf32, #tpu.memory_space<vmem>>, %arg10: memref<10000x128xf32, #tpu.memory_space<vmem_shared>>, %arg11: memref<!tpu.dma_semaphore, #tpu.memory_space<semaphore_mem>>, %arg12: memref<!tpu.dma_semaphore, #tpu.memory_space<semaphore_mem>>) attributes {dimension_semantics = [#tpu.dimension_semantics<core_parallel>, #tpu.dimension_semantics<subcore_parallel>], iteration_bounds = array<i64: 2, 16>, scalar_prefetch = 0 : i64, scratch_operands = 7 : i64, tpu.core_type = #tpu.core_type<sc_vector_subcore>, window_params = [{transform_indices = #map}, {transform_indices = #map1}, {transform_indices = #map2}, {transform_indices = #map}]} {
    %mul3A = arith.constant 2 : i32
    %mul3A_0 = arith.muli %arg1, %mul3A : i32
    %add3A = arith.addi %mul3A_0, %arg0 : i32
    %mul3A_1 = arith.constant 624 : i32
    %mul3A_2 = arith.muli %arg1, %mul3A_1 : i32
    %mul3A_3 = arith.constant 10000 : i32
    %mul3A_4 = arith.muli %add3A, %mul3A_3 : i32
    "tpu.region"() ({
      %run_scoped3A_127 = tpu.sem_alloc : memref<!tpu.dma_semaphore, #tpu.memory_space<semaphore_mem>>
      %dma_start3A_128 = tpu.memref_slice %arg3[%mul3A_4] : memref<320000xi32, #tpu.memory_space<hbm>> -> memref<10000xi32, #tpu.memory_space<hbm>>
      %dma_start3A_129 = tpu.memref_slice %arg3[%mul3A_4] : memref<320000xi32, #tpu.memory_space<hbm>> -> memref<10000xi32, #tpu.memory_space<hbm>>
      tpu.enqueue_dma source(%dma_start3A_129 : memref<10000xi32, #tpu.memory_space<hbm>>) target(%arg6 : memref<10000xi32, #tpu.memory_space<vmem>>) target_semaphore(%run_scoped3A_127 : memref<!tpu.dma_semaphore, #tpu.memory_space<semaphore_mem>>)
      %dma_wait3A_130 = tpu.memref_slice %arg3[%mul3A_4] : memref<320000xi32, #tpu.memory_space<hbm>> -> memref<10000xi32, #tpu.memory_space<hbm>>
      %dma_wait3A_131 = tpu.memref_slice %arg3[%mul3A_4] : memref<320000xi32, #tpu.memory_space<hbm>> -> memref<10000xi32, #tpu.memory_space<hbm>>
      tpu.wait_dma2 semaphore(%run_scoped3A_127 : memref<!tpu.dma_semaphore, #tpu.memory_space<semaphore_mem>>) src(%dma_wait3A_131 : memref<10000xi32, #tpu.memory_space<hbm>>) dst(%arg6 : memref<10000xi32, #tpu.memory_space<vmem>>)
      tpu.yield
    }) : () -> ()
    "tpu.region"() ({
      %run_scoped3A_127 = tpu.sem_alloc : memref<!tpu.dma_semaphore, #tpu.memory_space<semaphore_mem>>
      %dma_start3A_128 = arith.constant 0 : i32
      %dma_start3A_129 = arith.constant 0 : i32
      %dma_start3A_130 = tpu.memref_slice %arg4[%add3A, %dma_start3A_128, %dma_start3A_129] : memref<32x125x80xi32, #tpu.memory_space<hbm>> -> memref<1x125x80xi32, #tpu.memory_space<hbm>>
      %dma_start3A_131 = tpu.memref_squeeze %dma_start3A_130 : memref<1x125x80xi32, #tpu.memory_space<hbm>> -> memref<125x80xi32, #tpu.memory_space<hbm>>
      %dma_start3A_132 = arith.constant 0 : i32
      %dma_start3A_133 = arith.constant 0 : i32
      %dma_start3A_134 = tpu.memref_slice %arg4[%add3A, %dma_start3A_132, %dma_start3A_133] : memref<32x125x80xi32, #tpu.memory_space<hbm>> -> memref<1x125x80xi32, #tpu.memory_space<hbm>>
      %dma_start3A_135 = tpu.memref_squeeze %dma_start3A_134 : memref<1x125x80xi32, #tpu.memory_space<hbm>> -> memref<125x80xi32, #tpu.memory_space<hbm>>
      tpu.enqueue_dma source(%dma_start3A_135 : memref<125x80xi32, #tpu.memory_space<hbm>>) target(%arg7 : memref<125x80xi32, #tpu.memory_space<vmem>>) target_semaphore(%run_scoped3A_127 : memref<!tpu.dma_semaphore, #tpu.memory_space<semaphore_mem>>)
      %dma_wait3A_136 = arith.constant 0 : i32
      %dma_wait3A_137 = arith.constant 0 : i32
      %dma_wait3A_138 = tpu.memref_slice %arg4[%add3A, %dma_wait3A_136, %dma_wait3A_137] : memref<32x125x80xi32, #tpu.memory_space<hbm>> -> memref<1x125x80xi32, #tpu.memory_space<hbm>>
      %dma_wait3A_139 = tpu.memref_squeeze %dma_wait3A_138 : memref<1x125x80xi32, #tpu.memory_space<hbm>> -> memref<125x80xi32, #tpu.memory_space<hbm>>
      %dma_wait3A_140 = arith.constant 0 : i32
      %dma_wait3A_141 = arith.constant 0 : i32
      %dma_wait3A_142 = tpu.memref_slice %arg4[%add3A, %dma_wait3A_140, %dma_wait3A_141] : memref<32x125x80xi32, #tpu.memory_space<hbm>> -> memref<1x125x80xi32, #tpu.memory_space<hbm>>
      %dma_wait3A_143 = tpu.memref_squeeze %dma_wait3A_142 : memref<1x125x80xi32, #tpu.memory_space<hbm>> -> memref<125x80xi32, #tpu.memory_space<hbm>>
      tpu.wait_dma2 semaphore(%run_scoped3A_127 : memref<!tpu.dma_semaphore, #tpu.memory_space<semaphore_mem>>) src(%dma_wait3A_143 : memref<125x80xi32, #tpu.memory_space<hbm>>) dst(%arg7 : memref<125x80xi32, #tpu.memory_space<vmem>>)
      tpu.yield
    }) : () -> ()
    %scan3A = arith.constant 0 : i32
    %scan3A_5 = arith.constant 0 : i32
    %scan3A_6 = arith.constant 80 : i32
    %scan3A_7 = arith.addi %scan3A_5, %scan3A_6 : i32
    %scan3A_8 = arith.constant 1 : i32
    scf.for %scan3A_127 = %scan3A_5 to %scan3A_7 step %scan3A_8  : i32 {
      %scan3A_128 = arith.constant 0 : i32
      %scan3A_129 = arith.constant 0 : i32
      %scan3A_130 = arith.constant 8 : i32
      %scan3A_131 = arith.addi %scan3A_129, %scan3A_130 : i32
      %scan3A_132 = arith.constant 1 : i32
      scf.for %scan3A_134 = %scan3A_129 to %scan3A_131 step %scan3A_132  : i32 {
        %broadcast_in_dim3A = arith.constant 0.000000e+00 : f32
        %broadcast_in_dim3A_135 = vector.broadcast %broadcast_in_dim3A : f32 to vector<16xf32>
        %mul3A_136 = arith.constant 16 : i32
        %mul3A_137 = arith.muli %scan3A_134, %mul3A_136 : i32
        %swap3A = arith.index_cast %scan3A_127 : i32 to index
        %swap3A_138 = arith.index_cast %mul3A_137 : i32 to index
        %swap3A_139 = tpu.vector_load %arg8[%swap3A, %swap3A_138] {strides = array<i32>} : memref<80x128xf32, #tpu.memory_space<vmem>>, vector<1x16xf32>,
        %swap3A_140 = vector.shape_cast %swap3A_139 : vector<1x16xf32> to vector<16xf32>
        %swap3A_141 = vector.shape_cast %broadcast_in_dim3A_135 : vector<16xf32> to vector<1x16xf32>
        tpu.vector_store %arg8[%swap3A, %swap3A_138], %swap3A_141 {strides = array<i32>} : memref<80x128xf32, #tpu.memory_space<vmem>>, vector<1x16xf32>,
      }
      %scan3A_133 = arith.constant 8 : i32
    }
    %scan3A_9 = arith.constant 80 : i32
    %add3A_10 = arith.constant 0 : i32
    %add3A_11 = arith.addi %mul3A_2, %add3A_10 : i32
    %dma_start3A = arith.constant 0 : i32
    %dma_start3A_12 = tpu.memref_slice %arg10[%add3A_11, %dma_start3A] : memref<10000x128xf32, #tpu.memory_space<vmem_shared>> -> memref<80x128xf32, #tpu.memory_space<vmem_shared>>
    %dma_start3A_13 = arith.constant 0 : i32
    %dma_start3A_14 = tpu.memref_slice %arg10[%add3A_11, %dma_start3A_13] : memref<10000x128xf32, #tpu.memory_space<vmem_shared>> -> memref<80x128xf32, #tpu.memory_space<vmem_shared>>
    tpu.enqueue_dma source(%arg8 : memref<80x128xf32, #tpu.memory_space<vmem>>) target(%dma_start3A_14 : memref<80x128xf32, #tpu.memory_space<vmem_shared>>) target_semaphore(%arg11 : memref<!tpu.dma_semaphore, #tpu.memory_space<semaphore_mem>>)
    %add3A_15 = arith.constant 80 : i32
    %add3A_16 = arith.addi %mul3A_2, %add3A_15 : i32
    %dma_start3A_17 = arith.constant 0 : i32
    %dma_start3A_18 = tpu.memref_slice %arg10[%add3A_16, %dma_start3A_17] : memref<10000x128xf32, #tpu.memory_space<vmem_shared>> -> memref<80x128xf32, #tpu.memory_space<vmem_shared>>
    %dma_start3A_19 = arith.constant 0 : i32
    %dma_start3A_20 = tpu.memref_slice %arg10[%add3A_16, %dma_start3A_19] : memref<10000x128xf32, #tpu.memory_space<vmem_shared>> -> memref<80x128xf32, #tpu.memory_space<vmem_shared>>
    tpu.enqueue_dma source(%arg8 : memref<80x128xf32, #tpu.memory_space<vmem>>) target(%dma_start3A_20 : memref<80x128xf32, #tpu.memory_space<vmem_shared>>) target_semaphore(%arg11 : memref<!tpu.dma_semaphore, #tpu.memory_space<semaphore_mem>>)
    %add3A_21 = arith.constant 160 : i32
    %add3A_22 = arith.addi %mul3A_2, %add3A_21 : i32
    %dma_start3A_23 = arith.constant 0 : i32
    %dma_start3A_24 = tpu.memref_slice %arg10[%add3A_22, %dma_start3A_23] : memref<10000x128xf32, #tpu.memory_space<vmem_shared>> -> memref<80x128xf32, #tpu.memory_space<vmem_shared>>
    %dma_start3A_25 = arith.constant 0 : i32
    %dma_start3A_26 = tpu.memref_slice %arg10[%add3A_22, %dma_start3A_25] : memref<10000x128xf32, #tpu.memory_space<vmem_shared>> -> memref<80x128xf32, #tpu.memory_space<vmem_shared>>
    tpu.enqueue_dma source(%arg8 : memref<80x128xf32, #tpu.memory_space<vmem>>) target(%dma_start3A_26 : memref<80x128xf32, #tpu.memory_space<vmem_shared>>) target_semaphore(%arg11 : memref<!tpu.dma_semaphore, #tpu.memory_space<semaphore_mem>>)
    %add3A_27 = arith.constant 240 : i32
    %add3A_28 = arith.addi %mul3A_2, %add3A_27 : i32
    %dma_start3A_29 = arith.constant 0 : i32
    %dma_start3A_30 = tpu.memref_slice %arg10[%add3A_28, %dma_start3A_29] : memref<10000x128xf32, #tpu.memory_space<vmem_shared>> -> memref<80x128xf32, #tpu.memory_space<vmem_shared>>
    %dma_start3A_31 = arith.constant 0 : i32
    %dma_start3A_32 = tpu.memref_slice %arg10[%add3A_28, %dma_start3A_31] : memref<10000x128xf32, #tpu.memory_space<vmem_shared>> -> memref<80x128xf32, #tpu.memory_space<vmem_shared>>
    tpu.enqueue_dma source(%arg8 : memref<80x128xf32, #tpu.memory_space<vmem>>) target(%dma_start3A_32 : memref<80x128xf32, #tpu.memory_space<vmem_shared>>) target_semaphore(%arg11 : memref<!tpu.dma_semaphore, #tpu.memory_space<semaphore_mem>>)
    %add3A_33 = arith.constant 320 : i32
    %add3A_34 = arith.addi %mul3A_2, %add3A_33 : i32
    %dma_start3A_35 = arith.constant 0 : i32
    %dma_start3A_36 = tpu.memref_slice %arg10[%add3A_34, %dma_start3A_35] : memref<10000x128xf32, #tpu.memory_space<vmem_shared>> -> memref<80x128xf32, #tpu.memory_space<vmem_shared>>
    %dma_start3A_37 = arith.constant 0 : i32
    %dma_start3A_38 = tpu.memref_slice %arg10[%add3A_34, %dma_start3A_37] : memref<10000x128xf32, #tpu.memory_space<vmem_shared>> -> memref<80x128xf32, #tpu.memory_space<vmem_shared>>
    tpu.enqueue_dma source(%arg8 : memref<80x128xf32, #tpu.memory_space<vmem>>) target(%dma_start3A_38 : memref<80x128xf32, #tpu.memory_space<vmem_shared>>) target_semaphore(%arg11 : memref<!tpu.dma_semaphore, #tpu.memory_space<semaphore_mem>>)
    %add3A_39 = arith.constant 400 : i32
    %add3A_40 = arith.addi %mul3A_2, %add3A_39 : i32
    %dma_start3A_41 = arith.constant 0 : i32
    %dma_start3A_42 = tpu.memref_slice %arg10[%add3A_40, %dma_start3A_41] : memref<10000x128xf32, #tpu.memory_space<vmem_shared>> -> memref<80x128xf32, #tpu.memory_space<vmem_shared>>
    %dma_start3A_43 = arith.constant 0 : i32
    %dma_start3A_44 = tpu.memref_slice %arg10[%add3A_40, %dma_start3A_43] : memref<10000x128xf32, #tpu.memory_space<vmem_shared>> -> memref<80x128xf32, #tpu.memory_space<vmem_shared>>
    tpu.enqueue_dma source(%arg8 : memref<80x128xf32, #tpu.memory_space<vmem>>) target(%dma_start3A_44 : memref<80x128xf32, #tpu.memory_space<vmem_shared>>) target_semaphore(%arg11 : memref<!tpu.dma_semaphore, #tpu.memory_space<semaphore_mem>>)
    %add3A_45 = arith.constant 480 : i32
    %add3A_46 = arith.addi %mul3A_2, %add3A_45 : i32
    %dma_start3A_47 = arith.constant 0 : i32
    %dma_start3A_48 = tpu.memref_slice %arg10[%add3A_46, %dma_start3A_47] : memref<10000x128xf32, #tpu.memory_space<vmem_shared>> -> memref<80x128xf32, #tpu.memory_space<vmem_shared>>
    %dma_start3A_49 = arith.constant 0 : i32
    %dma_start3A_50 = tpu.memref_slice %arg10[%add3A_46, %dma_start3A_49] : memref<10000x128xf32, #tpu.memory_space<vmem_shared>> -> memref<80x128xf32, #tpu.memory_space<vmem_shared>>
    tpu.enqueue_dma source(%arg8 : memref<80x128xf32, #tpu.memory_space<vmem>>) target(%dma_start3A_50 : memref<80x128xf32, #tpu.memory_space<vmem_shared>>) target_semaphore(%arg11 : memref<!tpu.dma_semaphore, #tpu.memory_space<semaphore_mem>>)
    %add3A_51 = arith.constant 560 : i32
    %add3A_52 = arith.addi %mul3A_2, %add3A_51 : i32
    %dma_start3A_53 = arith.constant 0 : i32
    %dma_start3A_54 = arith.constant 0 : i32
    %dma_start3A_55 = tpu.memref_slice %arg8[%dma_start3A_53, %dma_start3A_54] : memref<80x128xf32, #tpu.memory_space<vmem>> -> memref<64x128xf32, #tpu.memory_space<vmem>>
    %dma_start3A_56 = arith.constant 0 : i32
    %dma_start3A_57 = tpu.memref_slice %arg10[%add3A_52, %dma_start3A_56] : memref<10000x128xf32, #tpu.memory_space<vmem_shared>> -> memref<64x128xf32, #tpu.memory_space<vmem_shared>>
    %dma_start3A_58 = arith.constant 0 : i32
    %dma_start3A_59 = tpu.memref_slice %arg10[%add3A_52, %dma_start3A_58] : memref<10000x128xf32, #tpu.memory_space<vmem_shared>> -> memref<64x128xf32, #tpu.memory_space<vmem_shared>>
    %dma_start3A_60 = arith.constant 0 : i32
    %dma_start3A_61 = arith.constant 0 : i32
    %dma_start3A_62 = tpu.memref_slice %arg8[%dma_start3A_60, %dma_start3A_61] : memref<80x128xf32, #tpu.memory_space<vmem>> -> memref<64x128xf32, #tpu.memory_space<vmem>>
    tpu.enqueue_dma source(%dma_start3A_62 : memref<64x128xf32, #tpu.memory_space<vmem>>) target(%dma_start3A_59 : memref<64x128xf32, #tpu.memory_space<vmem_shared>>) target_semaphore(%arg12 : memref<!tpu.dma_semaphore, #tpu.memory_space<semaphore_mem>>)
    %eq3A = arith.constant 0 : i32
    %eq3A_63 = arith.cmpi eq, %arg1, %eq3A : i32
    %convert_element_type3A = arith.extui %eq3A_63 : i1 to i32
    %cond3A = arith.constant 0 : i32
    %cond3A_64 = arith.cmpi ne, %convert_element_type3A, %cond3A : i32
    scf.if %cond3A_64 {
      "tpu.region"() ({
        %run_scoped3A_127 = tpu.sem_alloc : memref<!tpu.dma_semaphore, #tpu.memory_space<semaphore_mem>>
        %dma_start3A_128 = arith.constant 0 : i32
        %dma_start3A_129 = arith.constant 0 : i32
        %dma_start3A_130 = tpu.memref_slice %arg8[%dma_start3A_128, %dma_start3A_129] : memref<80x128xf32, #tpu.memory_space<vmem>> -> memref<16x128xf32, #tpu.memory_space<vmem>>
        %dma_start3A_131 = arith.constant 9984 : i32
        %dma_start3A_132 = arith.constant 0 : i32
        %dma_start3A_133 = tpu.memref_slice %arg10[%dma_start3A_131, %dma_start3A_132] : memref<10000x128xf32, #tpu.memory_space<vmem_shared>> -> memref<16x128xf32, #tpu.memory_space<vmem_shared>>
        %dma_start3A_134 = arith.constant 9984 : i32
        %dma_start3A_135 = arith.constant 0 : i32
        %dma_start3A_136 = tpu.memref_slice %arg10[%dma_start3A_134, %dma_start3A_135] : memref<10000x128xf32, #tpu.memory_space<vmem_shared>> -> memref<16x128xf32, #tpu.memory_space<vmem_shared>>
        %dma_start3A_137 = arith.constant 0 : i32
        %dma_start3A_138 = arith.constant 0 : i32
        %dma_start3A_139 = tpu.memref_slice %arg8[%dma_start3A_137, %dma_start3A_138] : memref<80x128xf32, #tpu.memory_space<vmem>> -> memref<16x128xf32, #tpu.memory_space<vmem>>
        tpu.enqueue_dma source(%dma_start3A_139 : memref<16x128xf32, #tpu.memory_space<vmem>>) target(%dma_start3A_136 : memref<16x128xf32, #tpu.memory_space<vmem_shared>>) target_semaphore(%run_scoped3A_127 : memref<!tpu.dma_semaphore, #tpu.memory_space<semaphore_mem>>)
        %dma_wait3A_140 = arith.constant 0 : i32
        %dma_wait3A_141 = arith.constant 0 : i32
        %dma_wait3A_142 = tpu.memref_slice %arg8[%dma_wait3A_140, %dma_wait3A_141] : memref<80x128xf32, #tpu.memory_space<vmem>> -> memref<16x128xf32, #tpu.memory_space<vmem>>
        %dma_wait3A_143 = arith.constant 9984 : i32
        %dma_wait3A_144 = arith.constant 0 : i32
        %dma_wait3A_145 = tpu.memref_slice %arg10[%dma_wait3A_143, %dma_wait3A_144] : memref<10000x128xf32, #tpu.memory_space<vmem_shared>> -> memref<16x128xf32, #tpu.memory_space<vmem_shared>>
        %dma_wait3A_146 = arith.constant 9984 : i32
        %dma_wait3A_147 = arith.constant 0 : i32
        %dma_wait3A_148 = tpu.memref_slice %arg10[%dma_wait3A_146, %dma_wait3A_147] : memref<10000x128xf32, #tpu.memory_space<vmem_shared>> -> memref<16x128xf32, #tpu.memory_space<vmem_shared>>
        %dma_wait3A_149 = arith.constant 0 : i32
        %dma_wait3A_150 = arith.constant 0 : i32
        %dma_wait3A_151 = tpu.memref_slice %arg8[%dma_wait3A_149, %dma_wait3A_150] : memref<80x128xf32, #tpu.memory_space<vmem>> -> memref<16x128xf32, #tpu.memory_space<vmem>>
        tpu.wait_dma2 semaphore(%run_scoped3A_127 : memref<!tpu.dma_semaphore, #tpu.memory_space<semaphore_mem>>) src(%dma_wait3A_151 : memref<16x128xf32, #tpu.memory_space<vmem>>) dst(%dma_wait3A_148 : memref<16x128xf32, #tpu.memory_space<vmem_shared>>)
        tpu.yield
      }) : () -> ()
    } else {
    }
    %dma_wait3A = arith.constant 0 : i32
    %dma_wait3A_65 = tpu.memref_slice %arg10[%mul3A_2, %dma_wait3A] : memref<10000x128xf32, #tpu.memory_space<vmem_shared>> -> memref<80x128xf32, #tpu.memory_space<vmem_shared>>
    %dma_wait3A_66 = arith.constant 0 : i32
    %dma_wait3A_67 = tpu.memref_slice %arg10[%mul3A_2, %dma_wait3A_66] : memref<10000x128xf32, #tpu.memory_space<vmem_shared>> -> memref<80x128xf32, #tpu.memory_space<vmem_shared>>
    tpu.wait_dma2 semaphore(%arg11 : memref<!tpu.dma_semaphore, #tpu.memory_space<semaphore_mem>>) src(%arg8 : memref<80x128xf32, #tpu.memory_space<vmem>>) dst(%dma_wait3A_67 : memref<80x128xf32, #tpu.memory_space<vmem_shared>>)
    %dma_wait3A_68 = arith.constant 0 : i32
    %dma_wait3A_69 = tpu.memref_slice %arg10[%mul3A_2, %dma_wait3A_68] : memref<10000x128xf32, #tpu.memory_space<vmem_shared>> -> memref<80x128xf32, #tpu.memory_space<vmem_shared>>
    %dma_wait3A_70 = arith.constant 0 : i32
    %dma_wait3A_71 = tpu.memref_slice %arg10[%mul3A_2, %dma_wait3A_70] : memref<10000x128xf32, #tpu.memory_space<vmem_shared>> -> memref<80x128xf32, #tpu.memory_space<vmem_shared>>
    tpu.wait_dma2 semaphore(%arg11 : memref<!tpu.dma_semaphore, #tpu.memory_space<semaphore_mem>>) src(%arg8 : memref<80x128xf32, #tpu.memory_space<vmem>>) dst(%dma_wait3A_71 : memref<80x128xf32, #tpu.memory_space<vmem_shared>>)
    %dma_wait3A_72 = arith.constant 0 : i32
    %dma_wait3A_73 = tpu.memref_slice %arg10[%mul3A_2, %dma_wait3A_72] : memref<10000x128xf32, #tpu.memory_space<vmem_shared>> -> memref<80x128xf32, #tpu.memory_space<vmem_shared>>
    %dma_wait3A_74 = arith.constant 0 : i32
    %dma_wait3A_75 = tpu.memref_slice %arg10[%mul3A_2, %dma_wait3A_74] : memref<10000x128xf32, #tpu.memory_space<vmem_shared>> -> memref<80x128xf32, #tpu.memory_space<vmem_shared>>
    tpu.wait_dma2 semaphore(%arg11 : memref<!tpu.dma_semaphore, #tpu.memory_space<semaphore_mem>>) src(%arg8 : memref<80x128xf32, #tpu.memory_space<vmem>>) dst(%dma_wait3A_75 : memref<80x128xf32, #tpu.memory_space<vmem_shared>>)
    %dma_wait3A_76 = arith.constant 0 : i32
    %dma_wait3A_77 = tpu.memref_slice %arg10[%mul3A_2, %dma_wait3A_76] : memref<10000x128xf32, #tpu.memory_space<vmem_shared>> -> memref<80x128xf32, #tpu.memory_space<vmem_shared>>
    %dma_wait3A_78 = arith.constant 0 : i32
    %dma_wait3A_79 = tpu.memref_slice %arg10[%mul3A_2, %dma_wait3A_78] : memref<10000x128xf32, #tpu.memory_space<vmem_shared>> -> memref<80x128xf32, #tpu.memory_space<vmem_shared>>
    tpu.wait_dma2 semaphore(%arg11 : memref<!tpu.dma_semaphore, #tpu.memory_space<semaphore_mem>>) src(%arg8 : memref<80x128xf32, #tpu.memory_space<vmem>>) dst(%dma_wait3A_79 : memref<80x128xf32, #tpu.memory_space<vmem_shared>>)
    %dma_wait3A_80 = arith.constant 0 : i32
    %dma_wait3A_81 = tpu.memref_slice %arg10[%mul3A_2, %dma_wait3A_80] : memref<10000x128xf32, #tpu.memory_space<vmem_shared>> -> memref<80x128xf32, #tpu.memory_space<vmem_shared>>
    %dma_wait3A_82 = arith.constant 0 : i32
    %dma_wait3A_83 = tpu.memref_slice %arg10[%mul3A_2, %dma_wait3A_82] : memref<10000x128xf32, #tpu.memory_space<vmem_shared>> -> memref<80x128xf32, #tpu.memory_space<vmem_shared>>
    tpu.wait_dma2 semaphore(%arg11 : memref<!tpu.dma_semaphore, #tpu.memory_space<semaphore_mem>>) src(%arg8 : memref<80x128xf32, #tpu.memory_space<vmem>>) dst(%dma_wait3A_83 : memref<80x128xf32, #tpu.memory_space<vmem_shared>>)
    %dma_wait3A_84 = arith.constant 0 : i32
    %dma_wait3A_85 = tpu.memref_slice %arg10[%mul3A_2, %dma_wait3A_84] : memref<10000x128xf32, #tpu.memory_space<vmem_shared>> -> memref<80x128xf32, #tpu.memory_space<vmem_shared>>
    %dma_wait3A_86 = arith.constant 0 : i32
    %dma_wait3A_87 = tpu.memref_slice %arg10[%mul3A_2, %dma_wait3A_86] : memref<10000x128xf32, #tpu.memory_space<vmem_shared>> -> memref<80x128xf32, #tpu.memory_space<vmem_shared>>
    tpu.wait_dma2 semaphore(%arg11 : memref<!tpu.dma_semaphore, #tpu.memory_space<semaphore_mem>>) src(%arg8 : memref<80x128xf32, #tpu.memory_space<vmem>>) dst(%dma_wait3A_87 : memref<80x128xf32, #tpu.memory_space<vmem_shared>>)
    %dma_wait3A_88 = arith.constant 0 : i32
    %dma_wait3A_89 = tpu.memref_slice %arg10[%mul3A_2, %dma_wait3A_88] : memref<10000x128xf32, #tpu.memory_space<vmem_shared>> -> memref<80x128xf32, #tpu.memory_space<vmem_shared>>
    %dma_wait3A_90 = arith.constant 0 : i32
    %dma_wait3A_91 = tpu.memref_slice %arg10[%mul3A_2, %dma_wait3A_90] : memref<10000x128xf32, #tpu.memory_space<vmem_shared>> -> memref<80x128xf32, #tpu.memory_space<vmem_shared>>
    tpu.wait_dma2 semaphore(%arg11 : memref<!tpu.dma_semaphore, #tpu.memory_space<semaphore_mem>>) src(%arg8 : memref<80x128xf32, #tpu.memory_space<vmem>>) dst(%dma_wait3A_91 : memref<80x128xf32, #tpu.memory_space<vmem_shared>>)
    %dma_wait3A_92 = arith.constant 0 : i32
    %dma_wait3A_93 = arith.constant 0 : i32
    %dma_wait3A_94 = tpu.memref_slice %arg8[%dma_wait3A_92, %dma_wait3A_93] : memref<80x128xf32, #tpu.memory_space<vmem>> -> memref<64x128xf32, #tpu.memory_space<vmem>>
    %dma_wait3A_95 = arith.constant 0 : i32
    %dma_wait3A_96 = tpu.memref_slice %arg10[%mul3A_2, %dma_wait3A_95] : memref<10000x128xf32, #tpu.memory_space<vmem_shared>> -> memref<64x128xf32, #tpu.memory_space<vmem_shared>>
    %dma_wait3A_97 = arith.constant 0 : i32
    %dma_wait3A_98 = tpu.memref_slice %arg10[%mul3A_2, %dma_wait3A_97] : memref<10000x128xf32, #tpu.memory_space<vmem_shared>> -> memref<64x128xf32, #tpu.memory_space<vmem_shared>>
    %dma_wait3A_99 = arith.constant 0 : i32
    %dma_wait3A_100 = arith.constant 0 : i32
    %dma_wait3A_101 = tpu.memref_slice %arg8[%dma_wait3A_99, %dma_wait3A_100] : memref<80x128xf32, #tpu.memory_space<vmem>> -> memref<64x128xf32, #tpu.memory_space<vmem>>
    tpu.wait_dma2 semaphore(%arg12 : memref<!tpu.dma_semaphore, #tpu.memory_space<semaphore_mem>>) src(%dma_wait3A_101 : memref<64x128xf32, #tpu.memory_space<vmem>>) dst(%dma_wait3A_98 : memref<64x128xf32, #tpu.memory_space<vmem_shared>>)
    %dma_start3A_102 = arith.constant 0 : i32
    %dma_start3A_103 = tpu.memref_slice %arg6[%dma_start3A_102] : memref<10000xi32, #tpu.memory_space<vmem>> -> memref<80xi32, #tpu.memory_space<vmem>>
    %dma_start3A_104 = arith.constant 0 : i32
    %dma_start3A_105 = arith.constant 0 : i32
    %dma_start3A_106 = tpu.memref_slice %arg2[%dma_start3A_104, %dma_start3A_105] : memref<10000x128xf32, #tpu.memory_space<hbm>> -> memref<10000x128xf32, #tpu.memory_space<hbm>>
    tpu.enqueue_indirect_dma source(%dma_start3A_106 : memref<10000x128xf32, #tpu.memory_space<hbm>>) target(%arg8 : memref<80x128xf32, #tpu.memory_space<vmem>>) offsets(%dma_start3A_103 : memref<80xi32, #tpu.memory_space<vmem>>) semaphore(%arg11 : memref<!tpu.dma_semaphore, #tpu.memory_space<semaphore_mem>>)
    %barrier3A = arith.constant 0 : index
    tpu.barrier barrier_id(%barrier3A)
    %scan3A_107 = arith.constant 0 : i32
    %scan3A_108 = arith.constant 0 : i32
    %scan3A_109 = arith.constant 62 : i32
    %scan3A_110 = arith.addi %scan3A_108, %scan3A_109 : i32
    %scan3A_111 = arith.constant 1 : i32
    scf.for %scan3A_127 = %scan3A_108 to %scan3A_110 step %scan3A_111  : i32 {
      %mul3A_128 = arith.constant 2 : i32
      %mul3A_129 = arith.muli %mul3A_128, %scan3A_127 : i32
      %add3A_130 = arith.constant 1 : i32
      %add3A_131 = arith.addi %mul3A_129, %add3A_130 : i32
      %mul3A_132 = arith.constant 80 : i32
      %mul3A_133 = arith.muli %add3A_131, %mul3A_132 : i32
      %dma_start3A_134 = tpu.memref_slice %arg6[%mul3A_133] : memref<10000xi32, #tpu.memory_space<vmem>> -> memref<80xi32, #tpu.memory_space<vmem>>
      %dma_start3A_135 = arith.constant 0 : i32
      %dma_start3A_136 = arith.constant 0 : i32
      %dma_start3A_137 = tpu.memref_slice %arg2[%dma_start3A_135, %dma_start3A_136] : memref<10000x128xf32, #tpu.memory_space<hbm>> -> memref<10000x128xf32, #tpu.memory_space<hbm>>
      tpu.enqueue_indirect_dma source(%dma_start3A_137 : memref<10000x128xf32, #tpu.memory_space<hbm>>) target(%arg9 : memref<80x128xf32, #tpu.memory_space<vmem>>) offsets(%dma_start3A_134 : memref<80xi32, #tpu.memory_space<vmem>>) semaphore(%arg12 : memref<!tpu.dma_semaphore, #tpu.memory_space<semaphore_mem>>)
      %dma_wait3A_138 = arith.constant 0 : i32
      %dma_wait3A_139 = tpu.memref_slice %arg6[%dma_wait3A_138] : memref<10000xi32, #tpu.memory_space<vmem>> -> memref<80xi32, #tpu.memory_space<vmem>>
      %dma_wait3A_140 = arith.constant 0 : i32
      %dma_wait3A_141 = arith.constant 0 : i32
      %dma_wait3A_142 = tpu.memref_slice %arg2[%dma_wait3A_140, %dma_wait3A_141] : memref<10000x128xf32, #tpu.memory_space<hbm>> -> memref<10000x128xf32, #tpu.memory_space<hbm>>
      tpu.wait_indirect_dma semaphore(%arg11 : memref<!tpu.dma_semaphore, #tpu.memory_space<semaphore_mem>>) src(%dma_wait3A_142 : memref<10000x128xf32, #tpu.memory_space<hbm>>) dst(%arg8 : memref<80x128xf32, #tpu.memory_space<vmem>>)
      "tpu.region"() ({
        %run_scoped3A_157 = tpu.sem_alloc : memref<!tpu.dma_semaphore, #tpu.memory_space<semaphore_mem>>
        %dma_start3A_158 = arith.constant 0 : i32
        %dma_start3A_159 = tpu.memref_slice %arg7[%mul3A_129, %dma_start3A_158] : memref<125x80xi32, #tpu.memory_space<vmem>> -> memref<1x80xi32, #tpu.memory_space<vmem>>
        %dma_start3A_160 = tpu.memref_squeeze %dma_start3A_159 : memref<1x80xi32, #tpu.memory_space<vmem>> -> memref<80xi32, #tpu.memory_space<vmem>>
        %dma_start3A_161 = arith.constant 0 : i32
        %dma_start3A_162 = arith.constant 0 : i32
        %dma_start3A_163 = tpu.memref_slice %arg10[%dma_start3A_161, %dma_start3A_162] : memref<10000x128xf32, #tpu.memory_space<vmem_shared>> -> memref<10000x128xf32, #tpu.memory_space<vmem_shared>>
        tpu.enqueue_indirect_dma source(%arg8 : memref<80x128xf32, #tpu.memory_space<vmem>>) target(%dma_start3A_163 : memref<10000x128xf32, #tpu.memory_space<vmem_shared>>) offsets(%dma_start3A_160 : memref<80xi32, #tpu.memory_space<vmem>>) semaphore(%run_scoped3A_157 : memref<!tpu.dma_semaphore, #tpu.memory_space<semaphore_mem>>) {add = true}
        %dma_wait3A_164 = arith.constant 0 : i32
        %dma_wait3A_165 = tpu.memref_slice %arg7[%mul3A_129, %dma_wait3A_164] : memref<125x80xi32, #tpu.memory_space<vmem>> -> memref<1x80xi32, #tpu.memory_space<vmem>>
        %dma_wait3A_166 = tpu.memref_squeeze %dma_wait3A_165 : memref<1x80xi32, #tpu.memory_space<vmem>> -> memref<80xi32, #tpu.memory_space<vmem>>
        %dma_wait3A_167 = arith.constant 0 : i32
        %dma_wait3A_168 = arith.constant 0 : i32
        %dma_wait3A_169 = tpu.memref_slice %arg10[%dma_wait3A_167, %dma_wait3A_168] : memref<10000x128xf32, #tpu.memory_space<vmem_shared>> -> memref<10000x128xf32, #tpu.memory_space<vmem_shared>>
        tpu.wait_indirect_dma semaphore(%run_scoped3A_157 : memref<!tpu.dma_semaphore, #tpu.memory_space<semaphore_mem>>) src(%arg8 : memref<80x128xf32, #tpu.memory_space<vmem>>) dst(%dma_wait3A_169 : memref<10000x128xf32, #tpu.memory_space<vmem_shared>>)
        tpu.yield
      }) : () -> ()
      %add3A_143 = arith.constant 2 : i32
      %add3A_144 = arith.addi %mul3A_129, %add3A_143 : i32
      %mul3A_145 = arith.constant 80 : i32
      %mul3A_146 = arith.muli %add3A_144, %mul3A_145 : i32
      %dma_start3A_147 = tpu.memref_slice %arg6[%mul3A_146] : memref<10000xi32, #tpu.memory_space<vmem>> -> memref<80xi32, #tpu.memory_space<vmem>>
      %dma_start3A_148 = arith.constant 0 : i32
      %dma_start3A_149 = arith.constant 0 : i32
      %dma_start3A_150 = tpu.memref_slice %arg2[%dma_start3A_148, %dma_start3A_149] : memref<10000x128xf32, #tpu.memory_space<hbm>> -> memref<10000x128xf32, #tpu.memory_space<hbm>>
      tpu.enqueue_indirect_dma source(%dma_start3A_150 : memref<10000x128xf32, #tpu.memory_space<hbm>>) target(%arg8 : memref<80x128xf32, #tpu.memory_space<vmem>>) offsets(%dma_start3A_147 : memref<80xi32, #tpu.memory_space<vmem>>) semaphore(%arg11 : memref<!tpu.dma_semaphore, #tpu.memory_space<semaphore_mem>>)
      %dma_wait3A_151 = tpu.memref_slice %arg6[%mul3A_133] : memref<10000xi32, #tpu.memory_space<vmem>> -> memref<80xi32, #tpu.memory_space<vmem>>
      %dma_wait3A_152 = arith.constant 0 : i32
      %dma_wait3A_153 = arith.constant 0 : i32
      %dma_wait3A_154 = tpu.memref_slice %arg2[%dma_wait3A_152, %dma_wait3A_153] : memref<10000x128xf32, #tpu.memory_space<hbm>> -> memref<10000x128xf32, #tpu.memory_space<hbm>>
      tpu.wait_indirect_dma semaphore(%arg12 : memref<!tpu.dma_semaphore, #tpu.memory_space<semaphore_mem>>) src(%dma_wait3A_154 : memref<10000x128xf32, #tpu.memory_space<hbm>>) dst(%arg9 : memref<80x128xf32, #tpu.memory_space<vmem>>)
      %add3A_155 = arith.constant 1 : i32
      %add3A_156 = arith.addi %mul3A_129, %add3A_155 : i32
      "tpu.region"() ({
        %run_scoped3A_157 = tpu.sem_alloc : memref<!tpu.dma_semaphore, #tpu.memory_space<semaphore_mem>>
        %dma_start3A_158 = arith.constant 0 : i32
        %dma_start3A_159 = tpu.memref_slice %arg7[%add3A_156, %dma_start3A_158] : memref<125x80xi32, #tpu.memory_space<vmem>> -> memref<1x80xi32, #tpu.memory_space<vmem>>
        %dma_start3A_160 = tpu.memref_squeeze %dma_start3A_159 : memref<1x80xi32, #tpu.memory_space<vmem>> -> memref<80xi32, #tpu.memory_space<vmem>>
        %dma_start3A_161 = arith.constant 0 : i32
        %dma_start3A_162 = arith.constant 0 : i32
        %dma_start3A_163 = tpu.memref_slice %arg10[%dma_start3A_161, %dma_start3A_162] : memref<10000x128xf32, #tpu.memory_space<vmem_shared>> -> memref<10000x128xf32, #tpu.memory_space<vmem_shared>>
        tpu.enqueue_indirect_dma source(%arg9 : memref<80x128xf32, #tpu.memory_space<vmem>>) target(%dma_start3A_163 : memref<10000x128xf32, #tpu.memory_space<vmem_shared>>) offsets(%dma_start3A_160 : memref<80xi32, #tpu.memory_space<vmem>>) semaphore(%run_scoped3A_157 : memref<!tpu.dma_semaphore, #tpu.memory_space<semaphore_mem>>) {add = true}
        %dma_wait3A_164 = arith.constant 0 : i32
        %dma_wait3A_165 = tpu.memref_slice %arg7[%add3A_156, %dma_wait3A_164] : memref<125x80xi32, #tpu.memory_space<vmem>> -> memref<1x80xi32, #tpu.memory_space<vmem>>
        %dma_wait3A_166 = tpu.memref_squeeze %dma_wait3A_165 : memref<1x80xi32, #tpu.memory_space<vmem>> -> memref<80xi32, #tpu.memory_space<vmem>>
        %dma_wait3A_167 = arith.constant 0 : i32
        %dma_wait3A_168 = arith.constant 0 : i32
        %dma_wait3A_169 = tpu.memref_slice %arg10[%dma_wait3A_167, %dma_wait3A_168] : memref<10000x128xf32, #tpu.memory_space<vmem_shared>> -> memref<10000x128xf32, #tpu.memory_space<vmem_shared>>
        tpu.wait_indirect_dma semaphore(%run_scoped3A_157 : memref<!tpu.dma_semaphore, #tpu.memory_space<semaphore_mem>>) src(%arg9 : memref<80x128xf32, #tpu.memory_space<vmem>>) dst(%dma_wait3A_169 : memref<10000x128xf32, #tpu.memory_space<vmem_shared>>)
        tpu.yield
      }) : () -> ()
    }
    %scan3A_112 = arith.constant 62 : i32
    %dma_wait3A_113 = arith.constant 0 : i32
    %dma_wait3A_114 = tpu.memref_slice %arg6[%dma_wait3A_113] : memref<10000xi32, #tpu.memory_space<vmem>> -> memref<80xi32, #tpu.memory_space<vmem>>
    %dma_wait3A_115 = arith.constant 0 : i32
    %dma_wait3A_116 = arith.constant 0 : i32
    %dma_wait3A_117 = tpu.memref_slice %arg2[%dma_wait3A_115, %dma_wait3A_116] : memref<10000x128xf32, #tpu.memory_space<hbm>> -> memref<10000x128xf32, #tpu.memory_space<hbm>>
    tpu.wait_indirect_dma semaphore(%arg11 : memref<!tpu.dma_semaphore, #tpu.memory_space<semaphore_mem>>) src(%dma_wait3A_117 : memref<10000x128xf32, #tpu.memory_space<hbm>>) dst(%arg8 : memref<80x128xf32, #tpu.memory_space<vmem>>)
    %run_scoped3A = arith.constant 124 : i32
    "tpu.region"() ({
      %run_scoped3A_127 = tpu.sem_alloc : memref<!tpu.dma_semaphore, #tpu.memory_space<semaphore_mem>>
      %dma_start3A_128 = arith.constant 0 : i32
      %dma_start3A_129 = tpu.memref_slice %arg7[%run_scoped3A, %dma_start3A_128] : memref<125x80xi32, #tpu.memory_space<vmem>> -> memref<1x80xi32, #tpu.memory_space<vmem>>
      %dma_start3A_130 = tpu.memref_squeeze %dma_start3A_129 : memref<1x80xi32, #tpu.memory_space<vmem>> -> memref<80xi32, #tpu.memory_space<vmem>>
      %dma_start3A_131 = arith.constant 0 : i32
      %dma_start3A_132 = arith.constant 0 : i32
      %dma_start3A_133 = tpu.memref_slice %arg10[%dma_start3A_131, %dma_start3A_132] : memref<10000x128xf32, #tpu.memory_space<vmem_shared>> -> memref<10000x128xf32, #tpu.memory_space<vmem_shared>>
      tpu.enqueue_indirect_dma source(%arg8 : memref<80x128xf32, #tpu.memory_space<vmem>>) target(%dma_start3A_133 : memref<10000x128xf32, #tpu.memory_space<vmem_shared>>) offsets(%dma_start3A_130 : memref<80xi32, #tpu.memory_space<vmem>>) semaphore(%run_scoped3A_127 : memref<!tpu.dma_semaphore, #tpu.memory_space<semaphore_mem>>) {add = true}
      %dma_wait3A_134 = arith.constant 0 : i32
      %dma_wait3A_135 = tpu.memref_slice %arg7[%run_scoped3A, %dma_wait3A_134] : memref<125x80xi32, #tpu.memory_space<vmem>> -> memref<1x80xi32, #tpu.memory_space<vmem>>
      %dma_wait3A_136 = tpu.memref_squeeze %dma_wait3A_135 : memref<1x80xi32, #tpu.memory_space<vmem>> -> memref<80xi32, #tpu.memory_space<vmem>>
      %dma_wait3A_137 = arith.constant 0 : i32
      %dma_wait3A_138 = arith.constant 0 : i32
      %dma_wait3A_139 = tpu.memref_slice %arg10[%dma_wait3A_137, %dma_wait3A_138] : memref<10000x128xf32, #tpu.memory_space<vmem_shared>> -> memref<10000x128xf32, #tpu.memory_space<vmem_shared>>
      tpu.wait_indirect_dma semaphore(%run_scoped3A_127 : memref<!tpu.dma_semaphore, #tpu.memory_space<semaphore_mem>>) src(%arg8 : memref<80x128xf32, #tpu.memory_space<vmem>>) dst(%dma_wait3A_139 : memref<10000x128xf32, #tpu.memory_space<vmem_shared>>)
      tpu.yield
    }) : () -> ()
    %barrier3A_118 = arith.constant 0 : index
    tpu.barrier barrier_id(%barrier3A_118)
    %mul3A_119 = arith.constant 10000 : i32
    %mul3A_120 = arith.muli %arg0, %mul3A_119 : i32
    %add3A_121 = arith.addi %mul3A_120, %mul3A_2 : i32
    "tpu.region"() ({
      %run_scoped3A_127 = tpu.sem_alloc : memref<!tpu.dma_semaphore, #tpu.memory_space<semaphore_mem>>
      %dma_start3A_128 = arith.constant 0 : i32
      %dma_start3A_129 = tpu.memref_slice %arg5[%add3A_121, %dma_start3A_128] : memref<20000x128xf32, #tpu.memory_space<hbm>> -> memref<624x128xf32, #tpu.memory_space<hbm>>
      %dma_start3A_130 = arith.constant 0 : i32
      %dma_start3A_131 = tpu.memref_slice %arg10[%mul3A_2, %dma_start3A_130] : memref<10000x128xf32, #tpu.memory_space<vmem_shared>> -> memref<624x128xf32, #tpu.memory_space<vmem_shared>>
      tpu.enqueue_dma source(%dma_start3A_131 : memref<624x128xf32, #tpu.memory_space<vmem_shared>>) target(%dma_start3A_129 : memref<624x128xf32, #tpu.memory_space<hbm>>) target_semaphore(%run_scoped3A_127 : memref<!tpu.dma_semaphore, #tpu.memory_space<semaphore_mem>>)
      %dma_wait3A_132 = arith.constant 0 : i32
      %dma_wait3A_133 = tpu.memref_slice %arg5[%add3A_121, %dma_wait3A_132] : memref<20000x128xf32, #tpu.memory_space<hbm>> -> memref<624x128xf32, #tpu.memory_space<hbm>>
      %dma_wait3A_134 = arith.constant 0 : i32
      %dma_wait3A_135 = tpu.memref_slice %arg10[%mul3A_2, %dma_wait3A_134] : memref<10000x128xf32, #tpu.memory_space<vmem_shared>> -> memref<624x128xf32, #tpu.memory_space<vmem_shared>>
      tpu.wait_dma2 semaphore(%run_scoped3A_127 : memref<!tpu.dma_semaphore, #tpu.memory_space<semaphore_mem>>) src(%dma_wait3A_135 : memref<624x128xf32, #tpu.memory_space<vmem_shared>>) dst(%dma_wait3A_133 : memref<624x128xf32, #tpu.memory_space<hbm>>)
      tpu.yield
    }) : () -> ()
    %eq3A_122 = arith.constant 0 : i32
    %eq3A_123 = arith.cmpi eq, %arg1, %eq3A_122 : i32
    %convert_element_type3A_124 = arith.extui %eq3A_123 : i1 to i32
    %cond3A_125 = arith.constant 0 : i32
    %cond3A_126 = arith.cmpi ne, %convert_element_type3A_124, %cond3A_125 : i32
    scf.if %cond3A_126 {
      %mul3A_127 = arith.constant 10000 : i32
      %mul3A_128 = arith.muli %arg0, %mul3A_127 : i32
      %add3A_129 = arith.constant 9984 : i32
      %add3A_130 = arith.addi %mul3A_128, %add3A_129 : i32
      "tpu.region"() ({
        %run_scoped3A_131 = tpu.sem_alloc : memref<!tpu.dma_semaphore, #tpu.memory_space<semaphore_mem>>
        %dma_start3A_132 = arith.constant 0 : i32
        %dma_start3A_133 = tpu.memref_slice %arg5[%add3A_130, %dma_start3A_132] : memref<20000x128xf32, #tpu.memory_space<hbm>> -> memref<16x128xf32, #tpu.memory_space<hbm>>
        %dma_start3A_134 = arith.constant 9984 : i32
        %dma_start3A_135 = arith.constant 0 : i32
        %dma_start3A_136 = tpu.memref_slice %arg10[%dma_start3A_134, %dma_start3A_135] : memref<10000x128xf32, #tpu.memory_space<vmem_shared>> -> memref<16x128xf32, #tpu.memory_space<vmem_shared>>
        tpu.enqueue_dma source(%dma_start3A_136 : memref<16x128xf32, #tpu.memory_space<vmem_shared>>) target(%dma_start3A_133 : memref<16x128xf32, #tpu.memory_space<hbm>>) target_semaphore(%run_scoped3A_131 : memref<!tpu.dma_semaphore, #tpu.memory_space<semaphore_mem>>)
        %dma_wait3A_137 = arith.constant 0 : i32
        %dma_wait3A_138 = tpu.memref_slice %arg5[%add3A_130, %dma_wait3A_137] : memref<20000x128xf32, #tpu.memory_space<hbm>> -> memref<16x128xf32, #tpu.memory_space<hbm>>
        %dma_wait3A_139 = arith.constant 9984 : i32
        %dma_wait3A_140 = arith.constant 0 : i32
        %dma_wait3A_141 = tpu.memref_slice %arg10[%dma_wait3A_139, %dma_wait3A_140] : memref<10000x128xf32, #tpu.memory_space<vmem_shared>> -> memref<16x128xf32, #tpu.memory_space<vmem_shared>>
        tpu.wait_dma2 semaphore(%run_scoped3A_131 : memref<!tpu.dma_semaphore, #tpu.memory_space<semaphore_mem>>) src(%dma_wait3A_141 : memref<16x128xf32, #tpu.memory_space<vmem_shared>>) dst(%dma_wait3A_138 : memref<16x128xf32, #tpu.memory_space<hbm>>)
        tpu.yield
      }) : () -> ()
    } else {
    }
    return
  }
}

#map = affine_map<(d0, d1) -> (0, 0, 0)>
#map1 = affine_map<(d0, d1) -> (0, 0)>
module attributes {stable_mosaic.version = 14 : i64} {
  func.func @_hist_body(%arg0: i32, %arg1: i32, %arg2: memref<32x125x80xi32, #tpu.memory_space<hbm>>, %arg3: memref<32x125x80xi32, #tpu.memory_space<hbm>>, %arg4: memref<20000x128xf32, #tpu.memory_space<hbm>>, %arg5: memref<2x125x80xi32, #tpu.memory_space<vmem>>, %arg6: memref<80x128xf32, #tpu.memory_space<vmem>>, %arg7: memref<24x128xf32, #tpu.memory_space<vmem>>, %arg8: memref<10000x128xf32, #tpu.memory_space<vmem_shared>>, %arg9: memref<!tpu.dma_semaphore, #tpu.memory_space<semaphore_mem>>, %arg10: memref<!tpu.dma_semaphore, #tpu.memory_space<semaphore_mem>>) attributes {dimension_semantics = [#tpu.dimension_semantics<core_parallel>, #tpu.dimension_semantics<subcore_parallel>], iteration_bounds = array<i64: 2, 16>, scalar_prefetch = 0 : i64, scratch_operands = 6 : i64, tpu.core_type = #tpu.core_type<sc_vector_subcore>, window_params = [{transform_indices = #map}, {transform_indices = #map}, {transform_indices = #map1}]} {
    %mul3A = arith.constant 624 : i32
    %mul3A_0 = arith.muli %arg1, %mul3A : i32
    %eq3A = arith.constant 0 : i32
    %eq3A_1 = arith.cmpi eq, %arg0, %eq3A : i32
    %convert_element_type3A = arith.extui %eq3A_1 : i1 to i32
    %cond3A = arith.constant 0 : i32
    %cond3A_2 = arith.cmpi ne, %convert_element_type3A, %cond3A : i32
    scf.if %cond3A_2 {
      %mul3A_304 = arith.constant 2 : i32
      %mul3A_305 = arith.muli %mul3A_304, %arg1 : i32
      "tpu.region"() ({
        %run_scoped3A = tpu.sem_alloc : memref<!tpu.dma_semaphore, #tpu.memory_space<semaphore_mem>>
        %dma_start3A_306 = arith.constant 0 : i32
        %dma_start3A_307 = arith.constant 0 : i32
        %dma_start3A_308 = tpu.memref_slice %arg2[%mul3A_305, %dma_start3A_306, %dma_start3A_307] : memref<32x125x80xi32, #tpu.memory_space<hbm>> -> memref<2x125x80xi32, #tpu.memory_space<hbm>>
        %dma_start3A_309 = arith.constant 0 : i32
        %dma_start3A_310 = arith.constant 0 : i32
        %dma_start3A_311 = tpu.memref_slice %arg2[%mul3A_305, %dma_start3A_309, %dma_start3A_310] : memref<32x125x80xi32, #tpu.memory_space<hbm>> -> memref<2x125x80xi32, #tpu.memory_space<hbm>>
        tpu.enqueue_dma source(%dma_start3A_311 : memref<2x125x80xi32, #tpu.memory_space<hbm>>) target(%arg5 : memref<2x125x80xi32, #tpu.memory_space<vmem>>) target_semaphore(%run_scoped3A : memref<!tpu.dma_semaphore, #tpu.memory_space<semaphore_mem>>)
        %dma_wait3A_312 = arith.constant 0 : i32
        %dma_wait3A_313 = arith.constant 0 : i32
        %dma_wait3A_314 = tpu.memref_slice %arg2[%mul3A_305, %dma_wait3A_312, %dma_wait3A_313] : memref<32x125x80xi32, #tpu.memory_space<hbm>> -> memref<2x125x80xi32, #tpu.memory_space<hbm>>
        %dma_wait3A_315 = arith.constant 0 : i32
        %dma_wait3A_316 = arith.constant 0 : i32
        %dma_wait3A_317 = tpu.memref_slice %arg2[%mul3A_305, %dma_wait3A_315, %dma_wait3A_316] : memref<32x125x80xi32, #tpu.memory_space<hbm>> -> memref<2x125x80xi32, #tpu.memory_space<hbm>>
        tpu.wait_dma2 semaphore(%run_scoped3A : memref<!tpu.dma_semaphore, #tpu.memory_space<semaphore_mem>>) src(%dma_wait3A_317 : memref<2x125x80xi32, #tpu.memory_space<hbm>>) dst(%arg5 : memref<2x125x80xi32, #tpu.memory_space<vmem>>)
        tpu.yield
      }) : () -> ()
    } else {
    }
    %eq3A_3 = arith.constant 1 : i32
    %eq3A_4 = arith.cmpi eq, %arg0, %eq3A_3 : i32
    %convert_element_type3A_5 = arith.extui %eq3A_4 : i1 to i32
    %cond3A_6 = arith.constant 0 : i32
    %cond3A_7 = arith.cmpi ne, %convert_element_type3A_5, %cond3A_6 : i32
    scf.if %cond3A_7 {
      %mul3A_304 = arith.constant 2 : i32
      %mul3A_305 = arith.muli %mul3A_304, %arg1 : i32
      "tpu.region"() ({
        %run_scoped3A = tpu.sem_alloc : memref<!tpu.dma_semaphore, #tpu.memory_space<semaphore_mem>>
        %dma_start3A_306 = arith.constant 0 : i32
        %dma_start3A_307 = arith.constant 0 : i32
        %dma_start3A_308 = tpu.memref_slice %arg3[%mul3A_305, %dma_start3A_306, %dma_start3A_307] : memref<32x125x80xi32, #tpu.memory_space<hbm>> -> memref<2x125x80xi32, #tpu.memory_space<hbm>>
        %dma_start3A_309 = arith.constant 0 : i32
        %dma_start3A_310 = arith.constant 0 : i32
        %dma_start3A_311 = tpu.memref_slice %arg3[%mul3A_305, %dma_start3A_309, %dma_start3A_310] : memref<32x125x80xi32, #tpu.memory_space<hbm>> -> memref<2x125x80xi32, #tpu.memory_space<hbm>>
        tpu.enqueue_dma source(%dma_start3A_311 : memref<2x125x80xi32, #tpu.memory_space<hbm>>) target(%arg5 : memref<2x125x80xi32, #tpu.memory_space<vmem>>) target_semaphore(%run_scoped3A : memref<!tpu.dma_semaphore, #tpu.memory_space<semaphore_mem>>)
        %dma_wait3A_312 = arith.constant 0 : i32
        %dma_wait3A_313 = arith.constant 0 : i32
        %dma_wait3A_314 = tpu.memref_slice %arg3[%mul3A_305, %dma_wait3A_312, %dma_wait3A_313] : memref<32x125x80xi32, #tpu.memory_space<hbm>> -> memref<2x125x80xi32, #tpu.memory_space<hbm>>
        %dma_wait3A_315 = arith.constant 0 : i32
        %dma_wait3A_316 = arith.constant 0 : i32
        %dma_wait3A_317 = tpu.memref_slice %arg3[%mul3A_305, %dma_wait3A_315, %dma_wait3A_316] : memref<32x125x80xi32, #tpu.memory_space<hbm>> -> memref<2x125x80xi32, #tpu.memory_space<hbm>>
        tpu.wait_dma2 semaphore(%run_scoped3A : memref<!tpu.dma_semaphore, #tpu.memory_space<semaphore_mem>>) src(%dma_wait3A_317 : memref<2x125x80xi32, #tpu.memory_space<hbm>>) dst(%arg5 : memref<2x125x80xi32, #tpu.memory_space<vmem>>)
        tpu.yield
      }) : () -> ()
    } else {
    }
    %scan3A = arith.constant 0 : i32
    %scan3A_8 = arith.constant 0 : i32
    %scan3A_9 = arith.constant 80 : i32
    %scan3A_10 = arith.addi %scan3A_8, %scan3A_9 : i32
    %scan3A_11 = arith.constant 1 : i32
    scf.for %scan3A_304 = %scan3A_8 to %scan3A_10 step %scan3A_11  : i32 {
      %scan3A_305 = arith.constant 0 : i32
      %scan3A_306 = arith.constant 0 : i32
      %scan3A_307 = arith.constant 8 : i32
      %scan3A_308 = arith.addi %scan3A_306, %scan3A_307 : i32
      %scan3A_309 = arith.constant 1 : i32
      scf.for %scan3A_311 = %scan3A_306 to %scan3A_308 step %scan3A_309  : i32 {
        %broadcast_in_dim3A = arith.constant 1.000000e+00 : f32
        %broadcast_in_dim3A_312 = vector.broadcast %broadcast_in_dim3A : f32 to vector<16xf32>
        %mul3A_313 = arith.constant 16 : i32
        %mul3A_314 = arith.muli %scan3A_311, %mul3A_313 : i32
        %swap3A = arith.index_cast %scan3A_304 : i32 to index
        %swap3A_315 = arith.index_cast %mul3A_314 : i32 to index
        %swap3A_316 = tpu.vector_load %arg6[%swap3A, %swap3A_315] {strides = array<i32>} : memref<80x128xf32, #tpu.memory_space<vmem>>, vector<1x16xf32>,
        %swap3A_317 = vector.shape_cast %swap3A_316 : vector<1x16xf32> to vector<16xf32>
        %swap3A_318 = vector.shape_cast %broadcast_in_dim3A_312 : vector<16xf32> to vector<1x16xf32>
        tpu.vector_store %arg6[%swap3A, %swap3A_315], %swap3A_318 {strides = array<i32>} : memref<80x128xf32, #tpu.memory_space<vmem>>, vector<1x16xf32>,
      }
      %scan3A_310 = arith.constant 8 : i32
    }
    %scan3A_12 = arith.constant 80 : i32
    %scan3A_13 = arith.constant 0 : i32
    %scan3A_14 = arith.constant 0 : i32
    %scan3A_15 = arith.constant 24 : i32
    %scan3A_16 = arith.addi %scan3A_14, %scan3A_15 : i32
    %scan3A_17 = arith.constant 1 : i32
    scf.for %scan3A_304 = %scan3A_14 to %scan3A_16 step %scan3A_17  : i32 {
      %scan3A_305 = arith.constant 0 : i32
      %scan3A_306 = arith.constant 0 : i32
      %scan3A_307 = arith.constant 8 : i32
      %scan3A_308 = arith.addi %scan3A_306, %scan3A_307 : i32
      %scan3A_309 = arith.constant 1 : i32
      scf.for %scan3A_311 = %scan3A_306 to %scan3A_308 step %scan3A_309  : i32 {
        %broadcast_in_dim3A = arith.constant 0.000000e+00 : f32
        %broadcast_in_dim3A_312 = vector.broadcast %broadcast_in_dim3A : f32 to vector<16xf32>
        %mul3A_313 = arith.constant 16 : i32
        %mul3A_314 = arith.muli %scan3A_311, %mul3A_313 : i32
        %swap3A = arith.index_cast %scan3A_304 : i32 to index
        %swap3A_315 = arith.index_cast %mul3A_314 : i32 to index
        %swap3A_316 = tpu.vector_load %arg7[%swap3A, %swap3A_315] {strides = array<i32>} : memref<24x128xf32, #tpu.memory_space<vmem>>, vector<1x16xf32>,
        %swap3A_317 = vector.shape_cast %swap3A_316 : vector<1x16xf32> to vector<16xf32>
        %swap3A_318 = vector.shape_cast %broadcast_in_dim3A_312 : vector<16xf32> to vector<1x16xf32>
        tpu.vector_store %arg7[%swap3A, %swap3A_315], %swap3A_318 {strides = array<i32>} : memref<24x128xf32, #tpu.memory_space<vmem>>, vector<1x16xf32>,
      }
      %scan3A_310 = arith.constant 8 : i32
    }
    %scan3A_18 = arith.constant 24 : i32
    %add3A = arith.constant 0 : i32
    %add3A_19 = arith.addi %mul3A_0, %add3A : i32
    %dma_start3A = arith.constant 0 : i32
    %dma_start3A_20 = tpu.memref_slice %arg8[%add3A_19, %dma_start3A] : memref<10000x128xf32, #tpu.memory_space<vmem_shared>> -> memref<24x128xf32, #tpu.memory_space<vmem_shared>>
    %dma_start3A_21 = arith.constant 0 : i32
    %dma_start3A_22 = tpu.memref_slice %arg8[%add3A_19, %dma_start3A_21] : memref<10000x128xf32, #tpu.memory_space<vmem_shared>> -> memref<24x128xf32, #tpu.memory_space<vmem_shared>>
    tpu.enqueue_dma source(%arg7 : memref<24x128xf32, #tpu.memory_space<vmem>>) target(%dma_start3A_22 : memref<24x128xf32, #tpu.memory_space<vmem_shared>>) target_semaphore(%arg9 : memref<!tpu.dma_semaphore, #tpu.memory_space<semaphore_mem>>)
    %add3A_23 = arith.constant 24 : i32
    %add3A_24 = arith.addi %mul3A_0, %add3A_23 : i32
    %dma_start3A_25 = arith.constant 0 : i32
    %dma_start3A_26 = tpu.memref_slice %arg8[%add3A_24, %dma_start3A_25] : memref<10000x128xf32, #tpu.memory_space<vmem_shared>> -> memref<24x128xf32, #tpu.memory_space<vmem_shared>>
    %dma_start3A_27 = arith.constant 0 : i32
    %dma_start3A_28 = tpu.memref_slice %arg8[%add3A_24, %dma_start3A_27] : memref<10000x128xf32, #tpu.memory_space<vmem_shared>> -> memref<24x128xf32, #tpu.memory_space<vmem_shared>>
    tpu.enqueue_dma source(%arg7 : memref<24x128xf32, #tpu.memory_space<vmem>>) target(%dma_start3A_28 : memref<24x128xf32, #tpu.memory_space<vmem_shared>>) target_semaphore(%arg9 : memref<!tpu.dma_semaphore, #tpu.memory_space<semaphore_mem>>)
    %add3A_29 = arith.constant 48 : i32
    %add3A_30 = arith.addi %mul3A_0, %add3A_29 : i32
    %dma_start3A_31 = arith.constant 0 : i32
    %dma_start3A_32 = tpu.memref_slice %arg8[%add3A_30, %dma_start3A_31] : memref<10000x128xf32, #tpu.memory_space<vmem_shared>> -> memref<24x128xf32, #tpu.memory_space<vmem_shared>>
    %dma_start3A_33 = arith.constant 0 : i32
    %dma_start3A_34 = tpu.memref_slice %arg8[%add3A_30, %dma_start3A_33] : memref<10000x128xf32, #tpu.memory_space<vmem_shared>> -> memref<24x128xf32, #tpu.memory_space<vmem_shared>>
    tpu.enqueue_dma source(%arg7 : memref<24x128xf32, #tpu.memory_space<vmem>>) target(%dma_start3A_34 : memref<24x128xf32, #tpu.memory_space<vmem_shared>>) target_semaphore(%arg9 : memref<!tpu.dma_semaphore, #tpu.memory_space<semaphore_mem>>)
    %add3A_35 = arith.constant 72 : i32
    %add3A_36 = arith.addi %mul3A_0, %add3A_35 : i32
    %dma_start3A_37 = arith.constant 0 : i32
    %dma_start3A_38 = tpu.memref_slice %arg8[%add3A_36, %dma_start3A_37] : memref<10000x128xf32, #tpu.memory_space<vmem_shared>> -> memref<24x128xf32, #tpu.memory_space<vmem_shared>>
    %dma_start3A_39 = arith.constant 0 : i32
    %dma_start3A_40 = tpu.memref_slice %arg8[%add3A_36, %dma_start3A_39] : memref<10000x128xf32, #tpu.memory_space<vmem_shared>> -> memref<24x128xf32, #tpu.memory_space<vmem_shared>>
    tpu.enqueue_dma source(%arg7 : memref<24x128xf32, #tpu.memory_space<vmem>>) target(%dma_start3A_40 : memref<24x128xf32, #tpu.memory_space<vmem_shared>>) target_semaphore(%arg9 : memref<!tpu.dma_semaphore, #tpu.memory_space<semaphore_mem>>)
    %add3A_41 = arith.constant 96 : i32
    %add3A_42 = arith.addi %mul3A_0, %add3A_41 : i32
    %dma_start3A_43 = arith.constant 0 : i32
    %dma_start3A_44 = tpu.memref_slice %arg8[%add3A_42, %dma_start3A_43] : memref<10000x128xf32, #tpu.memory_space<vmem_shared>> -> memref<24x128xf32, #tpu.memory_space<vmem_shared>>
    %dma_start3A_45 = arith.constant 0 : i32
    %dma_start3A_46 = tpu.memref_slice %arg8[%add3A_42, %dma_start3A_45] : memref<10000x128xf32, #tpu.memory_space<vmem_shared>> -> memref<24x128xf32, #tpu.memory_space<vmem_shared>>
    tpu.enqueue_dma source(%arg7 : memref<24x128xf32, #tpu.memory_space<vmem>>) target(%dma_start3A_46 : memref<24x128xf32, #tpu.memory_space<vmem_shared>>) target_semaphore(%arg9 : memref<!tpu.dma_semaphore, #tpu.memory_space<semaphore_mem>>)
    %add3A_47 = arith.constant 120 : i32
    %add3A_48 = arith.addi %mul3A_0, %add3A_47 : i32
    %dma_start3A_49 = arith.constant 0 : i32
    %dma_start3A_50 = tpu.memref_slice %arg8[%add3A_48, %dma_start3A_49] : memref<10000x128xf32, #tpu.memory_space<vmem_shared>> -> memref<24x128xf32, #tpu.memory_space<vmem_shared>>
    %dma_start3A_51 = arith.constant 0 : i32
    %dma_start3A_52 = tpu.memref_slice %arg8[%add3A_48, %dma_start3A_51] : memref<10000x128xf32, #tpu.memory_space<vmem_shared>> -> memref<24x128xf32, #tpu.memory_space<vmem_shared>>
    tpu.enqueue_dma source(%arg7 : memref<24x128xf32, #tpu.memory_space<vmem>>) target(%dma_start3A_52 : memref<24x128xf32, #tpu.memory_space<vmem_shared>>) target_semaphore(%arg9 : memref<!tpu.dma_semaphore, #tpu.memory_space<semaphore_mem>>)
    %add3A_53 = arith.constant 144 : i32
    %add3A_54 = arith.addi %mul3A_0, %add3A_53 : i32
    %dma_start3A_55 = arith.constant 0 : i32
    %dma_start3A_56 = tpu.memref_slice %arg8[%add3A_54, %dma_start3A_55] : memref<10000x128xf32, #tpu.memory_space<vmem_shared>> -> memref<24x128xf32, #tpu.memory_space<vmem_shared>>
    %dma_start3A_57 = arith.constant 0 : i32
    %dma_start3A_58 = tpu.memref_slice %arg8[%add3A_54, %dma_start3A_57] : memref<10000x128xf32, #tpu.memory_space<vmem_shared>> -> memref<24x128xf32, #tpu.memory_space<vmem_shared>>
    tpu.enqueue_dma source(%arg7 : memref<24x128xf32, #tpu.memory_space<vmem>>) target(%dma_start3A_58 : memref<24x128xf32, #tpu.memory_space<vmem_shared>>) target_semaphore(%arg9 : memref<!tpu.dma_semaphore, #tpu.memory_space<semaphore_mem>>)
    %add3A_59 = arith.constant 168 : i32
    %add3A_60 = arith.addi %mul3A_0, %add3A_59 : i32
    %dma_start3A_61 = arith.constant 0 : i32
    %dma_start3A_62 = tpu.memref_slice %arg8[%add3A_60, %dma_start3A_61] : memref<10000x128xf32, #tpu.memory_space<vmem_shared>> -> memref<24x128xf32, #tpu.memory_space<vmem_shared>>
    %dma_start3A_63 = arith.constant 0 : i32
    %dma_start3A_64 = tpu.memref_slice %arg8[%add3A_60, %dma_start3A_63] : memref<10000x128xf32, #tpu.memory_space<vmem_shared>> -> memref<24x128xf32, #tpu.memory_space<vmem_shared>>
    tpu.enqueue_dma source(%arg7 : memref<24x128xf32, #tpu.memory_space<vmem>>) target(%dma_start3A_64 : memref<24x128xf32, #tpu.memory_space<vmem_shared>>) target_semaphore(%arg9 : memref<!tpu.dma_semaphore, #tpu.memory_space<semaphore_mem>>)
    %add3A_65 = arith.constant 192 : i32
    %add3A_66 = arith.addi %mul3A_0, %add3A_65 : i32
    %dma_start3A_67 = arith.constant 0 : i32
    %dma_start3A_68 = tpu.memref_slice %arg8[%add3A_66, %dma_start3A_67] : memref<10000x128xf32, #tpu.memory_space<vmem_shared>> -> memref<24x128xf32, #tpu.memory_space<vmem_shared>>
    %dma_start3A_69 = arith.constant 0 : i32
    %dma_start3A_70 = tpu.memref_slice %arg8[%add3A_66, %dma_start3A_69] : memref<10000x128xf32, #tpu.memory_space<vmem_shared>> -> memref<24x128xf32, #tpu.memory_space<vmem_shared>>
    tpu.enqueue_dma source(%arg7 : memref<24x128xf32, #tpu.memory_space<vmem>>) target(%dma_start3A_70 : memref<24x128xf32, #tpu.memory_space<vmem_shared>>) target_semaphore(%arg9 : memref<!tpu.dma_semaphore, #tpu.memory_space<semaphore_mem>>)
    %add3A_71 = arith.constant 216 : i32
    %add3A_72 = arith.addi %mul3A_0, %add3A_71 : i32
    %dma_start3A_73 = arith.constant 0 : i32
    %dma_start3A_74 = tpu.memref_slice %arg8[%add3A_72, %dma_start3A_73] : memref<10000x128xf32, #tpu.memory_space<vmem_shared>> -> memref<24x128xf32, #tpu.memory_space<vmem_shared>>
    %dma_start3A_75 = arith.constant 0 : i32
    %dma_start3A_76 = tpu.memref_slice %arg8[%add3A_72, %dma_start3A_75] : memref<10000x128xf32, #tpu.memory_space<vmem_shared>> -> memref<24x128xf32, #tpu.memory_space<vmem_shared>>
    tpu.enqueue_dma source(%arg7 : memref<24x128xf32, #tpu.memory_space<vmem>>) target(%dma_start3A_76 : memref<24x128xf32, #tpu.memory_space<vmem_shared>>) target_semaphore(%arg9 : memref<!tpu.dma_semaphore, #tpu.memory_space<semaphore_mem>>)
    %add3A_77 = arith.constant 240 : i32
    %add3A_78 = arith.addi %mul3A_0, %add3A_77 : i32
    %dma_start3A_79 = arith.constant 0 : i32
    %dma_start3A_80 = tpu.memref_slice %arg8[%add3A_78, %dma_start3A_79] : memref<10000x128xf32, #tpu.memory_space<vmem_shared>> -> memref<24x128xf32, #tpu.memory_space<vmem_shared>>
    %dma_start3A_81 = arith.constant 0 : i32
    %dma_start3A_82 = tpu.memref_slice %arg8[%add3A_78, %dma_start3A_81] : memref<10000x128xf32, #tpu.memory_space<vmem_shared>> -> memref<24x128xf32, #tpu.memory_space<vmem_shared>>
    tpu.enqueue_dma source(%arg7 : memref<24x128xf32, #tpu.memory_space<vmem>>) target(%dma_start3A_82 : memref<24x128xf32, #tpu.memory_space<vmem_shared>>) target_semaphore(%arg9 : memref<!tpu.dma_semaphore, #tpu.memory_space<semaphore_mem>>)
    %add3A_83 = arith.constant 264 : i32
    %add3A_84 = arith.addi %mul3A_0, %add3A_83 : i32
    %dma_start3A_85 = arith.constant 0 : i32
    %dma_start3A_86 = tpu.memref_slice %arg8[%add3A_84, %dma_start3A_85] : memref<10000x128xf32, #tpu.memory_space<vmem_shared>> -> memref<24x128xf32, #tpu.memory_space<vmem_shared>>
    %dma_start3A_87 = arith.constant 0 : i32
    %dma_start3A_88 = tpu.memref_slice %arg8[%add3A_84, %dma_start3A_87] : memref<10000x128xf32, #tpu.memory_space<vmem_shared>> -> memref<24x128xf32, #tpu.memory_space<vmem_shared>>
    tpu.enqueue_dma source(%arg7 : memref<24x128xf32, #tpu.memory_space<vmem>>) target(%dma_start3A_88 : memref<24x128xf32, #tpu.memory_space<vmem_shared>>) target_semaphore(%arg9 : memref<!tpu.dma_semaphore, #tpu.memory_space<semaphore_mem>>)
    %add3A_89 = arith.constant 288 : i32
    %add3A_90 = arith.addi %mul3A_0, %add3A_89 : i32
    %dma_start3A_91 = arith.constant 0 : i32
    %dma_start3A_92 = tpu.memref_slice %arg8[%add3A_90, %dma_start3A_91] : memref<10000x128xf32, #tpu.memory_space<vmem_shared>> -> memref<24x128xf32, #tpu.memory_space<vmem_shared>>
    %dma_start3A_93 = arith.constant 0 : i32
    %dma_start3A_94 = tpu.memref_slice %arg8[%add3A_90, %dma_start3A_93] : memref<10000x128xf32, #tpu.memory_space<vmem_shared>> -> memref<24x128xf32, #tpu.memory_space<vmem_shared>>
    tpu.enqueue_dma source(%arg7 : memref<24x128xf32, #tpu.memory_space<vmem>>) target(%dma_start3A_94 : memref<24x128xf32, #tpu.memory_space<vmem_shared>>) target_semaphore(%arg9 : memref<!tpu.dma_semaphore, #tpu.memory_space<semaphore_mem>>)
    %add3A_95 = arith.constant 312 : i32
    %add3A_96 = arith.addi %mul3A_0, %add3A_95 : i32
    %dma_start3A_97 = arith.constant 0 : i32
    %dma_start3A_98 = tpu.memref_slice %arg8[%add3A_96, %dma_start3A_97] : memref<10000x128xf32, #tpu.memory_space<vmem_shared>> -> memref<24x128xf32, #tpu.memory_space<vmem_shared>>
    %dma_start3A_99 = arith.constant 0 : i32
    %dma_start3A_100 = tpu.memref_slice %arg8[%add3A_96, %dma_start3A_99] : memref<10000x128xf32, #tpu.memory_space<vmem_shared>> -> memref<24x128xf32, #tpu.memory_space<vmem_shared>>
    tpu.enqueue_dma source(%arg7 : memref<24x128xf32, #tpu.memory_space<vmem>>) target(%dma_start3A_100 : memref<24x128xf32, #tpu.memory_space<vmem_shared>>) target_semaphore(%arg9 : memref<!tpu.dma_semaphore, #tpu.memory_space<semaphore_mem>>)
    %add3A_101 = arith.constant 336 : i32
    %add3A_102 = arith.addi %mul3A_0, %add3A_101 : i32
    %dma_start3A_103 = arith.constant 0 : i32
    %dma_start3A_104 = tpu.memref_slice %arg8[%add3A_102, %dma_start3A_103] : memref<10000x128xf32, #tpu.memory_space<vmem_shared>> -> memref<24x128xf32, #tpu.memory_space<vmem_shared>>
    %dma_start3A_105 = arith.constant 0 : i32
    %dma_start3A_106 = tpu.memref_slice %arg8[%add3A_102, %dma_start3A_105] : memref<10000x128xf32, #tpu.memory_space<vmem_shared>> -> memref<24x128xf32, #tpu.memory_space<vmem_shared>>
    tpu.enqueue_dma source(%arg7 : memref<24x128xf32, #tpu.memory_space<vmem>>) target(%dma_start3A_106 : memref<24x128xf32, #tpu.memory_space<vmem_shared>>) target_semaphore(%arg9 : memref<!tpu.dma_semaphore, #tpu.memory_space<semaphore_mem>>)
    %add3A_107 = arith.constant 360 : i32
    %add3A_108 = arith.addi %mul3A_0, %add3A_107 : i32
    %dma_start3A_109 = arith.constant 0 : i32
    %dma_start3A_110 = tpu.memref_slice %arg8[%add3A_108, %dma_start3A_109] : memref<10000x128xf32, #tpu.memory_space<vmem_shared>> -> memref<24x128xf32, #tpu.memory_space<vmem_shared>>
    %dma_start3A_111 = arith.constant 0 : i32
    %dma_start3A_112 = tpu.memref_slice %arg8[%add3A_108, %dma_start3A_111] : memref<10000x128xf32, #tpu.memory_space<vmem_shared>> -> memref<24x128xf32, #tpu.memory_space<vmem_shared>>
    tpu.enqueue_dma source(%arg7 : memref<24x128xf32, #tpu.memory_space<vmem>>) target(%dma_start3A_112 : memref<24x128xf32, #tpu.memory_space<vmem_shared>>) target_semaphore(%arg9 : memref<!tpu.dma_semaphore, #tpu.memory_space<semaphore_mem>>)
    %add3A_113 = arith.constant 384 : i32
    %add3A_114 = arith.addi %mul3A_0, %add3A_113 : i32
    %dma_start3A_115 = arith.constant 0 : i32
    %dma_start3A_116 = tpu.memref_slice %arg8[%add3A_114, %dma_start3A_115] : memref<10000x128xf32, #tpu.memory_space<vmem_shared>> -> memref<24x128xf32, #tpu.memory_space<vmem_shared>>
    %dma_start3A_117 = arith.constant 0 : i32
    %dma_start3A_118 = tpu.memref_slice %arg8[%add3A_114, %dma_start3A_117] : memref<10000x128xf32, #tpu.memory_space<vmem_shared>> -> memref<24x128xf32, #tpu.memory_space<vmem_shared>>
    tpu.enqueue_dma source(%arg7 : memref<24x128xf32, #tpu.memory_space<vmem>>) target(%dma_start3A_118 : memref<24x128xf32, #tpu.memory_space<vmem_shared>>) target_semaphore(%arg9 : memref<!tpu.dma_semaphore, #tpu.memory_space<semaphore_mem>>)
    %add3A_119 = arith.constant 408 : i32
    %add3A_120 = arith.addi %mul3A_0, %add3A_119 : i32
    %dma_start3A_121 = arith.constant 0 : i32
    %dma_start3A_122 = tpu.memref_slice %arg8[%add3A_120, %dma_start3A_121] : memref<10000x128xf32, #tpu.memory_space<vmem_shared>> -> memref<24x128xf32, #tpu.memory_space<vmem_shared>>
    %dma_start3A_123 = arith.constant 0 : i32
    %dma_start3A_124 = tpu.memref_slice %arg8[%add3A_120, %dma_start3A_123] : memref<10000x128xf32, #tpu.memory_space<vmem_shared>> -> memref<24x128xf32, #tpu.memory_space<vmem_shared>>
    tpu.enqueue_dma source(%arg7 : memref<24x128xf32, #tpu.memory_space<vmem>>) target(%dma_start3A_124 : memref<24x128xf32, #tpu.memory_space<vmem_shared>>) target_semaphore(%arg9 : memref<!tpu.dma_semaphore, #tpu.memory_space<semaphore_mem>>)
    %add3A_125 = arith.constant 432 : i32
    %add3A_126 = arith.addi %mul3A_0, %add3A_125 : i32
    %dma_start3A_127 = arith.constant 0 : i32
    %dma_start3A_128 = tpu.memref_slice %arg8[%add3A_126, %dma_start3A_127] : memref<10000x128xf32, #tpu.memory_space<vmem_shared>> -> memref<24x128xf32, #tpu.memory_space<vmem_shared>>
    %dma_start3A_129 = arith.constant 0 : i32
    %dma_start3A_130 = tpu.memref_slice %arg8[%add3A_126, %dma_start3A_129] : memref<10000x128xf32, #tpu.memory_space<vmem_shared>> -> memref<24x128xf32, #tpu.memory_space<vmem_shared>>
    tpu.enqueue_dma source(%arg7 : memref<24x128xf32, #tpu.memory_space<vmem>>) target(%dma_start3A_130 : memref<24x128xf32, #tpu.memory_space<vmem_shared>>) target_semaphore(%arg9 : memref<!tpu.dma_semaphore, #tpu.memory_space<semaphore_mem>>)
    %add3A_131 = arith.constant 456 : i32
    %add3A_132 = arith.addi %mul3A_0, %add3A_131 : i32
    %dma_start3A_133 = arith.constant 0 : i32
    %dma_start3A_134 = tpu.memref_slice %arg8[%add3A_132, %dma_start3A_133] : memref<10000x128xf32, #tpu.memory_space<vmem_shared>> -> memref<24x128xf32, #tpu.memory_space<vmem_shared>>
    %dma_start3A_135 = arith.constant 0 : i32
    %dma_start3A_136 = tpu.memref_slice %arg8[%add3A_132, %dma_start3A_135] : memref<10000x128xf32, #tpu.memory_space<vmem_shared>> -> memref<24x128xf32, #tpu.memory_space<vmem_shared>>
    tpu.enqueue_dma source(%arg7 : memref<24x128xf32, #tpu.memory_space<vmem>>) target(%dma_start3A_136 : memref<24x128xf32, #tpu.memory_space<vmem_shared>>) target_semaphore(%arg9 : memref<!tpu.dma_semaphore, #tpu.memory_space<semaphore_mem>>)
    %add3A_137 = arith.constant 480 : i32
    %add3A_138 = arith.addi %mul3A_0, %add3A_137 : i32
    %dma_start3A_139 = arith.constant 0 : i32
    %dma_start3A_140 = tpu.memref_slice %arg8[%add3A_138, %dma_start3A_139] : memref<10000x128xf32, #tpu.memory_space<vmem_shared>> -> memref<24x128xf32, #tpu.memory_space<vmem_shared>>
    %dma_start3A_141 = arith.constant 0 : i32
    %dma_start3A_142 = tpu.memref_slice %arg8[%add3A_138, %dma_start3A_141] : memref<10000x128xf32, #tpu.memory_space<vmem_shared>> -> memref<24x128xf32, #tpu.memory_space<vmem_shared>>
    tpu.enqueue_dma source(%arg7 : memref<24x128xf32, #tpu.memory_space<vmem>>) target(%dma_start3A_142 : memref<24x128xf32, #tpu.memory_space<vmem_shared>>) target_semaphore(%arg9 : memref<!tpu.dma_semaphore, #tpu.memory_space<semaphore_mem>>)
    %add3A_143 = arith.constant 504 : i32
    %add3A_144 = arith.addi %mul3A_0, %add3A_143 : i32
    %dma_start3A_145 = arith.constant 0 : i32
    %dma_start3A_146 = tpu.memref_slice %arg8[%add3A_144, %dma_start3A_145] : memref<10000x128xf32, #tpu.memory_space<vmem_shared>> -> memref<24x128xf32, #tpu.memory_space<vmem_shared>>
    %dma_start3A_147 = arith.constant 0 : i32
    %dma_start3A_148 = tpu.memref_slice %arg8[%add3A_144, %dma_start3A_147] : memref<10000x128xf32, #tpu.memory_space<vmem_shared>> -> memref<24x128xf32, #tpu.memory_space<vmem_shared>>
    tpu.enqueue_dma source(%arg7 : memref<24x128xf32, #tpu.memory_space<vmem>>) target(%dma_start3A_148 : memref<24x128xf32, #tpu.memory_space<vmem_shared>>) target_semaphore(%arg9 : memref<!tpu.dma_semaphore, #tpu.memory_space<semaphore_mem>>)
    %add3A_149 = arith.constant 528 : i32
    %add3A_150 = arith.addi %mul3A_0, %add3A_149 : i32
    %dma_start3A_151 = arith.constant 0 : i32
    %dma_start3A_152 = tpu.memref_slice %arg8[%add3A_150, %dma_start3A_151] : memref<10000x128xf32, #tpu.memory_space<vmem_shared>> -> memref<24x128xf32, #tpu.memory_space<vmem_shared>>
    %dma_start3A_153 = arith.constant 0 : i32
    %dma_start3A_154 = tpu.memref_slice %arg8[%add3A_150, %dma_start3A_153] : memref<10000x128xf32, #tpu.memory_space<vmem_shared>> -> memref<24x128xf32, #tpu.memory_space<vmem_shared>>
    tpu.enqueue_dma source(%arg7 : memref<24x128xf32, #tpu.memory_space<vmem>>) target(%dma_start3A_154 : memref<24x128xf32, #tpu.memory_space<vmem_shared>>) target_semaphore(%arg9 : memref<!tpu.dma_semaphore, #tpu.memory_space<semaphore_mem>>)
    %add3A_155 = arith.constant 552 : i32
    %add3A_156 = arith.addi %mul3A_0, %add3A_155 : i32
    %dma_start3A_157 = arith.constant 0 : i32
    %dma_start3A_158 = tpu.memref_slice %arg8[%add3A_156, %dma_start3A_157] : memref<10000x128xf32, #tpu.memory_space<vmem_shared>> -> memref<24x128xf32, #tpu.memory_space<vmem_shared>>
    %dma_start3A_159 = arith.constant 0 : i32
    %dma_start3A_160 = tpu.memref_slice %arg8[%add3A_156, %dma_start3A_159] : memref<10000x128xf32, #tpu.memory_space<vmem_shared>> -> memref<24x128xf32, #tpu.memory_space<vmem_shared>>
    tpu.enqueue_dma source(%arg7 : memref<24x128xf32, #tpu.memory_space<vmem>>) target(%dma_start3A_160 : memref<24x128xf32, #tpu.memory_space<vmem_shared>>) target_semaphore(%arg9 : memref<!tpu.dma_semaphore, #tpu.memory_space<semaphore_mem>>)
    %add3A_161 = arith.constant 576 : i32
    %add3A_162 = arith.addi %mul3A_0, %add3A_161 : i32
    %dma_start3A_163 = arith.constant 0 : i32
    %dma_start3A_164 = tpu.memref_slice %arg8[%add3A_162, %dma_start3A_163] : memref<10000x128xf32, #tpu.memory_space<vmem_shared>> -> memref<24x128xf32, #tpu.memory_space<vmem_shared>>
    %dma_start3A_165 = arith.constant 0 : i32
    %dma_start3A_166 = tpu.memref_slice %arg8[%add3A_162, %dma_start3A_165] : memref<10000x128xf32, #tpu.memory_space<vmem_shared>> -> memref<24x128xf32, #tpu.memory_space<vmem_shared>>
    tpu.enqueue_dma source(%arg7 : memref<24x128xf32, #tpu.memory_space<vmem>>) target(%dma_start3A_166 : memref<24x128xf32, #tpu.memory_space<vmem_shared>>) target_semaphore(%arg9 : memref<!tpu.dma_semaphore, #tpu.memory_space<semaphore_mem>>)
    %add3A_167 = arith.constant 600 : i32
    %add3A_168 = arith.addi %mul3A_0, %add3A_167 : i32
    %dma_start3A_169 = arith.constant 0 : i32
    %dma_start3A_170 = tpu.memref_slice %arg8[%add3A_168, %dma_start3A_169] : memref<10000x128xf32, #tpu.memory_space<vmem_shared>> -> memref<24x128xf32, #tpu.memory_space<vmem_shared>>
    %dma_start3A_171 = arith.constant 0 : i32
    %dma_start3A_172 = tpu.memref_slice %arg8[%add3A_168, %dma_start3A_171] : memref<10000x128xf32, #tpu.memory_space<vmem_shared>> -> memref<24x128xf32, #tpu.memory_space<vmem_shared>>
    tpu.enqueue_dma source(%arg7 : memref<24x128xf32, #tpu.memory_space<vmem>>) target(%dma_start3A_172 : memref<24x128xf32, #tpu.memory_space<vmem_shared>>) target_semaphore(%arg9 : memref<!tpu.dma_semaphore, #tpu.memory_space<semaphore_mem>>)
    %eq3A_173 = arith.constant 0 : i32
    %eq3A_174 = arith.cmpi eq, %arg1, %eq3A_173 : i32
    %convert_element_type3A_175 = arith.extui %eq3A_174 : i1 to i32
    %cond3A_176 = arith.constant 0 : i32
    %cond3A_177 = arith.cmpi ne, %convert_element_type3A_175, %cond3A_176 : i32
    scf.if %cond3A_177 {
      "tpu.region"() ({
        %run_scoped3A = tpu.sem_alloc : memref<!tpu.dma_semaphore, #tpu.memory_space<semaphore_mem>>
        %dma_start3A_304 = arith.constant 0 : i32
        %dma_start3A_305 = arith.constant 0 : i32
        %dma_start3A_306 = tpu.memref_slice %arg7[%dma_start3A_304, %dma_start3A_305] : memref<24x128xf32, #tpu.memory_space<vmem>> -> memref<16x128xf32, #tpu.memory_space<vmem>>
        %dma_start3A_307 = arith.constant 9984 : i32
        %dma_start3A_308 = arith.constant 0 : i32
        %dma_start3A_309 = tpu.memref_slice %arg8[%dma_start3A_307, %dma_start3A_308] : memref<10000x128xf32, #tpu.memory_space<vmem_shared>> -> memref<16x128xf32, #tpu.memory_space<vmem_shared>>
        %dma_start3A_310 = arith.constant 9984 : i32
        %dma_start3A_311 = arith.constant 0 : i32
        %dma_start3A_312 = tpu.memref_slice %arg8[%dma_start3A_310, %dma_start3A_311] : memref<10000x128xf32, #tpu.memory_space<vmem_shared>> -> memref<16x128xf32, #tpu.memory_space<vmem_shared>>
        %dma_start3A_313 = arith.constant 0 : i32
        %dma_start3A_314 = arith.constant 0 : i32
        %dma_start3A_315 = tpu.memref_slice %arg7[%dma_start3A_313, %dma_start3A_314] : memref<24x128xf32, #tpu.memory_space<vmem>> -> memref<16x128xf32, #tpu.memory_space<vmem>>
        tpu.enqueue_dma source(%dma_start3A_315 : memref<16x128xf32, #tpu.memory_space<vmem>>) target(%dma_start3A_312 : memref<16x128xf32, #tpu.memory_space<vmem_shared>>) target_semaphore(%run_scoped3A : memref<!tpu.dma_semaphore, #tpu.memory_space<semaphore_mem>>)
        %dma_wait3A_316 = arith.constant 0 : i32
        %dma_wait3A_317 = arith.constant 0 : i32
        %dma_wait3A_318 = tpu.memref_slice %arg7[%dma_wait3A_316, %dma_wait3A_317] : memref<24x128xf32, #tpu.memory_space<vmem>> -> memref<16x128xf32, #tpu.memory_space<vmem>>
        %dma_wait3A_319 = arith.constant 9984 : i32
        %dma_wait3A_320 = arith.constant 0 : i32
        %dma_wait3A_321 = tpu.memref_slice %arg8[%dma_wait3A_319, %dma_wait3A_320] : memref<10000x128xf32, #tpu.memory_space<vmem_shared>> -> memref<16x128xf32, #tpu.memory_space<vmem_shared>>
        %dma_wait3A_322 = arith.constant 9984 : i32
        %dma_wait3A_323 = arith.constant 0 : i32
        %dma_wait3A_324 = tpu.memref_slice %arg8[%dma_wait3A_322, %dma_wait3A_323] : memref<10000x128xf32, #tpu.memory_space<vmem_shared>> -> memref<16x128xf32, #tpu.memory_space<vmem_shared>>
        %dma_wait3A_325 = arith.constant 0 : i32
        %dma_wait3A_326 = arith.constant 0 : i32
        %dma_wait3A_327 = tpu.memref_slice %arg7[%dma_wait3A_325, %dma_wait3A_326] : memref<24x128xf32, #tpu.memory_space<vmem>> -> memref<16x128xf32, #tpu.memory_space<vmem>>
        tpu.wait_dma2 semaphore(%run_scoped3A : memref<!tpu.dma_semaphore, #tpu.memory_space<semaphore_mem>>) src(%dma_wait3A_327 : memref<16x128xf32, #tpu.memory_space<vmem>>) dst(%dma_wait3A_324 : memref<16x128xf32, #tpu.memory_space<vmem_shared>>)
        tpu.yield
      }) : () -> ()
    } else {
    }
    %dma_wait3A = arith.constant 0 : i32
    %dma_wait3A_178 = tpu.memref_slice %arg8[%mul3A_0, %dma_wait3A] : memref<10000x128xf32, #tpu.memory_space<vmem_shared>> -> memref<24x128xf32, #tpu.memory_space<vmem_shared>>
    %dma_wait3A_179 = arith.constant 0 : i32
    %dma_wait3A_180 = tpu.memref_slice %arg8[%mul3A_0, %dma_wait3A_179] : memref<10000x128xf32, #tpu.memory_space<vmem_shared>> -> memref<24x128xf32, #tpu.memory_space<vmem_shared>>
    tpu.wait_dma2 semaphore(%arg9 : memref<!tpu.dma_semaphore, #tpu.memory_space<semaphore_mem>>) src(%arg7 : memref<24x128xf32, #tpu.memory_space<vmem>>) dst(%dma_wait3A_180 : memref<24x128xf32, #tpu.memory_space<vmem_shared>>)
    %dma_wait3A_181 = arith.constant 0 : i32
    %dma_wait3A_182 = tpu.memref_slice %arg8[%mul3A_0, %dma_wait3A_181] : memref<10000x128xf32, #tpu.memory_space<vmem_shared>> -> memref<24x128xf32, #tpu.memory_space<vmem_shared>>
    %dma_wait3A_183 = arith.constant 0 : i32
    %dma_wait3A_184 = tpu.memref_slice %arg8[%mul3A_0, %dma_wait3A_183] : memref<10000x128xf32, #tpu.memory_space<vmem_shared>> -> memref<24x128xf32, #tpu.memory_space<vmem_shared>>
    tpu.wait_dma2 semaphore(%arg9 : memref<!tpu.dma_semaphore, #tpu.memory_space<semaphore_mem>>) src(%arg7 : memref<24x128xf32, #tpu.memory_space<vmem>>) dst(%dma_wait3A_184 : memref<24x128xf32, #tpu.memory_space<vmem_shared>>)
    %dma_wait3A_185 = arith.constant 0 : i32
    %dma_wait3A_186 = tpu.memref_slice %arg8[%mul3A_0, %dma_wait3A_185] : memref<10000x128xf32, #tpu.memory_space<vmem_shared>> -> memref<24x128xf32, #tpu.memory_space<vmem_shared>>
    %dma_wait3A_187 = arith.constant 0 : i32
    %dma_wait3A_188 = tpu.memref_slice %arg8[%mul3A_0, %dma_wait3A_187] : memref<10000x128xf32, #tpu.memory_space<vmem_shared>> -> memref<24x128xf32, #tpu.memory_space<vmem_shared>>
    tpu.wait_dma2 semaphore(%arg9 : memref<!tpu.dma_semaphore, #tpu.memory_space<semaphore_mem>>) src(%arg7 : memref<24x128xf32, #tpu.memory_space<vmem>>) dst(%dma_wait3A_188 : memref<24x128xf32, #tpu.memory_space<vmem_shared>>)
    %dma_wait3A_189 = arith.constant 0 : i32
    %dma_wait3A_190 = tpu.memref_slice %arg8[%mul3A_0, %dma_wait3A_189] : memref<10000x128xf32, #tpu.memory_space<vmem_shared>> -> memref<24x128xf32, #tpu.memory_space<vmem_shared>>
    %dma_wait3A_191 = arith.constant 0 : i32
    %dma_wait3A_192 = tpu.memref_slice %arg8[%mul3A_0, %dma_wait3A_191] : memref<10000x128xf32, #tpu.memory_space<vmem_shared>> -> memref<24x128xf32, #tpu.memory_space<vmem_shared>>
    tpu.wait_dma2 semaphore(%arg9 : memref<!tpu.dma_semaphore, #tpu.memory_space<semaphore_mem>>) src(%arg7 : memref<24x128xf32, #tpu.memory_space<vmem>>) dst(%dma_wait3A_192 : memref<24x128xf32, #tpu.memory_space<vmem_shared>>)
    %dma_wait3A_193 = arith.constant 0 : i32
    %dma_wait3A_194 = tpu.memref_slice %arg8[%mul3A_0, %dma_wait3A_193] : memref<10000x128xf32, #tpu.memory_space<vmem_shared>> -> memref<24x128xf32, #tpu.memory_space<vmem_shared>>
    %dma_wait3A_195 = arith.constant 0 : i32
    %dma_wait3A_196 = tpu.memref_slice %arg8[%mul3A_0, %dma_wait3A_195] : memref<10000x128xf32, #tpu.memory_space<vmem_shared>> -> memref<24x128xf32, #tpu.memory_space<vmem_shared>>
    tpu.wait_dma2 semaphore(%arg9 : memref<!tpu.dma_semaphore, #tpu.memory_space<semaphore_mem>>) src(%arg7 : memref<24x128xf32, #tpu.memory_space<vmem>>) dst(%dma_wait3A_196 : memref<24x128xf32, #tpu.memory_space<vmem_shared>>)
    %dma_wait3A_197 = arith.constant 0 : i32
    %dma_wait3A_198 = tpu.memref_slice %arg8[%mul3A_0, %dma_wait3A_197] : memref<10000x128xf32, #tpu.memory_space<vmem_shared>> -> memref<24x128xf32, #tpu.memory_space<vmem_shared>>
    %dma_wait3A_199 = arith.constant 0 : i32
    %dma_wait3A_200 = tpu.memref_slice %arg8[%mul3A_0, %dma_wait3A_199] : memref<10000x128xf32, #tpu.memory_space<vmem_shared>> -> memref<24x128xf32, #tpu.memory_space<vmem_shared>>
    tpu.wait_dma2 semaphore(%arg9 : memref<!tpu.dma_semaphore, #tpu.memory_space<semaphore_mem>>) src(%arg7 : memref<24x128xf32, #tpu.memory_space<vmem>>) dst(%dma_wait3A_200 : memref<24x128xf32, #tpu.memory_space<vmem_shared>>)
    %dma_wait3A_201 = arith.constant 0 : i32
    %dma_wait3A_202 = tpu.memref_slice %arg8[%mul3A_0, %dma_wait3A_201] : memref<10000x128xf32, #tpu.memory_space<vmem_shared>> -> memref<24x128xf32, #tpu.memory_space<vmem_shared>>
    %dma_wait3A_203 = arith.constant 0 : i32
    %dma_wait3A_204 = tpu.memref_slice %arg8[%mul3A_0, %dma_wait3A_203] : memref<10000x128xf32, #tpu.memory_space<vmem_shared>> -> memref<24x128xf32, #tpu.memory_space<vmem_shared>>
    tpu.wait_dma2 semaphore(%arg9 : memref<!tpu.dma_semaphore, #tpu.memory_space<semaphore_mem>>) src(%arg7 : memref<24x128xf32, #tpu.memory_space<vmem>>) dst(%dma_wait3A_204 : memref<24x128xf32, #tpu.memory_space<vmem_shared>>)
    %dma_wait3A_205 = arith.constant 0 : i32
    %dma_wait3A_206 = tpu.memref_slice %arg8[%mul3A_0, %dma_wait3A_205] : memref<10000x128xf32, #tpu.memory_space<vmem_shared>> -> memref<24x128xf32, #tpu.memory_space<vmem_shared>>
    %dma_wait3A_207 = arith.constant 0 : i32
    %dma_wait3A_208 = tpu.memref_slice %arg8[%mul3A_0, %dma_wait3A_207] : memref<10000x128xf32, #tpu.memory_space<vmem_shared>> -> memref<24x128xf32, #tpu.memory_space<vmem_shared>>
    tpu.wait_dma2 semaphore(%arg9 : memref<!tpu.dma_semaphore, #tpu.memory_space<semaphore_mem>>) src(%arg7 : memref<24x128xf32, #tpu.memory_space<vmem>>) dst(%dma_wait3A_208 : memref<24x128xf32, #tpu.memory_space<vmem_shared>>)
    %dma_wait3A_209 = arith.constant 0 : i32
    %dma_wait3A_210 = tpu.memref_slice %arg8[%mul3A_0, %dma_wait3A_209] : memref<10000x128xf32, #tpu.memory_space<vmem_shared>> -> memref<24x128xf32, #tpu.memory_space<vmem_shared>>
    %dma_wait3A_211 = arith.constant 0 : i32
    %dma_wait3A_212 = tpu.memref_slice %arg8[%mul3A_0, %dma_wait3A_211] : memref<10000x128xf32, #tpu.memory_space<vmem_shared>> -> memref<24x128xf32, #tpu.memory_space<vmem_shared>>
    tpu.wait_dma2 semaphore(%arg9 : memref<!tpu.dma_semaphore, #tpu.memory_space<semaphore_mem>>) src(%arg7 : memref<24x128xf32, #tpu.memory_space<vmem>>) dst(%dma_wait3A_212 : memref<24x128xf32, #tpu.memory_space<vmem_shared>>)
    %dma_wait3A_213 = arith.constant 0 : i32
    %dma_wait3A_214 = tpu.memref_slice %arg8[%mul3A_0, %dma_wait3A_213] : memref<10000x128xf32, #tpu.memory_space<vmem_shared>> -> memref<24x128xf32, #tpu.memory_space<vmem_shared>>
    %dma_wait3A_215 = arith.constant 0 : i32
    %dma_wait3A_216 = tpu.memref_slice %arg8[%mul3A_0, %dma_wait3A_215] : memref<10000x128xf32, #tpu.memory_space<vmem_shared>> -> memref<24x128xf32, #tpu.memory_space<vmem_shared>>
    tpu.wait_dma2 semaphore(%arg9 : memref<!tpu.dma_semaphore, #tpu.memory_space<semaphore_mem>>) src(%arg7 : memref<24x128xf32, #tpu.memory_space<vmem>>) dst(%dma_wait3A_216 : memref<24x128xf32, #tpu.memory_space<vmem_shared>>)
    %dma_wait3A_217 = arith.constant 0 : i32
    %dma_wait3A_218 = tpu.memref_slice %arg8[%mul3A_0, %dma_wait3A_217] : memref<10000x128xf32, #tpu.memory_space<vmem_shared>> -> memref<24x128xf32, #tpu.memory_space<vmem_shared>>
    %dma_wait3A_219 = arith.constant 0 : i32
    %dma_wait3A_220 = tpu.memref_slice %arg8[%mul3A_0, %dma_wait3A_219] : memref<10000x128xf32, #tpu.memory_space<vmem_shared>> -> memref<24x128xf32, #tpu.memory_space<vmem_shared>>
    tpu.wait_dma2 semaphore(%arg9 : memref<!tpu.dma_semaphore, #tpu.memory_space<semaphore_mem>>) src(%arg7 : memref<24x128xf32, #tpu.memory_space<vmem>>) dst(%dma_wait3A_220 : memref<24x128xf32, #tpu.memory_space<vmem_shared>>)
    %dma_wait3A_221 = arith.constant 0 : i32
    %dma_wait3A_222 = tpu.memref_slice %arg8[%mul3A_0, %dma_wait3A_221] : memref<10000x128xf32, #tpu.memory_space<vmem_shared>> -> memref<24x128xf32, #tpu.memory_space<vmem_shared>>
    %dma_wait3A_223 = arith.constant 0 : i32
    %dma_wait3A_224 = tpu.memref_slice %arg8[%mul3A_0, %dma_wait3A_223] : memref<10000x128xf32, #tpu.memory_space<vmem_shared>> -> memref<24x128xf32, #tpu.memory_space<vmem_shared>>
    tpu.wait_dma2 semaphore(%arg9 : memref<!tpu.dma_semaphore, #tpu.memory_space<semaphore_mem>>) src(%arg7 : memref<24x128xf32, #tpu.memory_space<vmem>>) dst(%dma_wait3A_224 : memref<24x128xf32, #tpu.memory_space<vmem_shared>>)
    %dma_wait3A_225 = arith.constant 0 : i32
    %dma_wait3A_226 = tpu.memref_slice %arg8[%mul3A_0, %dma_wait3A_225] : memref<10000x128xf32, #tpu.memory_space<vmem_shared>> -> memref<24x128xf32, #tpu.memory_space<vmem_shared>>
    %dma_wait3A_227 = arith.constant 0 : i32
    %dma_wait3A_228 = tpu.memref_slice %arg8[%mul3A_0, %dma_wait3A_227] : memref<10000x128xf32, #tpu.memory_space<vmem_shared>> -> memref<24x128xf32, #tpu.memory_space<vmem_shared>>
    tpu.wait_dma2 semaphore(%arg9 : memref<!tpu.dma_semaphore, #tpu.memory_space<semaphore_mem>>) src(%arg7 : memref<24x128xf32, #tpu.memory_space<vmem>>) dst(%dma_wait3A_228 : memref<24x128xf32, #tpu.memory_space<vmem_shared>>)
    %dma_wait3A_229 = arith.constant 0 : i32
    %dma_wait3A_230 = tpu.memref_slice %arg8[%mul3A_0, %dma_wait3A_229] : memref<10000x128xf32, #tpu.memory_space<vmem_shared>> -> memref<24x128xf32, #tpu.memory_space<vmem_shared>>
    %dma_wait3A_231 = arith.constant 0 : i32
    %dma_wait3A_232 = tpu.memref_slice %arg8[%mul3A_0, %dma_wait3A_231] : memref<10000x128xf32, #tpu.memory_space<vmem_shared>> -> memref<24x128xf32, #tpu.memory_space<vmem_shared>>
    tpu.wait_dma2 semaphore(%arg9 : memref<!tpu.dma_semaphore, #tpu.memory_space<semaphore_mem>>) src(%arg7 : memref<24x128xf32, #tpu.memory_space<vmem>>) dst(%dma_wait3A_232 : memref<24x128xf32, #tpu.memory_space<vmem_shared>>)
    %dma_wait3A_233 = arith.constant 0 : i32
    %dma_wait3A_234 = tpu.memref_slice %arg8[%mul3A_0, %dma_wait3A_233] : memref<10000x128xf32, #tpu.memory_space<vmem_shared>> -> memref<24x128xf32, #tpu.memory_space<vmem_shared>>
    %dma_wait3A_235 = arith.constant 0 : i32
    %dma_wait3A_236 = tpu.memref_slice %arg8[%mul3A_0, %dma_wait3A_235] : memref<10000x128xf32, #tpu.memory_space<vmem_shared>> -> memref<24x128xf32, #tpu.memory_space<vmem_shared>>
    tpu.wait_dma2 semaphore(%arg9 : memref<!tpu.dma_semaphore, #tpu.memory_space<semaphore_mem>>) src(%arg7 : memref<24x128xf32, #tpu.memory_space<vmem>>) dst(%dma_wait3A_236 : memref<24x128xf32, #tpu.memory_space<vmem_shared>>)
    %dma_wait3A_237 = arith.constant 0 : i32
    %dma_wait3A_238 = tpu.memref_slice %arg8[%mul3A_0, %dma_wait3A_237] : memref<10000x128xf32, #tpu.memory_space<vmem_shared>> -> memref<24x128xf32, #tpu.memory_space<vmem_shared>>
    %dma_wait3A_239 = arith.constant 0 : i32
    %dma_wait3A_240 = tpu.memref_slice %arg8[%mul3A_0, %dma_wait3A_239] : memref<10000x128xf32, #tpu.memory_space<vmem_shared>> -> memref<24x128xf32, #tpu.memory_space<vmem_shared>>
    tpu.wait_dma2 semaphore(%arg9 : memref<!tpu.dma_semaphore, #tpu.memory_space<semaphore_mem>>) src(%arg7 : memref<24x128xf32, #tpu.memory_space<vmem>>) dst(%dma_wait3A_240 : memref<24x128xf32, #tpu.memory_space<vmem_shared>>)
    %dma_wait3A_241 = arith.constant 0 : i32
    %dma_wait3A_242 = tpu.memref_slice %arg8[%mul3A_0, %dma_wait3A_241] : memref<10000x128xf32, #tpu.memory_space<vmem_shared>> -> memref<24x128xf32, #tpu.memory_space<vmem_shared>>
    %dma_wait3A_243 = arith.constant 0 : i32
    %dma_wait3A_244 = tpu.memref_slice %arg8[%mul3A_0, %dma_wait3A_243] : memref<10000x128xf32, #tpu.memory_space<vmem_shared>> -> memref<24x128xf32, #tpu.memory_space<vmem_shared>>
    tpu.wait_dma2 semaphore(%arg9 : memref<!tpu.dma_semaphore, #tpu.memory_space<semaphore_mem>>) src(%arg7 : memref<24x128xf32, #tpu.memory_space<vmem>>) dst(%dma_wait3A_244 : memref<24x128xf32, #tpu.memory_space<vmem_shared>>)
    %dma_wait3A_245 = arith.constant 0 : i32
    %dma_wait3A_246 = tpu.memref_slice %arg8[%mul3A_0, %dma_wait3A_245] : memref<10000x128xf32, #tpu.memory_space<vmem_shared>> -> memref<24x128xf32, #tpu.memory_space<vmem_shared>>
    %dma_wait3A_247 = arith.constant 0 : i32
    %dma_wait3A_248 = tpu.memref_slice %arg8[%mul3A_0, %dma_wait3A_247] : memref<10000x128xf32, #tpu.memory_space<vmem_shared>> -> memref<24x128xf32, #tpu.memory_space<vmem_shared>>
    tpu.wait_dma2 semaphore(%arg9 : memref<!tpu.dma_semaphore, #tpu.memory_space<semaphore_mem>>) src(%arg7 : memref<24x128xf32, #tpu.memory_space<vmem>>) dst(%dma_wait3A_248 : memref<24x128xf32, #tpu.memory_space<vmem_shared>>)
    %dma_wait3A_249 = arith.constant 0 : i32
    %dma_wait3A_250 = tpu.memref_slice %arg8[%mul3A_0, %dma_wait3A_249] : memref<10000x128xf32, #tpu.memory_space<vmem_shared>> -> memref<24x128xf32, #tpu.memory_space<vmem_shared>>
    %dma_wait3A_251 = arith.constant 0 : i32
    %dma_wait3A_252 = tpu.memref_slice %arg8[%mul3A_0, %dma_wait3A_251] : memref<10000x128xf32, #tpu.memory_space<vmem_shared>> -> memref<24x128xf32, #tpu.memory_space<vmem_shared>>
    tpu.wait_dma2 semaphore(%arg9 : memref<!tpu.dma_semaphore, #tpu.memory_space<semaphore_mem>>) src(%arg7 : memref<24x128xf32, #tpu.memory_space<vmem>>) dst(%dma_wait3A_252 : memref<24x128xf32, #tpu.memory_space<vmem_shared>>)
    %dma_wait3A_253 = arith.constant 0 : i32
    %dma_wait3A_254 = tpu.memref_slice %arg8[%mul3A_0, %dma_wait3A_253] : memref<10000x128xf32, #tpu.memory_space<vmem_shared>> -> memref<24x128xf32, #tpu.memory_space<vmem_shared>>
    %dma_wait3A_255 = arith.constant 0 : i32
    %dma_wait3A_256 = tpu.memref_slice %arg8[%mul3A_0, %dma_wait3A_255] : memref<10000x128xf32, #tpu.memory_space<vmem_shared>> -> memref<24x128xf32, #tpu.memory_space<vmem_shared>>
    tpu.wait_dma2 semaphore(%arg9 : memref<!tpu.dma_semaphore, #tpu.memory_space<semaphore_mem>>) src(%arg7 : memref<24x128xf32, #tpu.memory_space<vmem>>) dst(%dma_wait3A_256 : memref<24x128xf32, #tpu.memory_space<vmem_shared>>)
    %dma_wait3A_257 = arith.constant 0 : i32
    %dma_wait3A_258 = tpu.memref_slice %arg8[%mul3A_0, %dma_wait3A_257] : memref<10000x128xf32, #tpu.memory_space<vmem_shared>> -> memref<24x128xf32, #tpu.memory_space<vmem_shared>>
    %dma_wait3A_259 = arith.constant 0 : i32
    %dma_wait3A_260 = tpu.memref_slice %arg8[%mul3A_0, %dma_wait3A_259] : memref<10000x128xf32, #tpu.memory_space<vmem_shared>> -> memref<24x128xf32, #tpu.memory_space<vmem_shared>>
    tpu.wait_dma2 semaphore(%arg9 : memref<!tpu.dma_semaphore, #tpu.memory_space<semaphore_mem>>) src(%arg7 : memref<24x128xf32, #tpu.memory_space<vmem>>) dst(%dma_wait3A_260 : memref<24x128xf32, #tpu.memory_space<vmem_shared>>)
    %dma_wait3A_261 = arith.constant 0 : i32
    %dma_wait3A_262 = tpu.memref_slice %arg8[%mul3A_0, %dma_wait3A_261] : memref<10000x128xf32, #tpu.memory_space<vmem_shared>> -> memref<24x128xf32, #tpu.memory_space<vmem_shared>>
    %dma_wait3A_263 = arith.constant 0 : i32
    %dma_wait3A_264 = tpu.memref_slice %arg8[%mul3A_0, %dma_wait3A_263] : memref<10000x128xf32, #tpu.memory_space<vmem_shared>> -> memref<24x128xf32, #tpu.memory_space<vmem_shared>>
    tpu.wait_dma2 semaphore(%arg9 : memref<!tpu.dma_semaphore, #tpu.memory_space<semaphore_mem>>) src(%arg7 : memref<24x128xf32, #tpu.memory_space<vmem>>) dst(%dma_wait3A_264 : memref<24x128xf32, #tpu.memory_space<vmem_shared>>)
    %dma_wait3A_265 = arith.constant 0 : i32
    %dma_wait3A_266 = tpu.memref_slice %arg8[%mul3A_0, %dma_wait3A_265] : memref<10000x128xf32, #tpu.memory_space<vmem_shared>> -> memref<24x128xf32, #tpu.memory_space<vmem_shared>>
    %dma_wait3A_267 = arith.constant 0 : i32
    %dma_wait3A_268 = tpu.memref_slice %arg8[%mul3A_0, %dma_wait3A_267] : memref<10000x128xf32, #tpu.memory_space<vmem_shared>> -> memref<24x128xf32, #tpu.memory_space<vmem_shared>>
    tpu.wait_dma2 semaphore(%arg9 : memref<!tpu.dma_semaphore, #tpu.memory_space<semaphore_mem>>) src(%arg7 : memref<24x128xf32, #tpu.memory_space<vmem>>) dst(%dma_wait3A_268 : memref<24x128xf32, #tpu.memory_space<vmem_shared>>)
    %dma_wait3A_269 = arith.constant 0 : i32
    %dma_wait3A_270 = tpu.memref_slice %arg8[%mul3A_0, %dma_wait3A_269] : memref<10000x128xf32, #tpu.memory_space<vmem_shared>> -> memref<24x128xf32, #tpu.memory_space<vmem_shared>>
    %dma_wait3A_271 = arith.constant 0 : i32
    %dma_wait3A_272 = tpu.memref_slice %arg8[%mul3A_0, %dma_wait3A_271] : memref<10000x128xf32, #tpu.memory_space<vmem_shared>> -> memref<24x128xf32, #tpu.memory_space<vmem_shared>>
    tpu.wait_dma2 semaphore(%arg9 : memref<!tpu.dma_semaphore, #tpu.memory_space<semaphore_mem>>) src(%arg7 : memref<24x128xf32, #tpu.memory_space<vmem>>) dst(%dma_wait3A_272 : memref<24x128xf32, #tpu.memory_space<vmem_shared>>)
    %dma_wait3A_273 = arith.constant 0 : i32
    %dma_wait3A_274 = tpu.memref_slice %arg8[%mul3A_0, %dma_wait3A_273] : memref<10000x128xf32, #tpu.memory_space<vmem_shared>> -> memref<24x128xf32, #tpu.memory_space<vmem_shared>>
    %dma_wait3A_275 = arith.constant 0 : i32
    %dma_wait3A_276 = tpu.memref_slice %arg8[%mul3A_0, %dma_wait3A_275] : memref<10000x128xf32, #tpu.memory_space<vmem_shared>> -> memref<24x128xf32, #tpu.memory_space<vmem_shared>>
    tpu.wait_dma2 semaphore(%arg9 : memref<!tpu.dma_semaphore, #tpu.memory_space<semaphore_mem>>) src(%arg7 : memref<24x128xf32, #tpu.memory_space<vmem>>) dst(%dma_wait3A_276 : memref<24x128xf32, #tpu.memory_space<vmem_shared>>)
    %dma_wait3A_277 = arith.constant 0 : i32
    %dma_wait3A_278 = tpu.memref_slice %arg8[%mul3A_0, %dma_wait3A_277] : memref<10000x128xf32, #tpu.memory_space<vmem_shared>> -> memref<24x128xf32, #tpu.memory_space<vmem_shared>>
    %dma_wait3A_279 = arith.constant 0 : i32
    %dma_wait3A_280 = tpu.memref_slice %arg8[%mul3A_0, %dma_wait3A_279] : memref<10000x128xf32, #tpu.memory_space<vmem_shared>> -> memref<24x128xf32, #tpu.memory_space<vmem_shared>>
    tpu.wait_dma2 semaphore(%arg9 : memref<!tpu.dma_semaphore, #tpu.memory_space<semaphore_mem>>) src(%arg7 : memref<24x128xf32, #tpu.memory_space<vmem>>) dst(%dma_wait3A_280 : memref<24x128xf32, #tpu.memory_space<vmem_shared>>)
    %barrier3A = arith.constant 0 : index
    tpu.barrier barrier_id(%barrier3A)
    %dma_start3A_281 = arith.constant 0 : i32
    %dma_start3A_282 = arith.constant 0 : i32
    %dma_start3A_283 = arith.constant 0 : i32
    %dma_start3A_284 = tpu.memref_slice %arg5[%dma_start3A_281, %dma_start3A_282, %dma_start3A_283] : memref<2x125x80xi32, #tpu.memory_space<vmem>> -> memref<1x1x80xi32, #tpu.memory_space<vmem>>
    %dma_start3A_285 = tpu.memref_squeeze %dma_start3A_284 : memref<1x1x80xi32, #tpu.memory_space<vmem>> -> memref<80xi32, #tpu.memory_space<vmem>>
    %dma_start3A_286 = arith.constant 0 : i32
    %dma_start3A_287 = arith.constant 0 : i32
    %dma_start3A_288 = tpu.memref_slice %arg8[%dma_start3A_286, %dma_start3A_287] : memref<10000x128xf32, #tpu.memory_space<vmem_shared>> -> memref<10000x128xf32, #tpu.memory_space<vmem_shared>>
    tpu.enqueue_indirect_dma source(%arg6 : memref<80x128xf32, #tpu.memory_space<vmem>>) target(%dma_start3A_288 : memref<10000x128xf32, #tpu.memory_space<vmem_shared>>) offsets(%dma_start3A_285 : memref<80xi32, #tpu.memory_space<vmem>>) semaphore(%arg9 : memref<!tpu.dma_semaphore, #tpu.memory_space<semaphore_mem>>) {add = true}
    %scan3A_289 = arith.constant 0 : i32
    %scan3A_290 = arith.constant 0 : i32
    %scan3A_291 = arith.constant 125 : i32
    %scan3A_292 = arith.addi %scan3A_290, %scan3A_291 : i32
    %scan3A_293 = arith.constant 1 : i32
    scf.for %scan3A_304 = %scan3A_290 to %scan3A_292 step %scan3A_293  : i32 {
      %dma_start3A_305 = arith.constant 1 : i32
      %dma_start3A_306 = arith.constant 0 : i32
      %dma_start3A_307 = tpu.memref_slice %arg5[%dma_start3A_305, %scan3A_304, %dma_start3A_306] : memref<2x125x80xi32, #tpu.memory_space<vmem>> -> memref<1x1x80xi32, #tpu.memory_space<vmem>>
      %dma_start3A_308 = tpu.memref_squeeze %dma_start3A_307 : memref<1x1x80xi32, #tpu.memory_space<vmem>> -> memref<80xi32, #tpu.memory_space<vmem>>
      %dma_start3A_309 = arith.constant 0 : i32
      %dma_start3A_310 = arith.constant 0 : i32
      %dma_start3A_311 = tpu.memref_slice %arg8[%dma_start3A_309, %dma_start3A_310] : memref<10000x128xf32, #tpu.memory_space<vmem_shared>> -> memref<10000x128xf32, #tpu.memory_space<vmem_shared>>
      tpu.enqueue_indirect_dma source(%arg6 : memref<80x128xf32, #tpu.memory_space<vmem>>) target(%dma_start3A_311 : memref<10000x128xf32, #tpu.memory_space<vmem_shared>>) offsets(%dma_start3A_308 : memref<80xi32, #tpu.memory_space<vmem>>) semaphore(%arg10 : memref<!tpu.dma_semaphore, #tpu.memory_space<semaphore_mem>>) {add = true}
      %dma_wait3A_312 = arith.constant 0 : i32
      %dma_wait3A_313 = arith.constant 0 : i32
      %dma_wait3A_314 = arith.constant 0 : i32
      %dma_wait3A_315 = tpu.memref_slice %arg5[%dma_wait3A_312, %dma_wait3A_313, %dma_wait3A_314] : memref<2x125x80xi32, #tpu.memory_space<vmem>> -> memref<1x1x80xi32, #tpu.memory_space<vmem>>
      %dma_wait3A_316 = tpu.memref_squeeze %dma_wait3A_315 : memref<1x1x80xi32, #tpu.memory_space<vmem>> -> memref<80xi32, #tpu.memory_space<vmem>>
      %dma_wait3A_317 = arith.constant 0 : i32
      %dma_wait3A_318 = arith.constant 0 : i32
      %dma_wait3A_319 = tpu.memref_slice %arg8[%dma_wait3A_317, %dma_wait3A_318] : memref<10000x128xf32, #tpu.memory_space<vmem_shared>> -> memref<10000x128xf32, #tpu.memory_space<vmem_shared>>
      tpu.wait_indirect_dma semaphore(%arg9 : memref<!tpu.dma_semaphore, #tpu.memory_space<semaphore_mem>>) src(%arg6 : memref<80x128xf32, #tpu.memory_space<vmem>>) dst(%dma_wait3A_319 : memref<10000x128xf32, #tpu.memory_space<vmem_shared>>)
      %add3A_320 = arith.constant 1 : i32
      %add3A_321 = arith.addi %scan3A_304, %add3A_320 : i32
      %lt3A = arith.constant 125 : i32
      %lt3A_322 = arith.cmpi slt, %add3A_321, %lt3A : i32
      %convert_element_type3A_323 = arith.extui %lt3A_322 : i1 to i32
      %cond3A_324 = arith.constant 0 : i32
      %cond3A_325 = arith.cmpi ne, %convert_element_type3A_323, %cond3A_324 : i32
      scf.if %cond3A_325 {
        %add3A_334 = arith.constant 1 : i32
        %add3A_335 = arith.addi %scan3A_304, %add3A_334 : i32
        %dma_start3A_336 = arith.constant 0 : i32
        %dma_start3A_337 = arith.constant 0 : i32
        %dma_start3A_338 = tpu.memref_slice %arg5[%dma_start3A_336, %add3A_335, %dma_start3A_337] : memref<2x125x80xi32, #tpu.memory_space<vmem>> -> memref<1x1x80xi32, #tpu.memory_space<vmem>>
        %dma_start3A_339 = tpu.memref_squeeze %dma_start3A_338 : memref<1x1x80xi32, #tpu.memory_space<vmem>> -> memref<80xi32, #tpu.memory_space<vmem>>
        %dma_start3A_340 = arith.constant 0 : i32
        %dma_start3A_341 = arith.constant 0 : i32
        %dma_start3A_342 = tpu.memref_slice %arg8[%dma_start3A_340, %dma_start3A_341] : memref<10000x128xf32, #tpu.memory_space<vmem_shared>> -> memref<10000x128xf32, #tpu.memory_space<vmem_shared>>
        tpu.enqueue_indirect_dma source(%arg6 : memref<80x128xf32, #tpu.memory_space<vmem>>) target(%dma_start3A_342 : memref<10000x128xf32, #tpu.memory_space<vmem_shared>>) offsets(%dma_start3A_339 : memref<80xi32, #tpu.memory_space<vmem>>) semaphore(%arg9 : memref<!tpu.dma_semaphore, #tpu.memory_space<semaphore_mem>>) {add = true}
      } else {
      }
      %dma_wait3A_326 = arith.constant 0 : i32
      %dma_wait3A_327 = arith.constant 0 : i32
      %dma_wait3A_328 = arith.constant 0 : i32
      %dma_wait3A_329 = tpu.memref_slice %arg5[%dma_wait3A_326, %dma_wait3A_327, %dma_wait3A_328] : memref<2x125x80xi32, #tpu.memory_space<vmem>> -> memref<1x1x80xi32, #tpu.memory_space<vmem>>
      %dma_wait3A_330 = tpu.memref_squeeze %dma_wait3A_329 : memref<1x1x80xi32, #tpu.memory_space<vmem>> -> memref<80xi32, #tpu.memory_space<vmem>>
      %dma_wait3A_331 = arith.constant 0 : i32
      %dma_wait3A_332 = arith.constant 0 : i32
      %dma_wait3A_333 = tpu.memref_slice %arg8[%dma_wait3A_331, %dma_wait3A_332] : memref<10000x128xf32, #tpu.memory_space<vmem_shared>> -> memref<10000x128xf32, #tpu.memory_space<vmem_shared>>
      tpu.wait_indirect_dma semaphore(%arg10 : memref<!tpu.dma_semaphore, #tpu.memory_space<semaphore_mem>>) src(%arg6 : memref<80x128xf32, #tpu.memory_space<vmem>>) dst(%dma_wait3A_333 : memref<10000x128xf32, #tpu.memory_space<vmem_shared>>)
    }
    %scan3A_294 = arith.constant 125 : i32
    %barrier3A_295 = arith.constant 0 : index
    tpu.barrier barrier_id(%barrier3A_295)
    %mul3A_296 = arith.constant 10000 : i32
    %mul3A_297 = arith.muli %arg0, %mul3A_296 : i32
    %add3A_298 = arith.addi %mul3A_297, %mul3A_0 : i32
    "tpu.region"() ({
      %run_scoped3A = tpu.sem_alloc : memref<!tpu.dma_semaphore, #tpu.memory_space<semaphore_mem>>
      %dma_start3A_304 = arith.constant 0 : i32
      %dma_start3A_305 = tpu.memref_slice %arg4[%add3A_298, %dma_start3A_304] : memref<20000x128xf32, #tpu.memory_space<hbm>> -> memref<624x128xf32, #tpu.memory_space<hbm>>
      %dma_start3A_306 = arith.constant 0 : i32
      %dma_start3A_307 = tpu.memref_slice %arg8[%mul3A_0, %dma_start3A_306] : memref<10000x128xf32, #tpu.memory_space<vmem_shared>> -> memref<624x128xf32, #tpu.memory_space<vmem_shared>>
      tpu.enqueue_dma source(%dma_start3A_307 : memref<624x128xf32, #tpu.memory_space<vmem_shared>>) target(%dma_start3A_305 : memref<624x128xf32, #tpu.memory_space<hbm>>) target_semaphore(%run_scoped3A : memref<!tpu.dma_semaphore, #tpu.memory_space<semaphore_mem>>)
      %dma_wait3A_308 = arith.constant 0 : i32
      %dma_wait3A_309 = tpu.memref_slice %arg4[%add3A_298, %dma_wait3A_308] : memref<20000x128xf32, #tpu.memory_space<hbm>> -> memref<624x128xf32, #tpu.memory_space<hbm>>
      %dma_wait3A_310 = arith.constant 0 : i32
      %dma_wait3A_311 = tpu.memref_slice %arg8[%mul3A_0, %dma_wait3A_310] : memref<10000x128xf32, #tpu.memory_space<vmem_shared>> -> memref<624x128xf32, #tpu.memory_space<vmem_shared>>
      tpu.wait_dma2 semaphore(%run_scoped3A : memref<!tpu.dma_semaphore, #tpu.memory_space<semaphore_mem>>) src(%dma_wait3A_311 : memref<624x128xf32, #tpu.memory_space<vmem_shared>>) dst(%dma_wait3A_309 : memref<624x128xf32, #tpu.memory_space<hbm>>)
      tpu.yield
    }) : () -> ()
    %eq3A_299 = arith.constant 0 : i32
    %eq3A_300 = arith.cmpi eq, %arg1, %eq3A_299 : i32
    %convert_element_type3A_301 = arith.extui %eq3A_300 : i1 to i32
    %cond3A_302 = arith.constant 0 : i32
    %cond3A_303 = arith.cmpi ne, %convert_element_type3A_301, %cond3A_302 : i32
    scf.if %cond3A_303 {
      %mul3A_304 = arith.constant 10000 : i32
      %mul3A_305 = arith.muli %arg0, %mul3A_304 : i32
      %add3A_306 = arith.constant 9984 : i32
      %add3A_307 = arith.addi %mul3A_305, %add3A_306 : i32
      "tpu.region"() ({
        %run_scoped3A = tpu.sem_alloc : memref<!tpu.dma_semaphore, #tpu.memory_space<semaphore_mem>>
        %dma_start3A_308 = arith.constant 0 : i32
        %dma_start3A_309 = tpu.memref_slice %arg4[%add3A_307, %dma_start3A_308] : memref<20000x128xf32, #tpu.memory_space<hbm>> -> memref<16x128xf32, #tpu.memory_space<hbm>>
        %dma_start3A_310 = arith.constant 9984 : i32
        %dma_start3A_311 = arith.constant 0 : i32
        %dma_start3A_312 = tpu.memref_slice %arg8[%dma_start3A_310, %dma_start3A_311] : memref<10000x128xf32, #tpu.memory_space<vmem_shared>> -> memref<16x128xf32, #tpu.memory_space<vmem_shared>>
        tpu.enqueue_dma source(%dma_start3A_312 : memref<16x128xf32, #tpu.memory_space<vmem_shared>>) target(%dma_start3A_309 : memref<16x128xf32, #tpu.memory_space<hbm>>) target_semaphore(%run_scoped3A : memref<!tpu.dma_semaphore, #tpu.memory_space<semaphore_mem>>)
        %dma_wait3A_313 = arith.constant 0 : i32
        %dma_wait3A_314 = tpu.memref_slice %arg4[%add3A_307, %dma_wait3A_313] : memref<20000x128xf32, #tpu.memory_space<hbm>> -> memref<16x128xf32, #tpu.memory_space<hbm>>
        %dma_wait3A_315 = arith.constant 9984 : i32
        %dma_wait3A_316 = arith.constant 0 : i32
        %dma_wait3A_317 = tpu.memref_slice %arg8[%dma_wait3A_315, %dma_wait3A_316] : memref<10000x128xf32, #tpu.memory_space<vmem_shared>> -> memref<16x128xf32, #tpu.memory_space<vmem_shared>>
        tpu.wait_dma2 semaphore(%run_scoped3A : memref<!tpu.dma_semaphore, #tpu.memory_space<semaphore_mem>>) src(%dma_wait3A_317 : memref<16x128xf32, #tpu.memory_space<vmem_shared>>) dst(%dma_wait3A_314 : memref<16x128xf32, #tpu.memory_space<hbm>>)
        tpu.yield
      }) : () -> ()
    } else {
    }
    return
  }
}

#map = affine_map<(d0, d1) -> (0, 0)>
#map1 = affine_map<(d0, d1) -> (0)>
#map2 = affine_map<(d0, d1) -> (0, 0, 0)>
module attributes {stable_mosaic.version = 14 : i64} {
  func.func @_agg_body(%arg0: i32, %arg1: i32, %arg2: memref<10000x128xf32, #tpu.memory_space<hbm>>, %arg3: memref<320000xi32, #tpu.memory_space<hbm>>, %arg4: memref<32x125x80xi32, #tpu.memory_space<hbm>>, %arg5: memref<20000x128xf32, #tpu.memory_space<hbm>>, %arg6: memref<10000xi32, #tpu.memory_space<vmem>>, %arg7: memref<125x80xi32, #tpu.memory_space<vmem>>, %arg8: memref<80x128xf32, #tpu.memory_space<vmem>>, %arg9: memref<80x128xf32, #tpu.memory_space<vmem>>, %arg10: memref<10000x128xf32, #tpu.memory_space<vmem_shared>>, %arg11: memref<!tpu.dma_semaphore, #tpu.memory_space<semaphore_mem>>, %arg12: memref<!tpu.dma_semaphore, #tpu.memory_space<semaphore_mem>>) attributes {dimension_semantics = [#tpu.dimension_semantics<core_parallel>, #tpu.dimension_semantics<subcore_parallel>], iteration_bounds = array<i64: 2, 16>, scalar_prefetch = 0 : i64, scratch_operands = 7 : i64, tpu.core_type = #tpu.core_type<sc_vector_subcore>, window_params = [{transform_indices = #map}, {transform_indices = #map1}, {transform_indices = #map2}, {transform_indices = #map}]} {
    %mul3A = arith.constant 2 : i32
    %mul3A_0 = arith.muli %arg1, %mul3A : i32
    %add3A = arith.addi %mul3A_0, %arg0 : i32
    %mul3A_1 = arith.constant 624 : i32
    %mul3A_2 = arith.muli %arg1, %mul3A_1 : i32
    %mul3A_3 = arith.constant 10000 : i32
    %mul3A_4 = arith.muli %add3A, %mul3A_3 : i32
    "tpu.region"() ({
      %run_scoped3A_127 = tpu.sem_alloc : memref<!tpu.dma_semaphore, #tpu.memory_space<semaphore_mem>>
      %dma_start3A_128 = tpu.memref_slice %arg3[%mul3A_4] : memref<320000xi32, #tpu.memory_space<hbm>> -> memref<10000xi32, #tpu.memory_space<hbm>>
      %dma_start3A_129 = tpu.memref_slice %arg3[%mul3A_4] : memref<320000xi32, #tpu.memory_space<hbm>> -> memref<10000xi32, #tpu.memory_space<hbm>>
      tpu.enqueue_dma source(%dma_start3A_129 : memref<10000xi32, #tpu.memory_space<hbm>>) target(%arg6 : memref<10000xi32, #tpu.memory_space<vmem>>) target_semaphore(%run_scoped3A_127 : memref<!tpu.dma_semaphore, #tpu.memory_space<semaphore_mem>>)
      %dma_wait3A_130 = tpu.memref_slice %arg3[%mul3A_4] : memref<320000xi32, #tpu.memory_space<hbm>> -> memref<10000xi32, #tpu.memory_space<hbm>>
      %dma_wait3A_131 = tpu.memref_slice %arg3[%mul3A_4] : memref<320000xi32, #tpu.memory_space<hbm>> -> memref<10000xi32, #tpu.memory_space<hbm>>
      tpu.wait_dma2 semaphore(%run_scoped3A_127 : memref<!tpu.dma_semaphore, #tpu.memory_space<semaphore_mem>>) src(%dma_wait3A_131 : memref<10000xi32, #tpu.memory_space<hbm>>) dst(%arg6 : memref<10000xi32, #tpu.memory_space<vmem>>)
      tpu.yield
    }) : () -> ()
    "tpu.region"() ({
      %run_scoped3A_127 = tpu.sem_alloc : memref<!tpu.dma_semaphore, #tpu.memory_space<semaphore_mem>>
      %dma_start3A_128 = arith.constant 0 : i32
      %dma_start3A_129 = arith.constant 0 : i32
      %dma_start3A_130 = tpu.memref_slice %arg4[%add3A, %dma_start3A_128, %dma_start3A_129] : memref<32x125x80xi32, #tpu.memory_space<hbm>> -> memref<1x125x80xi32, #tpu.memory_space<hbm>>
      %dma_start3A_131 = tpu.memref_squeeze %dma_start3A_130 : memref<1x125x80xi32, #tpu.memory_space<hbm>> -> memref<125x80xi32, #tpu.memory_space<hbm>>
      %dma_start3A_132 = arith.constant 0 : i32
      %dma_start3A_133 = arith.constant 0 : i32
      %dma_start3A_134 = tpu.memref_slice %arg4[%add3A, %dma_start3A_132, %dma_start3A_133] : memref<32x125x80xi32, #tpu.memory_space<hbm>> -> memref<1x125x80xi32, #tpu.memory_space<hbm>>
      %dma_start3A_135 = tpu.memref_squeeze %dma_start3A_134 : memref<1x125x80xi32, #tpu.memory_space<hbm>> -> memref<125x80xi32, #tpu.memory_space<hbm>>
      tpu.enqueue_dma source(%dma_start3A_135 : memref<125x80xi32, #tpu.memory_space<hbm>>) target(%arg7 : memref<125x80xi32, #tpu.memory_space<vmem>>) target_semaphore(%run_scoped3A_127 : memref<!tpu.dma_semaphore, #tpu.memory_space<semaphore_mem>>)
      %dma_wait3A_136 = arith.constant 0 : i32
      %dma_wait3A_137 = arith.constant 0 : i32
      %dma_wait3A_138 = tpu.memref_slice %arg4[%add3A, %dma_wait3A_136, %dma_wait3A_137] : memref<32x125x80xi32, #tpu.memory_space<hbm>> -> memref<1x125x80xi32, #tpu.memory_space<hbm>>
      %dma_wait3A_139 = tpu.memref_squeeze %dma_wait3A_138 : memref<1x125x80xi32, #tpu.memory_space<hbm>> -> memref<125x80xi32, #tpu.memory_space<hbm>>
      %dma_wait3A_140 = arith.constant 0 : i32
      %dma_wait3A_141 = arith.constant 0 : i32
      %dma_wait3A_142 = tpu.memref_slice %arg4[%add3A, %dma_wait3A_140, %dma_wait3A_141] : memref<32x125x80xi32, #tpu.memory_space<hbm>> -> memref<1x125x80xi32, #tpu.memory_space<hbm>>
      %dma_wait3A_143 = tpu.memref_squeeze %dma_wait3A_142 : memref<1x125x80xi32, #tpu.memory_space<hbm>> -> memref<125x80xi32, #tpu.memory_space<hbm>>
      tpu.wait_dma2 semaphore(%run_scoped3A_127 : memref<!tpu.dma_semaphore, #tpu.memory_space<semaphore_mem>>) src(%dma_wait3A_143 : memref<125x80xi32, #tpu.memory_space<hbm>>) dst(%arg7 : memref<125x80xi32, #tpu.memory_space<vmem>>)
      tpu.yield
    }) : () -> ()
    %scan3A = arith.constant 0 : i32
    %scan3A_5 = arith.constant 0 : i32
    %scan3A_6 = arith.constant 80 : i32
    %scan3A_7 = arith.addi %scan3A_5, %scan3A_6 : i32
    %scan3A_8 = arith.constant 1 : i32
    scf.for %scan3A_127 = %scan3A_5 to %scan3A_7 step %scan3A_8  : i32 {
      %scan3A_128 = arith.constant 0 : i32
      %scan3A_129 = arith.constant 0 : i32
      %scan3A_130 = arith.constant 8 : i32
      %scan3A_131 = arith.addi %scan3A_129, %scan3A_130 : i32
      %scan3A_132 = arith.constant 1 : i32
      scf.for %scan3A_134 = %scan3A_129 to %scan3A_131 step %scan3A_132  : i32 {
        %broadcast_in_dim3A = arith.constant 0.000000e+00 : f32
        %broadcast_in_dim3A_135 = vector.broadcast %broadcast_in_dim3A : f32 to vector<16xf32>
        %mul3A_136 = arith.constant 16 : i32
        %mul3A_137 = arith.muli %scan3A_134, %mul3A_136 : i32
        %swap3A = arith.index_cast %scan3A_127 : i32 to index
        %swap3A_138 = arith.index_cast %mul3A_137 : i32 to index
        %swap3A_139 = tpu.vector_load %arg8[%swap3A, %swap3A_138] {strides = array<i32>} : memref<80x128xf32, #tpu.memory_space<vmem>>, vector<1x16xf32>,
        %swap3A_140 = vector.shape_cast %swap3A_139 : vector<1x16xf32> to vector<16xf32>
        %swap3A_141 = vector.shape_cast %broadcast_in_dim3A_135 : vector<16xf32> to vector<1x16xf32>
        tpu.vector_store %arg8[%swap3A, %swap3A_138], %swap3A_141 {strides = array<i32>} : memref<80x128xf32, #tpu.memory_space<vmem>>, vector<1x16xf32>,
      }
      %scan3A_133 = arith.constant 8 : i32
    }
    %scan3A_9 = arith.constant 80 : i32
    %add3A_10 = arith.constant 0 : i32
    %add3A_11 = arith.addi %mul3A_2, %add3A_10 : i32
    %dma_start3A = arith.constant 0 : i32
    %dma_start3A_12 = tpu.memref_slice %arg10[%add3A_11, %dma_start3A] : memref<10000x128xf32, #tpu.memory_space<vmem_shared>> -> memref<80x128xf32, #tpu.memory_space<vmem_shared>>
    %dma_start3A_13 = arith.constant 0 : i32
    %dma_start3A_14 = tpu.memref_slice %arg10[%add3A_11, %dma_start3A_13] : memref<10000x128xf32, #tpu.memory_space<vmem_shared>> -> memref<80x128xf32, #tpu.memory_space<vmem_shared>>
    tpu.enqueue_dma source(%arg8 : memref<80x128xf32, #tpu.memory_space<vmem>>) target(%dma_start3A_14 : memref<80x128xf32, #tpu.memory_space<vmem_shared>>) target_semaphore(%arg11 : memref<!tpu.dma_semaphore, #tpu.memory_space<semaphore_mem>>)
    %add3A_15 = arith.constant 80 : i32
    %add3A_16 = arith.addi %mul3A_2, %add3A_15 : i32
    %dma_start3A_17 = arith.constant 0 : i32
    %dma_start3A_18 = tpu.memref_slice %arg10[%add3A_16, %dma_start3A_17] : memref<10000x128xf32, #tpu.memory_space<vmem_shared>> -> memref<80x128xf32, #tpu.memory_space<vmem_shared>>
    %dma_start3A_19 = arith.constant 0 : i32
    %dma_start3A_20 = tpu.memref_slice %arg10[%add3A_16, %dma_start3A_19] : memref<10000x128xf32, #tpu.memory_space<vmem_shared>> -> memref<80x128xf32, #tpu.memory_space<vmem_shared>>
    tpu.enqueue_dma source(%arg8 : memref<80x128xf32, #tpu.memory_space<vmem>>) target(%dma_start3A_20 : memref<80x128xf32, #tpu.memory_space<vmem_shared>>) target_semaphore(%arg11 : memref<!tpu.dma_semaphore, #tpu.memory_space<semaphore_mem>>)
    %add3A_21 = arith.constant 160 : i32
    %add3A_22 = arith.addi %mul3A_2, %add3A_21 : i32
    %dma_start3A_23 = arith.constant 0 : i32
    %dma_start3A_24 = tpu.memref_slice %arg10[%add3A_22, %dma_start3A_23] : memref<10000x128xf32, #tpu.memory_space<vmem_shared>> -> memref<80x128xf32, #tpu.memory_space<vmem_shared>>
    %dma_start3A_25 = arith.constant 0 : i32
    %dma_start3A_26 = tpu.memref_slice %arg10[%add3A_22, %dma_start3A_25] : memref<10000x128xf32, #tpu.memory_space<vmem_shared>> -> memref<80x128xf32, #tpu.memory_space<vmem_shared>>
    tpu.enqueue_dma source(%arg8 : memref<80x128xf32, #tpu.memory_space<vmem>>) target(%dma_start3A_26 : memref<80x128xf32, #tpu.memory_space<vmem_shared>>) target_semaphore(%arg11 : memref<!tpu.dma_semaphore, #tpu.memory_space<semaphore_mem>>)
    %add3A_27 = arith.constant 240 : i32
    %add3A_28 = arith.addi %mul3A_2, %add3A_27 : i32
    %dma_start3A_29 = arith.constant 0 : i32
    %dma_start3A_30 = tpu.memref_slice %arg10[%add3A_28, %dma_start3A_29] : memref<10000x128xf32, #tpu.memory_space<vmem_shared>> -> memref<80x128xf32, #tpu.memory_space<vmem_shared>>
    %dma_start3A_31 = arith.constant 0 : i32
    %dma_start3A_32 = tpu.memref_slice %arg10[%add3A_28, %dma_start3A_31] : memref<10000x128xf32, #tpu.memory_space<vmem_shared>> -> memref<80x128xf32, #tpu.memory_space<vmem_shared>>
    tpu.enqueue_dma source(%arg8 : memref<80x128xf32, #tpu.memory_space<vmem>>) target(%dma_start3A_32 : memref<80x128xf32, #tpu.memory_space<vmem_shared>>) target_semaphore(%arg11 : memref<!tpu.dma_semaphore, #tpu.memory_space<semaphore_mem>>)
    %add3A_33 = arith.constant 320 : i32
    %add3A_34 = arith.addi %mul3A_2, %add3A_33 : i32
    %dma_start3A_35 = arith.constant 0 : i32
    %dma_start3A_36 = tpu.memref_slice %arg10[%add3A_34, %dma_start3A_35] : memref<10000x128xf32, #tpu.memory_space<vmem_shared>> -> memref<80x128xf32, #tpu.memory_space<vmem_shared>>
    %dma_start3A_37 = arith.constant 0 : i32
    %dma_start3A_38 = tpu.memref_slice %arg10[%add3A_34, %dma_start3A_37] : memref<10000x128xf32, #tpu.memory_space<vmem_shared>> -> memref<80x128xf32, #tpu.memory_space<vmem_shared>>
    tpu.enqueue_dma source(%arg8 : memref<80x128xf32, #tpu.memory_space<vmem>>) target(%dma_start3A_38 : memref<80x128xf32, #tpu.memory_space<vmem_shared>>) target_semaphore(%arg11 : memref<!tpu.dma_semaphore, #tpu.memory_space<semaphore_mem>>)
    %add3A_39 = arith.constant 400 : i32
    %add3A_40 = arith.addi %mul3A_2, %add3A_39 : i32
    %dma_start3A_41 = arith.constant 0 : i32
    %dma_start3A_42 = tpu.memref_slice %arg10[%add3A_40, %dma_start3A_41] : memref<10000x128xf32, #tpu.memory_space<vmem_shared>> -> memref<80x128xf32, #tpu.memory_space<vmem_shared>>
    %dma_start3A_43 = arith.constant 0 : i32
    %dma_start3A_44 = tpu.memref_slice %arg10[%add3A_40, %dma_start3A_43] : memref<10000x128xf32, #tpu.memory_space<vmem_shared>> -> memref<80x128xf32, #tpu.memory_space<vmem_shared>>
    tpu.enqueue_dma source(%arg8 : memref<80x128xf32, #tpu.memory_space<vmem>>) target(%dma_start3A_44 : memref<80x128xf32, #tpu.memory_space<vmem_shared>>) target_semaphore(%arg11 : memref<!tpu.dma_semaphore, #tpu.memory_space<semaphore_mem>>)
    %add3A_45 = arith.constant 480 : i32
    %add3A_46 = arith.addi %mul3A_2, %add3A_45 : i32
    %dma_start3A_47 = arith.constant 0 : i32
    %dma_start3A_48 = tpu.memref_slice %arg10[%add3A_46, %dma_start3A_47] : memref<10000x128xf32, #tpu.memory_space<vmem_shared>> -> memref<80x128xf32, #tpu.memory_space<vmem_shared>>
    %dma_start3A_49 = arith.constant 0 : i32
    %dma_start3A_50 = tpu.memref_slice %arg10[%add3A_46, %dma_start3A_49] : memref<10000x128xf32, #tpu.memory_space<vmem_shared>> -> memref<80x128xf32, #tpu.memory_space<vmem_shared>>
    tpu.enqueue_dma source(%arg8 : memref<80x128xf32, #tpu.memory_space<vmem>>) target(%dma_start3A_50 : memref<80x128xf32, #tpu.memory_space<vmem_shared>>) target_semaphore(%arg11 : memref<!tpu.dma_semaphore, #tpu.memory_space<semaphore_mem>>)
    %add3A_51 = arith.constant 560 : i32
    %add3A_52 = arith.addi %mul3A_2, %add3A_51 : i32
    %dma_start3A_53 = arith.constant 0 : i32
    %dma_start3A_54 = arith.constant 0 : i32
    %dma_start3A_55 = tpu.memref_slice %arg8[%dma_start3A_53, %dma_start3A_54] : memref<80x128xf32, #tpu.memory_space<vmem>> -> memref<64x128xf32, #tpu.memory_space<vmem>>
    %dma_start3A_56 = arith.constant 0 : i32
    %dma_start3A_57 = tpu.memref_slice %arg10[%add3A_52, %dma_start3A_56] : memref<10000x128xf32, #tpu.memory_space<vmem_shared>> -> memref<64x128xf32, #tpu.memory_space<vmem_shared>>
    %dma_start3A_58 = arith.constant 0 : i32
    %dma_start3A_59 = tpu.memref_slice %arg10[%add3A_52, %dma_start3A_58] : memref<10000x128xf32, #tpu.memory_space<vmem_shared>> -> memref<64x128xf32, #tpu.memory_space<vmem_shared>>
    %dma_start3A_60 = arith.constant 0 : i32
    %dma_start3A_61 = arith.constant 0 : i32
    %dma_start3A_62 = tpu.memref_slice %arg8[%dma_start3A_60, %dma_start3A_61] : memref<80x128xf32, #tpu.memory_space<vmem>> -> memref<64x128xf32, #tpu.memory_space<vmem>>
    tpu.enqueue_dma source(%dma_start3A_62 : memref<64x128xf32, #tpu.memory_space<vmem>>) target(%dma_start3A_59 : memref<64x128xf32, #tpu.memory_space<vmem_shared>>) target_semaphore(%arg12 : memref<!tpu.dma_semaphore, #tpu.memory_space<semaphore_mem>>)
    %eq3A = arith.constant 0 : i32
    %eq3A_63 = arith.cmpi eq, %arg1, %eq3A : i32
    %convert_element_type3A = arith.extui %eq3A_63 : i1 to i32
    %cond3A = arith.constant 0 : i32
    %cond3A_64 = arith.cmpi ne, %convert_element_type3A, %cond3A : i32
    scf.if %cond3A_64 {
      "tpu.region"() ({
        %run_scoped3A_127 = tpu.sem_alloc : memref<!tpu.dma_semaphore, #tpu.memory_space<semaphore_mem>>
        %dma_start3A_128 = arith.constant 0 : i32
        %dma_start3A_129 = arith.constant 0 : i32
        %dma_start3A_130 = tpu.memref_slice %arg8[%dma_start3A_128, %dma_start3A_129] : memref<80x128xf32, #tpu.memory_space<vmem>> -> memref<16x128xf32, #tpu.memory_space<vmem>>
        %dma_start3A_131 = arith.constant 9984 : i32
        %dma_start3A_132 = arith.constant 0 : i32
        %dma_start3A_133 = tpu.memref_slice %arg10[%dma_start3A_131, %dma_start3A_132] : memref<10000x128xf32, #tpu.memory_space<vmem_shared>> -> memref<16x128xf32, #tpu.memory_space<vmem_shared>>
        %dma_start3A_134 = arith.constant 9984 : i32
        %dma_start3A_135 = arith.constant 0 : i32
        %dma_start3A_136 = tpu.memref_slice %arg10[%dma_start3A_134, %dma_start3A_135] : memref<10000x128xf32, #tpu.memory_space<vmem_shared>> -> memref<16x128xf32, #tpu.memory_space<vmem_shared>>
        %dma_start3A_137 = arith.constant 0 : i32
        %dma_start3A_138 = arith.constant 0 : i32
        %dma_start3A_139 = tpu.memref_slice %arg8[%dma_start3A_137, %dma_start3A_138] : memref<80x128xf32, #tpu.memory_space<vmem>> -> memref<16x128xf32, #tpu.memory_space<vmem>>
        tpu.enqueue_dma source(%dma_start3A_139 : memref<16x128xf32, #tpu.memory_space<vmem>>) target(%dma_start3A_136 : memref<16x128xf32, #tpu.memory_space<vmem_shared>>) target_semaphore(%run_scoped3A_127 : memref<!tpu.dma_semaphore, #tpu.memory_space<semaphore_mem>>)
        %dma_wait3A_140 = arith.constant 0 : i32
        %dma_wait3A_141 = arith.constant 0 : i32
        %dma_wait3A_142 = tpu.memref_slice %arg8[%dma_wait3A_140, %dma_wait3A_141] : memref<80x128xf32, #tpu.memory_space<vmem>> -> memref<16x128xf32, #tpu.memory_space<vmem>>
        %dma_wait3A_143 = arith.constant 9984 : i32
        %dma_wait3A_144 = arith.constant 0 : i32
        %dma_wait3A_145 = tpu.memref_slice %arg10[%dma_wait3A_143, %dma_wait3A_144] : memref<10000x128xf32, #tpu.memory_space<vmem_shared>> -> memref<16x128xf32, #tpu.memory_space<vmem_shared>>
        %dma_wait3A_146 = arith.constant 9984 : i32
        %dma_wait3A_147 = arith.constant 0 : i32
        %dma_wait3A_148 = tpu.memref_slice %arg10[%dma_wait3A_146, %dma_wait3A_147] : memref<10000x128xf32, #tpu.memory_space<vmem_shared>> -> memref<16x128xf32, #tpu.memory_space<vmem_shared>>
        %dma_wait3A_149 = arith.constant 0 : i32
        %dma_wait3A_150 = arith.constant 0 : i32
        %dma_wait3A_151 = tpu.memref_slice %arg8[%dma_wait3A_149, %dma_wait3A_150] : memref<80x128xf32, #tpu.memory_space<vmem>> -> memref<16x128xf32, #tpu.memory_space<vmem>>
        tpu.wait_dma2 semaphore(%run_scoped3A_127 : memref<!tpu.dma_semaphore, #tpu.memory_space<semaphore_mem>>) src(%dma_wait3A_151 : memref<16x128xf32, #tpu.memory_space<vmem>>) dst(%dma_wait3A_148 : memref<16x128xf32, #tpu.memory_space<vmem_shared>>)
        tpu.yield
      }) : () -> ()
    } else {
    }
    %dma_wait3A = arith.constant 0 : i32
    %dma_wait3A_65 = tpu.memref_slice %arg10[%mul3A_2, %dma_wait3A] : memref<10000x128xf32, #tpu.memory_space<vmem_shared>> -> memref<80x128xf32, #tpu.memory_space<vmem_shared>>
    %dma_wait3A_66 = arith.constant 0 : i32
    %dma_wait3A_67 = tpu.memref_slice %arg10[%mul3A_2, %dma_wait3A_66] : memref<10000x128xf32, #tpu.memory_space<vmem_shared>> -> memref<80x128xf32, #tpu.memory_space<vmem_shared>>
    tpu.wait_dma2 semaphore(%arg11 : memref<!tpu.dma_semaphore, #tpu.memory_space<semaphore_mem>>) src(%arg8 : memref<80x128xf32, #tpu.memory_space<vmem>>) dst(%dma_wait3A_67 : memref<80x128xf32, #tpu.memory_space<vmem_shared>>)
    %dma_wait3A_68 = arith.constant 0 : i32
    %dma_wait3A_69 = tpu.memref_slice %arg10[%mul3A_2, %dma_wait3A_68] : memref<10000x128xf32, #tpu.memory_space<vmem_shared>> -> memref<80x128xf32, #tpu.memory_space<vmem_shared>>
    %dma_wait3A_70 = arith.constant 0 : i32
    %dma_wait3A_71 = tpu.memref_slice %arg10[%mul3A_2, %dma_wait3A_70] : memref<10000x128xf32, #tpu.memory_space<vmem_shared>> -> memref<80x128xf32, #tpu.memory_space<vmem_shared>>
    tpu.wait_dma2 semaphore(%arg11 : memref<!tpu.dma_semaphore, #tpu.memory_space<semaphore_mem>>) src(%arg8 : memref<80x128xf32, #tpu.memory_space<vmem>>) dst(%dma_wait3A_71 : memref<80x128xf32, #tpu.memory_space<vmem_shared>>)
    %dma_wait3A_72 = arith.constant 0 : i32
    %dma_wait3A_73 = tpu.memref_slice %arg10[%mul3A_2, %dma_wait3A_72] : memref<10000x128xf32, #tpu.memory_space<vmem_shared>> -> memref<80x128xf32, #tpu.memory_space<vmem_shared>>
    %dma_wait3A_74 = arith.constant 0 : i32
    %dma_wait3A_75 = tpu.memref_slice %arg10[%mul3A_2, %dma_wait3A_74] : memref<10000x128xf32, #tpu.memory_space<vmem_shared>> -> memref<80x128xf32, #tpu.memory_space<vmem_shared>>
    tpu.wait_dma2 semaphore(%arg11 : memref<!tpu.dma_semaphore, #tpu.memory_space<semaphore_mem>>) src(%arg8 : memref<80x128xf32, #tpu.memory_space<vmem>>) dst(%dma_wait3A_75 : memref<80x128xf32, #tpu.memory_space<vmem_shared>>)
    %dma_wait3A_76 = arith.constant 0 : i32
    %dma_wait3A_77 = tpu.memref_slice %arg10[%mul3A_2, %dma_wait3A_76] : memref<10000x128xf32, #tpu.memory_space<vmem_shared>> -> memref<80x128xf32, #tpu.memory_space<vmem_shared>>
    %dma_wait3A_78 = arith.constant 0 : i32
    %dma_wait3A_79 = tpu.memref_slice %arg10[%mul3A_2, %dma_wait3A_78] : memref<10000x128xf32, #tpu.memory_space<vmem_shared>> -> memref<80x128xf32, #tpu.memory_space<vmem_shared>>
    tpu.wait_dma2 semaphore(%arg11 : memref<!tpu.dma_semaphore, #tpu.memory_space<semaphore_mem>>) src(%arg8 : memref<80x128xf32, #tpu.memory_space<vmem>>) dst(%dma_wait3A_79 : memref<80x128xf32, #tpu.memory_space<vmem_shared>>)
    %dma_wait3A_80 = arith.constant 0 : i32
    %dma_wait3A_81 = tpu.memref_slice %arg10[%mul3A_2, %dma_wait3A_80] : memref<10000x128xf32, #tpu.memory_space<vmem_shared>> -> memref<80x128xf32, #tpu.memory_space<vmem_shared>>
    %dma_wait3A_82 = arith.constant 0 : i32
    %dma_wait3A_83 = tpu.memref_slice %arg10[%mul3A_2, %dma_wait3A_82] : memref<10000x128xf32, #tpu.memory_space<vmem_shared>> -> memref<80x128xf32, #tpu.memory_space<vmem_shared>>
    tpu.wait_dma2 semaphore(%arg11 : memref<!tpu.dma_semaphore, #tpu.memory_space<semaphore_mem>>) src(%arg8 : memref<80x128xf32, #tpu.memory_space<vmem>>) dst(%dma_wait3A_83 : memref<80x128xf32, #tpu.memory_space<vmem_shared>>)
    %dma_wait3A_84 = arith.constant 0 : i32
    %dma_wait3A_85 = tpu.memref_slice %arg10[%mul3A_2, %dma_wait3A_84] : memref<10000x128xf32, #tpu.memory_space<vmem_shared>> -> memref<80x128xf32, #tpu.memory_space<vmem_shared>>
    %dma_wait3A_86 = arith.constant 0 : i32
    %dma_wait3A_87 = tpu.memref_slice %arg10[%mul3A_2, %dma_wait3A_86] : memref<10000x128xf32, #tpu.memory_space<vmem_shared>> -> memref<80x128xf32, #tpu.memory_space<vmem_shared>>
    tpu.wait_dma2 semaphore(%arg11 : memref<!tpu.dma_semaphore, #tpu.memory_space<semaphore_mem>>) src(%arg8 : memref<80x128xf32, #tpu.memory_space<vmem>>) dst(%dma_wait3A_87 : memref<80x128xf32, #tpu.memory_space<vmem_shared>>)
    %dma_wait3A_88 = arith.constant 0 : i32
    %dma_wait3A_89 = tpu.memref_slice %arg10[%mul3A_2, %dma_wait3A_88] : memref<10000x128xf32, #tpu.memory_space<vmem_shared>> -> memref<80x128xf32, #tpu.memory_space<vmem_shared>>
    %dma_wait3A_90 = arith.constant 0 : i32
    %dma_wait3A_91 = tpu.memref_slice %arg10[%mul3A_2, %dma_wait3A_90] : memref<10000x128xf32, #tpu.memory_space<vmem_shared>> -> memref<80x128xf32, #tpu.memory_space<vmem_shared>>
    tpu.wait_dma2 semaphore(%arg11 : memref<!tpu.dma_semaphore, #tpu.memory_space<semaphore_mem>>) src(%arg8 : memref<80x128xf32, #tpu.memory_space<vmem>>) dst(%dma_wait3A_91 : memref<80x128xf32, #tpu.memory_space<vmem_shared>>)
    %dma_wait3A_92 = arith.constant 0 : i32
    %dma_wait3A_93 = arith.constant 0 : i32
    %dma_wait3A_94 = tpu.memref_slice %arg8[%dma_wait3A_92, %dma_wait3A_93] : memref<80x128xf32, #tpu.memory_space<vmem>> -> memref<64x128xf32, #tpu.memory_space<vmem>>
    %dma_wait3A_95 = arith.constant 0 : i32
    %dma_wait3A_96 = tpu.memref_slice %arg10[%mul3A_2, %dma_wait3A_95] : memref<10000x128xf32, #tpu.memory_space<vmem_shared>> -> memref<64x128xf32, #tpu.memory_space<vmem_shared>>
    %dma_wait3A_97 = arith.constant 0 : i32
    %dma_wait3A_98 = tpu.memref_slice %arg10[%mul3A_2, %dma_wait3A_97] : memref<10000x128xf32, #tpu.memory_space<vmem_shared>> -> memref<64x128xf32, #tpu.memory_space<vmem_shared>>
    %dma_wait3A_99 = arith.constant 0 : i32
    %dma_wait3A_100 = arith.constant 0 : i32
    %dma_wait3A_101 = tpu.memref_slice %arg8[%dma_wait3A_99, %dma_wait3A_100] : memref<80x128xf32, #tpu.memory_space<vmem>> -> memref<64x128xf32, #tpu.memory_space<vmem>>
    tpu.wait_dma2 semaphore(%arg12 : memref<!tpu.dma_semaphore, #tpu.memory_space<semaphore_mem>>) src(%dma_wait3A_101 : memref<64x128xf32, #tpu.memory_space<vmem>>) dst(%dma_wait3A_98 : memref<64x128xf32, #tpu.memory_space<vmem_shared>>)
    %dma_start3A_102 = arith.constant 0 : i32
    %dma_start3A_103 = tpu.memref_slice %arg6[%dma_start3A_102] : memref<10000xi32, #tpu.memory_space<vmem>> -> memref<80xi32, #tpu.memory_space<vmem>>
    %dma_start3A_104 = arith.constant 0 : i32
    %dma_start3A_105 = arith.constant 0 : i32
    %dma_start3A_106 = tpu.memref_slice %arg2[%dma_start3A_104, %dma_start3A_105] : memref<10000x128xf32, #tpu.memory_space<hbm>> -> memref<10000x128xf32, #tpu.memory_space<hbm>>
    tpu.enqueue_indirect_dma source(%dma_start3A_106 : memref<10000x128xf32, #tpu.memory_space<hbm>>) target(%arg8 : memref<80x128xf32, #tpu.memory_space<vmem>>) offsets(%dma_start3A_103 : memref<80xi32, #tpu.memory_space<vmem>>) semaphore(%arg11 : memref<!tpu.dma_semaphore, #tpu.memory_space<semaphore_mem>>)
    %barrier3A = arith.constant 0 : index
    tpu.barrier barrier_id(%barrier3A)
    %scan3A_107 = arith.constant 0 : i32
    %scan3A_108 = arith.constant 0 : i32
    %scan3A_109 = arith.constant 62 : i32
    %scan3A_110 = arith.addi %scan3A_108, %scan3A_109 : i32
    %scan3A_111 = arith.constant 1 : i32
    scf.for %scan3A_127 = %scan3A_108 to %scan3A_110 step %scan3A_111  : i32 {
      %mul3A_128 = arith.constant 2 : i32
      %mul3A_129 = arith.muli %mul3A_128, %scan3A_127 : i32
      %add3A_130 = arith.constant 1 : i32
      %add3A_131 = arith.addi %mul3A_129, %add3A_130 : i32
      %mul3A_132 = arith.constant 80 : i32
      %mul3A_133 = arith.muli %add3A_131, %mul3A_132 : i32
      %dma_start3A_134 = tpu.memref_slice %arg6[%mul3A_133] : memref<10000xi32, #tpu.memory_space<vmem>> -> memref<80xi32, #tpu.memory_space<vmem>>
      %dma_start3A_135 = arith.constant 0 : i32
      %dma_start3A_136 = arith.constant 0 : i32
      %dma_start3A_137 = tpu.memref_slice %arg2[%dma_start3A_135, %dma_start3A_136] : memref<10000x128xf32, #tpu.memory_space<hbm>> -> memref<10000x128xf32, #tpu.memory_space<hbm>>
      tpu.enqueue_indirect_dma source(%dma_start3A_137 : memref<10000x128xf32, #tpu.memory_space<hbm>>) target(%arg9 : memref<80x128xf32, #tpu.memory_space<vmem>>) offsets(%dma_start3A_134 : memref<80xi32, #tpu.memory_space<vmem>>) semaphore(%arg12 : memref<!tpu.dma_semaphore, #tpu.memory_space<semaphore_mem>>)
      %dma_wait3A_138 = arith.constant 0 : i32
      %dma_wait3A_139 = tpu.memref_slice %arg6[%dma_wait3A_138] : memref<10000xi32, #tpu.memory_space<vmem>> -> memref<80xi32, #tpu.memory_space<vmem>>
      %dma_wait3A_140 = arith.constant 0 : i32
      %dma_wait3A_141 = arith.constant 0 : i32
      %dma_wait3A_142 = tpu.memref_slice %arg2[%dma_wait3A_140, %dma_wait3A_141] : memref<10000x128xf32, #tpu.memory_space<hbm>> -> memref<10000x128xf32, #tpu.memory_space<hbm>>
      tpu.wait_indirect_dma semaphore(%arg11 : memref<!tpu.dma_semaphore, #tpu.memory_space<semaphore_mem>>) src(%dma_wait3A_142 : memref<10000x128xf32, #tpu.memory_space<hbm>>) dst(%arg8 : memref<80x128xf32, #tpu.memory_space<vmem>>)
      "tpu.region"() ({
        %run_scoped3A_157 = tpu.sem_alloc : memref<!tpu.dma_semaphore, #tpu.memory_space<semaphore_mem>>
        %dma_start3A_158 = arith.constant 0 : i32
        %dma_start3A_159 = tpu.memref_slice %arg7[%mul3A_129, %dma_start3A_158] : memref<125x80xi32, #tpu.memory_space<vmem>> -> memref<1x80xi32, #tpu.memory_space<vmem>>
        %dma_start3A_160 = tpu.memref_squeeze %dma_start3A_159 : memref<1x80xi32, #tpu.memory_space<vmem>> -> memref<80xi32, #tpu.memory_space<vmem>>
        %dma_start3A_161 = arith.constant 0 : i32
        %dma_start3A_162 = arith.constant 0 : i32
        %dma_start3A_163 = tpu.memref_slice %arg10[%dma_start3A_161, %dma_start3A_162] : memref<10000x128xf32, #tpu.memory_space<vmem_shared>> -> memref<10000x128xf32, #tpu.memory_space<vmem_shared>>
        tpu.enqueue_indirect_dma source(%arg8 : memref<80x128xf32, #tpu.memory_space<vmem>>) target(%dma_start3A_163 : memref<10000x128xf32, #tpu.memory_space<vmem_shared>>) offsets(%dma_start3A_160 : memref<80xi32, #tpu.memory_space<vmem>>) semaphore(%run_scoped3A_157 : memref<!tpu.dma_semaphore, #tpu.memory_space<semaphore_mem>>) {add = true}
        %dma_wait3A_164 = arith.constant 0 : i32
        %dma_wait3A_165 = tpu.memref_slice %arg7[%mul3A_129, %dma_wait3A_164] : memref<125x80xi32, #tpu.memory_space<vmem>> -> memref<1x80xi32, #tpu.memory_space<vmem>>
        %dma_wait3A_166 = tpu.memref_squeeze %dma_wait3A_165 : memref<1x80xi32, #tpu.memory_space<vmem>> -> memref<80xi32, #tpu.memory_space<vmem>>
        %dma_wait3A_167 = arith.constant 0 : i32
        %dma_wait3A_168 = arith.constant 0 : i32
        %dma_wait3A_169 = tpu.memref_slice %arg10[%dma_wait3A_167, %dma_wait3A_168] : memref<10000x128xf32, #tpu.memory_space<vmem_shared>> -> memref<10000x128xf32, #tpu.memory_space<vmem_shared>>
        tpu.wait_indirect_dma semaphore(%run_scoped3A_157 : memref<!tpu.dma_semaphore, #tpu.memory_space<semaphore_mem>>) src(%arg8 : memref<80x128xf32, #tpu.memory_space<vmem>>) dst(%dma_wait3A_169 : memref<10000x128xf32, #tpu.memory_space<vmem_shared>>)
        tpu.yield
      }) : () -> ()
      %add3A_143 = arith.constant 2 : i32
      %add3A_144 = arith.addi %mul3A_129, %add3A_143 : i32
      %mul3A_145 = arith.constant 80 : i32
      %mul3A_146 = arith.muli %add3A_144, %mul3A_145 : i32
      %dma_start3A_147 = tpu.memref_slice %arg6[%mul3A_146] : memref<10000xi32, #tpu.memory_space<vmem>> -> memref<80xi32, #tpu.memory_space<vmem>>
      %dma_start3A_148 = arith.constant 0 : i32
      %dma_start3A_149 = arith.constant 0 : i32
      %dma_start3A_150 = tpu.memref_slice %arg2[%dma_start3A_148, %dma_start3A_149] : memref<10000x128xf32, #tpu.memory_space<hbm>> -> memref<10000x128xf32, #tpu.memory_space<hbm>>
      tpu.enqueue_indirect_dma source(%dma_start3A_150 : memref<10000x128xf32, #tpu.memory_space<hbm>>) target(%arg8 : memref<80x128xf32, #tpu.memory_space<vmem>>) offsets(%dma_start3A_147 : memref<80xi32, #tpu.memory_space<vmem>>) semaphore(%arg11 : memref<!tpu.dma_semaphore, #tpu.memory_space<semaphore_mem>>)
      %dma_wait3A_151 = tpu.memref_slice %arg6[%mul3A_133] : memref<10000xi32, #tpu.memory_space<vmem>> -> memref<80xi32, #tpu.memory_space<vmem>>
      %dma_wait3A_152 = arith.constant 0 : i32
      %dma_wait3A_153 = arith.constant 0 : i32
      %dma_wait3A_154 = tpu.memref_slice %arg2[%dma_wait3A_152, %dma_wait3A_153] : memref<10000x128xf32, #tpu.memory_space<hbm>> -> memref<10000x128xf32, #tpu.memory_space<hbm>>
      tpu.wait_indirect_dma semaphore(%arg12 : memref<!tpu.dma_semaphore, #tpu.memory_space<semaphore_mem>>) src(%dma_wait3A_154 : memref<10000x128xf32, #tpu.memory_space<hbm>>) dst(%arg9 : memref<80x128xf32, #tpu.memory_space<vmem>>)
      %add3A_155 = arith.constant 1 : i32
      %add3A_156 = arith.addi %mul3A_129, %add3A_155 : i32
      "tpu.region"() ({
        %run_scoped3A_157 = tpu.sem_alloc : memref<!tpu.dma_semaphore, #tpu.memory_space<semaphore_mem>>
        %dma_start3A_158 = arith.constant 0 : i32
        %dma_start3A_159 = tpu.memref_slice %arg7[%add3A_156, %dma_start3A_158] : memref<125x80xi32, #tpu.memory_space<vmem>> -> memref<1x80xi32, #tpu.memory_space<vmem>>
        %dma_start3A_160 = tpu.memref_squeeze %dma_start3A_159 : memref<1x80xi32, #tpu.memory_space<vmem>> -> memref<80xi32, #tpu.memory_space<vmem>>
        %dma_start3A_161 = arith.constant 0 : i32
        %dma_start3A_162 = arith.constant 0 : i32
        %dma_start3A_163 = tpu.memref_slice %arg10[%dma_start3A_161, %dma_start3A_162] : memref<10000x128xf32, #tpu.memory_space<vmem_shared>> -> memref<10000x128xf32, #tpu.memory_space<vmem_shared>>
        tpu.enqueue_indirect_dma source(%arg9 : memref<80x128xf32, #tpu.memory_space<vmem>>) target(%dma_start3A_163 : memref<10000x128xf32, #tpu.memory_space<vmem_shared>>) offsets(%dma_start3A_160 : memref<80xi32, #tpu.memory_space<vmem>>) semaphore(%run_scoped3A_157 : memref<!tpu.dma_semaphore, #tpu.memory_space<semaphore_mem>>) {add = true}
        %dma_wait3A_164 = arith.constant 0 : i32
        %dma_wait3A_165 = tpu.memref_slice %arg7[%add3A_156, %dma_wait3A_164] : memref<125x80xi32, #tpu.memory_space<vmem>> -> memref<1x80xi32, #tpu.memory_space<vmem>>
        %dma_wait3A_166 = tpu.memref_squeeze %dma_wait3A_165 : memref<1x80xi32, #tpu.memory_space<vmem>> -> memref<80xi32, #tpu.memory_space<vmem>>
        %dma_wait3A_167 = arith.constant 0 : i32
        %dma_wait3A_168 = arith.constant 0 : i32
        %dma_wait3A_169 = tpu.memref_slice %arg10[%dma_wait3A_167, %dma_wait3A_168] : memref<10000x128xf32, #tpu.memory_space<vmem_shared>> -> memref<10000x128xf32, #tpu.memory_space<vmem_shared>>
        tpu.wait_indirect_dma semaphore(%run_scoped3A_157 : memref<!tpu.dma_semaphore, #tpu.memory_space<semaphore_mem>>) src(%arg9 : memref<80x128xf32, #tpu.memory_space<vmem>>) dst(%dma_wait3A_169 : memref<10000x128xf32, #tpu.memory_space<vmem_shared>>)
        tpu.yield
      }) : () -> ()
    }
    %scan3A_112 = arith.constant 62 : i32
    %dma_wait3A_113 = arith.constant 0 : i32
    %dma_wait3A_114 = tpu.memref_slice %arg6[%dma_wait3A_113] : memref<10000xi32, #tpu.memory_space<vmem>> -> memref<80xi32, #tpu.memory_space<vmem>>
    %dma_wait3A_115 = arith.constant 0 : i32
    %dma_wait3A_116 = arith.constant 0 : i32
    %dma_wait3A_117 = tpu.memref_slice %arg2[%dma_wait3A_115, %dma_wait3A_116] : memref<10000x128xf32, #tpu.memory_space<hbm>> -> memref<10000x128xf32, #tpu.memory_space<hbm>>
    tpu.wait_indirect_dma semaphore(%arg11 : memref<!tpu.dma_semaphore, #tpu.memory_space<semaphore_mem>>) src(%dma_wait3A_117 : memref<10000x128xf32, #tpu.memory_space<hbm>>) dst(%arg8 : memref<80x128xf32, #tpu.memory_space<vmem>>)
    %run_scoped3A = arith.constant 124 : i32
    "tpu.region"() ({
      %run_scoped3A_127 = tpu.sem_alloc : memref<!tpu.dma_semaphore, #tpu.memory_space<semaphore_mem>>
      %dma_start3A_128 = arith.constant 0 : i32
      %dma_start3A_129 = tpu.memref_slice %arg7[%run_scoped3A, %dma_start3A_128] : memref<125x80xi32, #tpu.memory_space<vmem>> -> memref<1x80xi32, #tpu.memory_space<vmem>>
      %dma_start3A_130 = tpu.memref_squeeze %dma_start3A_129 : memref<1x80xi32, #tpu.memory_space<vmem>> -> memref<80xi32, #tpu.memory_space<vmem>>
      %dma_start3A_131 = arith.constant 0 : i32
      %dma_start3A_132 = arith.constant 0 : i32
      %dma_start3A_133 = tpu.memref_slice %arg10[%dma_start3A_131, %dma_start3A_132] : memref<10000x128xf32, #tpu.memory_space<vmem_shared>> -> memref<10000x128xf32, #tpu.memory_space<vmem_shared>>
      tpu.enqueue_indirect_dma source(%arg8 : memref<80x128xf32, #tpu.memory_space<vmem>>) target(%dma_start3A_133 : memref<10000x128xf32, #tpu.memory_space<vmem_shared>>) offsets(%dma_start3A_130 : memref<80xi32, #tpu.memory_space<vmem>>) semaphore(%run_scoped3A_127 : memref<!tpu.dma_semaphore, #tpu.memory_space<semaphore_mem>>) {add = true}
      %dma_wait3A_134 = arith.constant 0 : i32
      %dma_wait3A_135 = tpu.memref_slice %arg7[%run_scoped3A, %dma_wait3A_134] : memref<125x80xi32, #tpu.memory_space<vmem>> -> memref<1x80xi32, #tpu.memory_space<vmem>>
      %dma_wait3A_136 = tpu.memref_squeeze %dma_wait3A_135 : memref<1x80xi32, #tpu.memory_space<vmem>> -> memref<80xi32, #tpu.memory_space<vmem>>
      %dma_wait3A_137 = arith.constant 0 : i32
      %dma_wait3A_138 = arith.constant 0 : i32
      %dma_wait3A_139 = tpu.memref_slice %arg10[%dma_wait3A_137, %dma_wait3A_138] : memref<10000x128xf32, #tpu.memory_space<vmem_shared>> -> memref<10000x128xf32, #tpu.memory_space<vmem_shared>>
      tpu.wait_indirect_dma semaphore(%run_scoped3A_127 : memref<!tpu.dma_semaphore, #tpu.memory_space<semaphore_mem>>) src(%arg8 : memref<80x128xf32, #tpu.memory_space<vmem>>) dst(%dma_wait3A_139 : memref<10000x128xf32, #tpu.memory_space<vmem_shared>>)
      tpu.yield
    }) : () -> ()
    %barrier3A_118 = arith.constant 0 : index
    tpu.barrier barrier_id(%barrier3A_118)
    %mul3A_119 = arith.constant 10000 : i32
    %mul3A_120 = arith.muli %arg0, %mul3A_119 : i32
    %add3A_121 = arith.addi %mul3A_120, %mul3A_2 : i32
    "tpu.region"() ({
      %run_scoped3A_127 = tpu.sem_alloc : memref<!tpu.dma_semaphore, #tpu.memory_space<semaphore_mem>>
      %dma_start3A_128 = arith.constant 0 : i32
      %dma_start3A_129 = tpu.memref_slice %arg5[%add3A_121, %dma_start3A_128] : memref<20000x128xf32, #tpu.memory_space<hbm>> -> memref<624x128xf32, #tpu.memory_space<hbm>>
      %dma_start3A_130 = arith.constant 0 : i32
      %dma_start3A_131 = tpu.memref_slice %arg10[%mul3A_2, %dma_start3A_130] : memref<10000x128xf32, #tpu.memory_space<vmem_shared>> -> memref<624x128xf32, #tpu.memory_space<vmem_shared>>
      tpu.enqueue_dma source(%dma_start3A_131 : memref<624x128xf32, #tpu.memory_space<vmem_shared>>) target(%dma_start3A_129 : memref<624x128xf32, #tpu.memory_space<hbm>>) target_semaphore(%run_scoped3A_127 : memref<!tpu.dma_semaphore, #tpu.memory_space<semaphore_mem>>)
      %dma_wait3A_132 = arith.constant 0 : i32
      %dma_wait3A_133 = tpu.memref_slice %arg5[%add3A_121, %dma_wait3A_132] : memref<20000x128xf32, #tpu.memory_space<hbm>> -> memref<624x128xf32, #tpu.memory_space<hbm>>
      %dma_wait3A_134 = arith.constant 0 : i32
      %dma_wait3A_135 = tpu.memref_slice %arg10[%mul3A_2, %dma_wait3A_134] : memref<10000x128xf32, #tpu.memory_space<vmem_shared>> -> memref<624x128xf32, #tpu.memory_space<vmem_shared>>
      tpu.wait_dma2 semaphore(%run_scoped3A_127 : memref<!tpu.dma_semaphore, #tpu.memory_space<semaphore_mem>>) src(%dma_wait3A_135 : memref<624x128xf32, #tpu.memory_space<vmem_shared>>) dst(%dma_wait3A_133 : memref<624x128xf32, #tpu.memory_space<hbm>>)
      tpu.yield
    }) : () -> ()
    %eq3A_122 = arith.constant 0 : i32
    %eq3A_123 = arith.cmpi eq, %arg1, %eq3A_122 : i32
    %convert_element_type3A_124 = arith.extui %eq3A_123 : i1 to i32
    %cond3A_125 = arith.constant 0 : i32
    %cond3A_126 = arith.cmpi ne, %convert_element_type3A_124, %cond3A_125 : i32
    scf.if %cond3A_126 {
      %mul3A_127 = arith.constant 10000 : i32
      %mul3A_128 = arith.muli %arg0, %mul3A_127 : i32
      %add3A_129 = arith.constant 9984 : i32
      %add3A_130 = arith.addi %mul3A_128, %add3A_129 : i32
      "tpu.region"() ({
        %run_scoped3A_131 = tpu.sem_alloc : memref<!tpu.dma_semaphore, #tpu.memory_space<semaphore_mem>>
        %dma_start3A_132 = arith.constant 0 : i32
        %dma_start3A_133 = tpu.memref_slice %arg5[%add3A_130, %dma_start3A_132] : memref<20000x128xf32, #tpu.memory_space<hbm>> -> memref<16x128xf32, #tpu.memory_space<hbm>>
        %dma_start3A_134 = arith.constant 9984 : i32
        %dma_start3A_135 = arith.constant 0 : i32
        %dma_start3A_136 = tpu.memref_slice %arg10[%dma_start3A_134, %dma_start3A_135] : memref<10000x128xf32, #tpu.memory_space<vmem_shared>> -> memref<16x128xf32, #tpu.memory_space<vmem_shared>>
        tpu.enqueue_dma source(%dma_start3A_136 : memref<16x128xf32, #tpu.memory_space<vmem_shared>>) target(%dma_start3A_133 : memref<16x128xf32, #tpu.memory_space<hbm>>) target_semaphore(%run_scoped3A_131 : memref<!tpu.dma_semaphore, #tpu.memory_space<semaphore_mem>>)
        %dma_wait3A_137 = arith.constant 0 : i32
        %dma_wait3A_138 = tpu.memref_slice %arg5[%add3A_130, %dma_wait3A_137] : memref<20000x128xf32, #tpu.memory_space<hbm>> -> memref<16x128xf32, #tpu.memory_space<hbm>>
        %dma_wait3A_139 = arith.constant 9984 : i32
        %dma_wait3A_140 = arith.constant 0 : i32
        %dma_wait3A_141 = tpu.memref_slice %arg10[%dma_wait3A_139, %dma_wait3A_140] : memref<10000x128xf32, #tpu.memory_space<vmem_shared>> -> memref<16x128xf32, #tpu.memory_space<vmem_shared>>
        tpu.wait_dma2 semaphore(%run_scoped3A_131 : memref<!tpu.dma_semaphore, #tpu.memory_space<semaphore_mem>>) src(%dma_wait3A_141 : memref<16x128xf32, #tpu.memory_space<vmem_shared>>) dst(%dma_wait3A_138 : memref<16x128xf32, #tpu.memory_space<hbm>>)
        tpu.yield
      }) : () -> ()
    } else {
    }
    return
  }
}

module attributes {stable_mosaic.version = 14 : i64} {
  func.func @_tc_mid_body(%arg0: i32, %arg1: memref<2x1000x128xf32, #tpu.memory_space<vmem>>, %arg2: memref<1000x128xf32, #tpu.memory_space<vmem>>, %arg3: memref<1x128xf32, #tpu.memory_space<vmem>>, %arg4: memref<128x128xf32, #tpu.memory_space<vmem>>, %arg5: memref<1000x128xf32, #tpu.memory_space<vmem>>) attributes {dimension_semantics = [#tpu.dimension_semantics<arbitrary>], iteration_bounds = array<i64: 10>, scalar_prefetch = 0 : i64, scratch_operands = 0 : i64, tpu.core_type = #tpu.core_type<tc>, window_params = [{transform_indices = @transform_0, window_bounds = array<i64: 2, 1000, 128>}, {transform_indices = @transform_1, window_bounds = array<i64: 1000, 128>}, {pipeline_mode = #tpu.pipeline_mode<synchronous>, transform_indices = @transform_2, window_bounds = array<i64: 1, 128>}, {pipeline_mode = #tpu.pipeline_mode<synchronous>, transform_indices = @transform_3, window_bounds = array<i64: 128, 128>}, {transform_indices = @transform_4, window_bounds = array<i64: 1000, 128>}]} {
    %get3A = arith.constant 0 : index
    %get3A_0 = arith.constant 0 : index
    %get3A_1 = arith.constant 0 : index
    %get3A_2 = vector.load %arg1[%get3A, %get3A_0, %get3A_1] : memref<2x1000x128xf32, #tpu.memory_space<vmem>>, vector<1x1000x128xf32>
    %get3A_3 = vector.shape_cast %get3A_2 : vector<1x1000x128xf32> to vector<1000x128xf32>
    %get3A_4 = arith.constant 1 : index
    %get3A_5 = arith.constant 0 : index
    %get3A_6 = arith.constant 0 : index
    %get3A_7 = vector.load %arg1[%get3A_4, %get3A_5, %get3A_6] : memref<2x1000x128xf32, #tpu.memory_space<vmem>>, vector<1x1000x128xf32>
    %get3A_8 = vector.shape_cast %get3A_7 : vector<1x1000x128xf32> to vector<1000x128xf32>
    %add3A = arith.addf %get3A_3, %get3A_8 : vector<1000x128xf32>
    %get3A_9 = arith.constant 0 : index
    %get3A_10 = arith.constant 0 : index
    %get3A_11 = vector.load %arg2[%get3A_9, %get3A_10] : memref<1000x128xf32, #tpu.memory_space<vmem>>, vector<1000x128xf32>
    %slice3A = vector.extract_strided_slice %get3A_11 {offsets = [0, 1], sizes = [1000, 1], strides = [1, 1]} : vector<1000x128xf32> to vector<1000x1xf32>
    %mul3A = vector.broadcast %slice3A : vector<1000x1xf32> to vector<1000x128xf32>
    %mul3A_12 = arith.mulf %add3A, %mul3A : vector<1000x128xf32>
    %get3A_13 = arith.constant 0 : index
    %get3A_14 = arith.constant 0 : index
    %get3A_15 = vector.load %arg3[%get3A_13, %get3A_14] : memref<1x128xf32, #tpu.memory_space<vmem>>, vector<1x128xf32>
    %add3A_16 = vector.broadcast %get3A_15 : vector<1x128xf32> to vector<1000x128xf32>
    %add3A_17 = arith.addf %mul3A_12, %add3A_16 : vector<1000x128xf32>
    %max3A = arith.constant 0.000000e+00 : f32
    %max3A_18 = vector.broadcast %max3A : f32 to vector<1000x128xf32>
    %max3A_19 = arith.maximumf %add3A_17, %max3A_18 : vector<1000x128xf32>
    %slice3A_20 = vector.extract_strided_slice %get3A_11 {offsets = [0, 0], sizes = [1000, 1], strides = [1, 1]} : vector<1000x128xf32> to vector<1000x1xf32>
    %mul3A_21 = vector.broadcast %slice3A_20 : vector<1000x1xf32> to vector<1000x128xf32>
    %mul3A_22 = arith.mulf %max3A_19, %mul3A_21 : vector<1000x128xf32>
    %get3A_23 = arith.constant 0 : index
    %get3A_24 = arith.constant 0 : index
    %get3A_25 = vector.load %arg4[%get3A_23, %get3A_24] : memref<128x128xf32, #tpu.memory_space<vmem>>, vector<128x128xf32>
    %dot_general3A = arith.constant dense<0.000000e+00> : vector<1000x128xf32>
    %dot_general3A_26 = tpu.matmul %mul3A_22, %get3A_25, %dot_general3A {dimension_numbers = #tpu.dot_dimension_numbers<[1], [0], [0], [1], [0, 0, 1, 1], [], []>, transpose_lhs_hint = false} : vector<1000x128xf32>, vector<128x128xf32>, vector<1000x128xf32> -> vector<1000x128xf32>
    %swap3A = arith.constant 0 : index
    %swap3A_27 = arith.constant 0 : index
    %swap3A_28 = vector.load %arg5[%swap3A, %swap3A_27] : memref<1000x128xf32, #tpu.memory_space<vmem>>, vector<1000x128xf32>
    tpu.vector_store %arg5[%swap3A, %swap3A_27], %dot_general3A_26 {strides = array<i32>} : memref<1000x128xf32, #tpu.memory_space<vmem>>, vector<1000x128xf32>,
    return
  }
  func.func @transform_0(%arg0: i32) -> (i32, i32, i32) {
    %c0_i32 = arith.constant 0 : i32
    %c0_i32_0 = arith.constant 0 : i32
    %c0_i32_1 = arith.constant 0 : i32
    return %c0_i32, %arg0, %c0_i32_0 : i32, i32, i32
  }
  func.func @transform_1(%arg0: i32) -> (i32, i32) {
    %c0_i32 = arith.constant 0 : i32
    %c0_i32_0 = arith.constant 0 : i32
    return %arg0, %c0_i32 : i32, i32
  }
  func.func @transform_2(%arg0: i32) -> (i32, i32) {
    %c0_i32 = arith.constant 0 : i32
    %c0_i32_0 = arith.constant 0 : i32
    %c0_i32_1 = arith.constant 0 : i32
    return %c0_i32, %c0_i32_0 : i32, i32
  }
  func.func @transform_3(%arg0: i32) -> (i32, i32) {
    %c0_i32 = arith.constant 0 : i32
    %c0_i32_0 = arith.constant 0 : i32
    %c0_i32_1 = arith.constant 0 : i32
    return %c0_i32, %c0_i32_0 : i32, i32
  }
  func.func @transform_4(%arg0: i32) -> (i32, i32) {
    %c0_i32 = arith.constant 0 : i32
    %c0_i32_0 = arith.constant 0 : i32
    return %arg0, %c0_i32 : i32, i32
  }
}

module attributes {stable_mosaic.version = 14 : i64} {
  func.func @_tc_first_body(%arg0: i32, %arg1: memref<1000x128xf32, #tpu.memory_space<vmem>>, %arg2: memref<2x1000x128xf32, #tpu.memory_space<vmem>>, %arg3: memref<128x128xf32, #tpu.memory_space<vmem>>, %arg4: memref<1000x128xf32, #tpu.memory_space<vmem>>, %arg5: memref<1000x128xf32, #tpu.memory_space<vmem>>) attributes {dimension_semantics = [#tpu.dimension_semantics<arbitrary>], iteration_bounds = array<i64: 10>, scalar_prefetch = 0 : i64, scratch_operands = 0 : i64, tpu.core_type = #tpu.core_type<tc>, window_params = [{transform_indices = @transform_0, window_bounds = array<i64: 1000, 128>}, {transform_indices = @transform_1, window_bounds = array<i64: 2, 1000, 128>}, {pipeline_mode = #tpu.pipeline_mode<synchronous>, transform_indices = @transform_2, window_bounds = array<i64: 128, 128>}, {transform_indices = @transform_3, window_bounds = array<i64: 1000, 128>}, {transform_indices = @transform_4, window_bounds = array<i64: 1000, 128>}]} {
    %get3A = arith.constant 0 : index
    %get3A_0 = arith.constant 0 : index
    %get3A_1 = arith.constant 0 : index
    %get3A_2 = vector.load %arg2[%get3A, %get3A_0, %get3A_1] : memref<2x1000x128xf32, #tpu.memory_space<vmem>>, vector<2x1000x128xf32>
    %slice3A = vector.extract_strided_slice %get3A_2 {offsets = [0, 0, 0], sizes = [1, 1000, 1], strides = [1, 1, 1]} : vector<2x1000x128xf32> to vector<1x1000x1xf32>
    %squeeze3A = vector.shape_cast %slice3A : vector<1x1000x1xf32> to vector<1000x1xf32>
    %max3A = arith.constant 1.000000e+00 : f32
    %max3A_3 = vector.broadcast %max3A : f32 to vector<1000x1xf32>
    %max3A_4 = arith.maximumf %squeeze3A, %max3A_3 : vector<1000x1xf32>
    %rsqrt3A = math.rsqrt %max3A_4 : vector<1000x1xf32>
    %slice3A_5 = vector.extract_strided_slice %get3A_2 {offsets = [1, 0, 0], sizes = [1, 1000, 1], strides = [1, 1, 1]} : vector<2x1000x128xf32> to vector<1x1000x1xf32>
    %squeeze3A_6 = vector.shape_cast %slice3A_5 : vector<1x1000x1xf32> to vector<1000x1xf32>
    %max3A_7 = arith.constant 1.000000e+00 : f32
    %max3A_8 = vector.broadcast %max3A_7 : f32 to vector<1000x1xf32>
    %max3A_9 = arith.maximumf %squeeze3A_6, %max3A_8 : vector<1000x1xf32>
    %rsqrt3A_10 = math.rsqrt %max3A_9 : vector<1000x1xf32>
    %get3A_11 = arith.constant 0 : index
    %get3A_12 = arith.constant 0 : index
    %get3A_13 = vector.load %arg1[%get3A_11, %get3A_12] : memref<1000x128xf32, #tpu.memory_space<vmem>>, vector<1000x128xf32>
    %mul3A = vector.broadcast %rsqrt3A : vector<1000x1xf32> to vector<1000x128xf32>
    %mul3A_14 = arith.mulf %get3A_13, %mul3A : vector<1000x128xf32>
    %get3A_15 = arith.constant 0 : index
    %get3A_16 = arith.constant 0 : index
    %get3A_17 = vector.load %arg3[%get3A_15, %get3A_16] : memref<128x128xf32, #tpu.memory_space<vmem>>, vector<128x128xf32>
    %dot_general3A = arith.constant dense<0.000000e+00> : vector<1000x128xf32>
    %dot_general3A_18 = tpu.matmul %mul3A_14, %get3A_17, %dot_general3A {dimension_numbers = #tpu.dot_dimension_numbers<[1], [0], [0], [1], [0, 0, 1, 1], [], []>, transpose_lhs_hint = false} : vector<1000x128xf32>, vector<128x128xf32>, vector<1000x128xf32> -> vector<1000x128xf32>
    %swap3A = arith.constant 0 : index
    %swap3A_19 = arith.constant 0 : index
    %swap3A_20 = vector.load %arg4[%swap3A, %swap3A_19] : memref<1000x128xf32, #tpu.memory_space<vmem>>, vector<1000x128xf32>
    tpu.vector_store %arg4[%swap3A, %swap3A_19], %dot_general3A_18 {strides = array<i32>} : memref<1000x128xf32, #tpu.memory_space<vmem>>, vector<1000x128xf32>,
    %iota3A = tpu.iota {dimensions = array<i32: 1>} : vector<1000x128xi32>
    %eq3A = arith.constant 0 : i32
    %eq3A_21 = vector.broadcast %eq3A : i32 to vector<1000x128xi32>
    %eq3A_22 = arith.cmpi eq, %iota3A, %eq3A_21 : vector<1000x128xi32>
    %eq3A_23 = arith.constant 1 : i32
    %eq3A_24 = vector.broadcast %eq3A_23 : i32 to vector<1000x128xi32>
    %eq3A_25 = arith.cmpi eq, %iota3A, %eq3A_24 : vector<1000x128xi32>
    %jit3A = arith.constant 0.000000e+00 : f32
    %broadcast_in_dim3A = vector.shape_cast %rsqrt3A_10 : vector<1000x1xf32> to vector<1000x1xf32>
    %broadcast_in_dim3A_26 = vector.broadcast %broadcast_in_dim3A : vector<1000x1xf32> to vector<1000x128xf32>
    %broadcast_in_dim3A_27 = vector.broadcast %jit3A : f32 to vector<1000x128xf32>
    %select_n3A = arith.select %eq3A_25, %broadcast_in_dim3A_26, %broadcast_in_dim3A_27 : vector<1000x128xi1>, vector<1000x128xf32>
    %broadcast_in_dim3A_28 = vector.shape_cast %rsqrt3A : vector<1000x1xf32> to vector<1000x1xf32>
    %broadcast_in_dim3A_29 = vector.broadcast %broadcast_in_dim3A_28 : vector<1000x1xf32> to vector<1000x128xf32>
    %select_n3A_30 = arith.select %eq3A_22, %broadcast_in_dim3A_29, %select_n3A : vector<1000x128xi1>, vector<1000x128xf32>
    %swap3A_31 = arith.constant 0 : index
    %swap3A_32 = arith.constant 0 : index
    %swap3A_33 = vector.load %arg5[%swap3A_31, %swap3A_32] : memref<1000x128xf32, #tpu.memory_space<vmem>>, vector<1000x128xf32>
    tpu.vector_store %arg5[%swap3A_31, %swap3A_32], %select_n3A_30 {strides = array<i32>} : memref<1000x128xf32, #tpu.memory_space<vmem>>, vector<1000x128xf32>,
    return
  }
  func.func @transform_0(%arg0: i32) -> (i32, i32) {
    %c0_i32 = arith.constant 0 : i32
    %c0_i32_0 = arith.constant 0 : i32
    return %arg0, %c0_i32 : i32, i32
  }
  func.func @transform_1(%arg0: i32) -> (i32, i32, i32) {
    %c0_i32 = arith.constant 0 : i32
    %c0_i32_0 = arith.constant 0 : i32
    %c0_i32_1 = arith.constant 0 : i32
    return %c0_i32, %arg0, %c0_i32_0 : i32, i32, i32
  }
  func.func @transform_2(%arg0: i32) -> (i32, i32) {
    %c0_i32 = arith.constant 0 : i32
    %c0_i32_0 = arith.constant 0 : i32
    %c0_i32_1 = arith.constant 0 : i32
    return %c0_i32, %c0_i32_0 : i32, i32
  }
  func.func @transform_3(%arg0: i32) -> (i32, i32) {
    %c0_i32 = arith.constant 0 : i32
    %c0_i32_0 = arith.constant 0 : i32
    return %arg0, %c0_i32 : i32, i32
  }
  func.func @transform_4(%arg0: i32) -> (i32, i32) {
    %c0_i32 = arith.constant 0 : i32
    %c0_i32_0 = arith.constant 0 : i32
    return %arg0, %c0_i32 : i32, i32
  }
}

module attributes {stable_mosaic.version = 14 : i64} {
  func.func @_tc_last_body(%arg0: i32, %arg1: memref<2x1000x128xf32, #tpu.memory_space<vmem>>, %arg2: memref<1000x128xf32, #tpu.memory_space<vmem>>, %arg3: memref<1x128xf32, #tpu.memory_space<vmem>>, %arg4: memref<1000x128xf32, #tpu.memory_space<vmem>>) attributes {dimension_semantics = [#tpu.dimension_semantics<arbitrary>], iteration_bounds = array<i64: 10>, scalar_prefetch = 0 : i64, scratch_operands = 0 : i64, tpu.core_type = #tpu.core_type<tc>, window_params = [{transform_indices = @transform_0, window_bounds = array<i64: 2, 1000, 128>}, {transform_indices = @transform_1, window_bounds = array<i64: 1000, 128>}, {pipeline_mode = #tpu.pipeline_mode<synchronous>, transform_indices = @transform_2, window_bounds = array<i64: 1, 128>}, {transform_indices = @transform_3, window_bounds = array<i64: 1000, 128>}]} {
    %get3A = arith.constant 0 : index
    %get3A_0 = arith.constant 0 : index
    %get3A_1 = arith.constant 0 : index
    %get3A_2 = vector.load %arg1[%get3A, %get3A_0, %get3A_1] : memref<2x1000x128xf32, #tpu.memory_space<vmem>>, vector<1x1000x128xf32>
    %get3A_3 = vector.shape_cast %get3A_2 : vector<1x1000x128xf32> to vector<1000x128xf32>
    %get3A_4 = arith.constant 1 : index
    %get3A_5 = arith.constant 0 : index
    %get3A_6 = arith.constant 0 : index
    %get3A_7 = vector.load %arg1[%get3A_4, %get3A_5, %get3A_6] : memref<2x1000x128xf32, #tpu.memory_space<vmem>>, vector<1x1000x128xf32>
    %get3A_8 = vector.shape_cast %get3A_7 : vector<1x1000x128xf32> to vector<1000x128xf32>
    %add3A = arith.addf %get3A_3, %get3A_8 : vector<1000x128xf32>
    %get3A_9 = arith.constant 0 : index
    %get3A_10 = arith.constant 1 : index
    %get3A_11 = vector.load %arg2[%get3A_9, %get3A_10] : memref<1000x128xf32, #tpu.memory_space<vmem>>, vector<1000x1xf32>
    %mul3A = vector.broadcast %get3A_11 : vector<1000x1xf32> to vector<1000x128xf32>
    %mul3A_12 = arith.mulf %add3A, %mul3A : vector<1000x128xf32>
    %get3A_13 = arith.constant 0 : index
    %get3A_14 = arith.constant 0 : index
    %get3A_15 = vector.load %arg3[%get3A_13, %get3A_14] : memref<1x128xf32, #tpu.memory_space<vmem>>, vector<1x128xf32>
    %add3A_16 = vector.broadcast %get3A_15 : vector<1x128xf32> to vector<1000x128xf32>
    %add3A_17 = arith.addf %mul3A_12, %add3A_16 : vector<1000x128xf32>
    %swap3A = arith.constant 0 : index
    %swap3A_18 = arith.constant 0 : index
    %swap3A_19 = vector.load %arg4[%swap3A, %swap3A_18] : memref<1000x128xf32, #tpu.memory_space<vmem>>, vector<1000x128xf32>
    tpu.vector_store %arg4[%swap3A, %swap3A_18], %add3A_17 {strides = array<i32>} : memref<1000x128xf32, #tpu.memory_space<vmem>>, vector<1000x128xf32>,
    return
  }
  func.func @transform_0(%arg0: i32) -> (i32, i32, i32) {
    %c0_i32 = arith.constant 0 : i32
    %c0_i32_0 = arith.constant 0 : i32
    %c0_i32_1 = arith.constant 0 : i32
    return %c0_i32, %arg0, %c0_i32_0 : i32, i32, i32
  }
  func.func @transform_1(%arg0: i32) -> (i32, i32) {
    %c0_i32 = arith.constant 0 : i32
    %c0_i32_0 = arith.constant 0 : i32
    return %arg0, %c0_i32 : i32, i32
  }
  func.func @transform_2(%arg0: i32) -> (i32, i32) {
    %c0_i32 = arith.constant 0 : i32
    %c0_i32_0 = arith.constant 0 : i32
    %c0_i32_1 = arith.constant 0 : i32
    return %c0_i32, %c0_i32_0 : i32, i32
  }
  func.func @transform_3(%arg0: i32) -> (i32, i32) {
    %c0_i32 = arith.constant 0 : i32
    %c0_i32_0 = arith.constant 0 : i32
    return %arg0, %c0_i32 : i32, i32
  }
}

</mosaic_0001>

<sc_bundles>
// kernel: kernel.10.cloned.1.call-start
scs
__scs_entry_jumppad:
0x0: {  	(pc) =	sbr.rel $0x88, $3  }
0x1: {  	(tag) =	ssettag $0x0;
	lr =	simm.s32 $0x1  }
0x2: {  	[smem:$0x3F99] =	sst lr;
	_ =	strace $0xD0000000  }
0x3: {  	_ = 	snop  }
0x4: {  	_ = 	snop  }
0x5: {  	_ = 	snop  }
0x6: {  	_ = 	snop  }
0x7: {  	_ = 	snop  }
__scs_overlays_trampoline_lowered:
0x8: {  	[smem:$0x3FA8] =	sst s0  }
0x9: {  	[smem:$0x3FA9] =	sst s1  }
0xa: {  	[smem:$0x3FAA] =	sst s2  }
0xb: {  	[smem:$0x3FAB] =	sst s3  }
0xc: {  	[smem:$0x3FAC] =	sst s4  }
0xd: {  	[smem:$0x3FAD] =	sst s5  }
0xe: {  	[smem:$0x3FAE] =	sst s6  }
0xf: {  	[smem:$0x3FAF] =	sst s7  }
0x10: {  	[smem:$0x3FB0] =	sst s8  }
0x11: {  	[smem:$0x3FB1] =	sst s9;
	s0 =	simm.s32 @!p0 $0x0  }
0x12: {  	s1 =	sld [smem:$0x3F97];
	s0 =	simm.s32 @p0 $0x1  }
0x13: {  	[smem:$0x3FB2] =	sst s0;
	s0 =	simm.s32 @!p1 $0x0  }
0x14: {  	s2 =	sld [smem:$0x3F96];
	s0 =	simm.s32 @p1 $0x1  }
0x15: {  	[smem:$0x3FB3] =	sst s0;
	s0 =	simm.s32 @!p2 $0x0  }
0x16: {  	s3 =	sld [smem:$0x3FDB];
	s0 =	simm.s32 @p2 $0x1  }
0x17: {  	s4 =	simm.s32 $0x1BF5;
	[smem:$0x3FB5] =	sst s0  }
0x18: {  	s0 =	sld [smem:$0x3F98];
	_ =	swait.ge [sflag:s4], $0x0  }
0x19: {  	s7 =	sld [smem:$0x3F99]  }
0x1a: {  	s8 =	sadd.s32 $0xFFFFE003, lr  }
0x1b: {  	s9 =	sadd.s32 $0xFFFFFEF7, lr;
	s5 =	simm.s32 $0xFFFFFFFF;
	p2 =	slt.u32 s8, $0xFFFFF086  }
0x1c: {  	p1 =	slt.u32 s9, $0xF7A;
	s5 =	simm.s32 @!p2 $0x0  }
0x1d: {  	s5 =	simm.s32 @p1 $0x1;
	p0 =	seq.s32 s7, s2  }
0x1e: {  	s7 =	smul.u32 @!p0 $0xF7A, s2;
	p2 =	seq.s32 @!p0 s5, $0x0  }
0x1f: {  	s9 =	smul.u32 $0xF7A, s1;
	s8 =	simm.s32 @!p0 $0x1BF5;
	p2 =	por !p2, p0  }
0x20: {  	[sflag:s8] =	ssyncset.s32 @!p0 $0xFFFFF086;
	s6 =	sadd.s32 @!p0 s3, s7;
	s7 =	simm.s32 @!p0 $0x108  }
0x21: {  	s3 =	sadd.s32 s3, s9;
	s6 =	sadd.s32 @!p0 $0x88, s6;
	s7 =	simm.s32 @p2 $0x1082  }
0x22: {  	[simem:s7], [sflag:s8] =	dma.local @!p0 [hbm:s6], $0xF7A  }
0x23: {  	s9 =	sor.u32 $0xD0000000, s2;
	s6 =	simm.s32 $0x108;
	_ =	swait.ge @!p0 [sflag:s8], $0x0  }
0x24: {  	s3 =	sadd.s32 $0x88, s3;
	s6 =	simm.s32 @!p1 $0x1082;
	[sflag:s4] =	ssyncset.s32 $0xFFFFF086  }
0x25: {  	[simem:s6], [sflag:s4] =	dma.local [hbm:s3], $0xF7A  }
0x26: {  	[smem:$0x3F99] =	sst s1;
	(tag) =	ssettag s2;
	_ =	strace s9  }
0x27: {  	s1 =	sld [smem:$0x3FA9]  }
0x28: {  	s2 =	sld [smem:$0x3FAA]  }
0x29: {  	s4 =	sld [smem:$0x3FAC]  }
0x2a: {  	p0 =	seq.s32 s5, $0x0;
	s5 =	sld [smem:$0x3FAD]  }
0x2b: {  	s6 =	sld [smem:$0x3FAE]  }
0x2c: {  	s7 =	sld [smem:$0x3FAF]  }
0x2d: {  	s3 =	simm.s32 $0x108;
	s8 =	sld [smem:$0x3FB0]  }
0x2e: {  	s3 =	simm.s32 @!p0 $0x1082;
	s9 =	sld [smem:$0x3FB1]  }
0x2f: {  	lr =	sadd.s32 s0, s3;
	s0 =	sld [smem:$0x3FA8]  }
0x30: {  	s3 =	sld [smem:$0x3FAB]  }
0x31: {  	[smem:$0x3FB4] =	sst s10  }
0x32: {  	s10 =	sld [smem:$0x3FB2];
	_ =	sdelay $0x3  }
0x33: {  	p0 =	seq.s32 s10, $0x1;
	s10 =	sld [smem:$0x3FB4];
	_ =	sdelay $0x3  }
0x34: {  	[smem:$0x3FB4] =	sst s10  }
0x35: {  	s10 =	sld [smem:$0x3FB3];
	_ =	sdelay $0x3  }
0x36: {  	p1 =	seq.s32 s10, $0x1;
	s10 =	sld [smem:$0x3FB4];
	_ =	sdelay $0x3  }
0x37: {  	[smem:$0x3FB4] =	sst s10  }
0x38: {  	s10 =	sld [smem:$0x3FB5]  }
0x39: {  	_ = 	snop;
	(pc) =	sbr.ind lr, $3  }
0x3a: {  	_ = 	snop  }
0x3b: {  	_ = 	snop  }
0x3c: {  	p2 =	seq.s32 s10, $0x1;
	s10 =	sld [smem:$0x3FB4]  }
0x3d: {  	_ =	shalt  }
0x3e: {  	_ =	shalt  }
0x3f: {  	_ =	shalt  }
0x40: {  	_ =	shalt  }
0x41: {  	_ =	shalt  }
0x42: {  	_ =	shalt  }
0x43: {  	_ =	shalt  }
0x44: {  	_ =	shalt  }
0x45: {  	_ =	shalt  }
0x46: {  	_ =	shalt  }
0x47: {  	_ =	shalt  }
0x48: {  	_ =	shalt  }
0x49: {  	_ =	shalt  }
0x4a: {  	_ =	shalt  }
0x4b: {  	_ =	shalt  }
0x4c: {  	_ =	shalt  }
0x4d: {  	_ =	shalt  }
0x4e: {  	_ =	shalt  }
0x4f: {  	_ =	shalt  }
0x50: {  	_ =	shalt  }
0x51: {  	_ =	shalt  }
0x52: {  	_ =	shalt  }
0x53: {  	_ =	shalt  }
0x54: {  	_ =	shalt  }
0x55: {  	_ =	shalt  }
0x56: {  	_ =	shalt  }
0x57: {  	_ =	shalt  }
0x58: {  	_ =	shalt  }
0x59: {  	_ =	shalt  }
0x5a: {  	_ =	shalt  }
0x5b: {  	_ =	shalt  }
0x5c: {  	_ =	shalt  }
0x5d: {  	_ =	shalt  }
0x5e: {  	_ =	shalt  }
0x5f: {  	_ =	shalt  }
0x60: {  	_ =	shalt  }
0x61: {  	_ =	shalt  }
0x62: {  	_ =	shalt  }
0x63: {  	_ =	shalt  }
0x64: {  	_ =	shalt  }
0x65: {  	_ =	shalt  }
0x66: {  	_ =	shalt  }
0x67: {  	_ =	shalt  }
0x68: {  	_ =	shalt  }
0x69: {  	_ =	shalt  }
0x6a: {  	_ =	shalt  }
0x6b: {  	_ =	shalt  }
0x6c: {  	_ =	shalt  }
0x6d: {  	_ =	shalt  }
0x6e: {  	_ =	shalt  }
0x6f: {  	_ =	shalt  }
0x70: {  	_ =	shalt  }
0x71: {  	_ =	shalt  }
0x72: {  	_ =	shalt  }
0x73: {  	_ =	shalt  }
0x74: {  	_ =	shalt  }
0x75: {  	_ =	shalt  }
0x76: {  	_ =	shalt  }
0x77: {  	_ =	shalt  }
0x78: {  	_ =	shalt  }
0x79: {  	_ =	shalt  }
0x7a: {  	_ =	shalt  }
0x7b: {  	_ =	shalt  }
0x7c: {  	_ =	shalt  }
0x7d: {  	_ =	shalt  }
0x7e: {  	_ =	shalt  }
0x7f: {  	_ =	shalt  }
0x80: {  	_ =	shalt  }
0x81: {  	_ =	shalt  }
0x82: {  	_ =	shalt  }
0x83: {  	_ =	shalt  }
0x84: {  	_ =	shalt  }
0x85: {  	_ =	shalt  }
0x86: {  	_ =	shalt  }
0x87: {  	_ =	shalt  }
.Lfunc_end0:
.L_simem_size_0:
called_computation_lowered:
.L_overlay_start_0:
0x88: {  	s2 =	sld [smem:$0x3FD9]  }
0x89: {  	s3 =	sld [smem:$0x3FFE];
	_ =	sdelay $0x1  }
0x8a: {  	s1 =	srdreg.scid  }
0x8b: {  	s0 =	sand.u32 $0x1, s1  }
0x8c: {  	s17 =	sshll.u32 s0, $0xA;
	s2 =	sadd.s32 s3, s2  }
0x8d: {  	s2 =	sadd.s32 s2, s17  }
0x8e: {  	[smem:$0x3FC0] =	sst s2  }
0x8f: {  	_ = 	snop  }
0x90: {  	s2 =	sld [smem:$0x3FD0];
	(tm) =	ssettm $0x1  }
0x91: {  	s18 =	sld [smem:$0x3FFB];
	_ =	sdelay $0x3  }
0x92: {  	_ =	strace s18  }
0x93: {  	s3 =	sld [smem:$0x3FFC];
	_ =	sdelay $0x3  }
0x94: {  	_ =	strace s3  }
0x95: {  	s3 =	sld [smem:$0x3FFD];
	_ =	sdelay $0x3  }
0x96: {  	_ =	strace s3  }
0x97: {  	_ =	strace $0x8FFFFFFF  }
0x98: {  	s19 =	sld [smem:$0x3FDB];
	_ =	sdelay $0x1  }
0x99: {  	s4 =	simm.s32 $_scs_section_size  }
0x9a: {  	s5 =	simm.s32 $_size__tile_overlayer_lowered;
	s6 =	simm.s32 $_tile_overlayer_lowered  }
0x9b: {  	s22 =	simm.s32 $0x1BFF;
	s21 =	sshll.u32 s6, $0x1;
	s3 =	sadd.s32 s4, s19  }
0x9c: {  	s7 =	simm.s32 $0x0;
	s20 =	sshll.u32 s5, $0x1;
	s5 =	sadd.s32 s21, s3  }
0x9d: {  	[timem:s7], [sflag:s22] =	dma.local [hbm:s5], s20  }
0x9e: {  	_ =	swait.ge [sflag:s22], s20  }
0x9f: {  	s4 =	ssub.s32 $0x0, s20;
	[sflag:s22] =	ssyncset.done $0x0  }
0xa0: {  	[sflag:s22] =	ssyncadd.s32 s4;
	_ =	sdelay $0x1  }
0xa1: {  	s23 =	simm.s32 $0x1B8B  }
0xa2: {  	_ =	swait.ge [sflag:s23], $0x1  }
0xa3: {  	[sflag:s23] =	ssyncset.done $0x0  }
0xa4: {  	s25 =	simm.s32 $0x1B8E;
	s24 =	sld [smem:$0x3FFE];
	[sflag:s23] =	ssyncadd.s32 $0xFFFFFFFF  }
0xa5: {  	s26 =	simm.s32 $execute0_lowered;
	[smem:$0x3FD2] =	sst s25  }
0xa6: {  	s5 =	sshll.u32 s26, $0x1;
	_ =	strace $0x80000046;
	[dreg:$0x1] =	wrdreg $0xFFFFFFFF  }
0xa7: {  	s28 =	simm.s32 $_size_execute0_lowered;
	s3 =	sadd.s32 s3, s5;
	[dreg:$0x0] =	wrdreg $0x0  }
0xa8: {  	s5 =	sshll.u32 s28, $0x1;
	[dreg:$0x2] =	wrdreg s3  }
0xa9: {  	[dreg:$0x3] =	wrdreg s5  }
0xaa: {  	[dreg:$0x4] =	wrdreg $0xC0  }
0xab: {  	_ =	task [dreg:s7], $0x5FFFF  }
0xac: {  	[dreg:$0x1] =	wrdreg $0xFFFFFFFF  }
0xad: {  	[dreg:$0x0] =	wrdreg $0x60  }
0xae: {  	[dreg:$0x2] =	wrdreg s2  }
0xaf: {  	[dreg:$0x3] =	wrdreg s24  }
0xb0: {  	[dreg:$0x4] =	wrdreg $0xB4000  }
0xb1: {  	[dreg:$0x5] =	wrdreg $0x9  }
0xb2: {  	_ =	task.clear_ibuf [dreg:s7], $0x6FFFF;
	_ =	strace $0x90000046  }
0xb3: {  	s29 =	simm.s32 $0x9;
	_ =	strace $0x80000048  }
0xb4: {  	_ =	swait.ge [sflag:s29], $0x1  }
0xb5: {  	[sflag:s29] =	ssyncadd.s32 $0xFFFFFFFF  }
0xb6: {  	_ =	strace $0x90000048  }
0xb7: {  	_ =	sfence  }
0xb8: {  	s30 =	sld [smem:$0x0];
	_ =	sdelay $0x2  }
0xb9: {  	s31 =	sshll.u32 s1, $0xD;
	s1 =	sshrl.u32 s1, $0x2  }
0xba: {  	s3 =	sand.u32 $0x4000, s31;
	s1 =	sadd.s32 s1, s30  }
0xbb: {  	s0 =	sor.u32 s3, s0;
	s1 =	sshll.u32 s1, $0x11  }
0xbc: {  	s0 =	sor.u32 s1, s0  }
0xbd: {  	s0 =	sadd.s32 $0x8F2B, s0  }
0xbe: {  	[sflag:s0] =	ssyncadd.remote.s32 $0x1  }
0xbf: {  	_ =	sfence.sel $0xFFFF  }
0xc0: {  	[dreg:$0x0] =	wrdreg $0xFFFFFFFF;
	(pc) =	sbr.abs _section_cstart, $3  }
0xc1: {  	[dreg:$0x1] =	wrdreg $0xFFFFFFFF  }
0xc2: {  	_ =	task.clear_ibuf [dreg:s7], $0x2FFFF;
	_ =	strace $0x9FFFFFFF  }
0xc3: {  	(tm) =	ssettm $0x7FFFFFFF  }
tec
execute0_lowered:
.L_overlay_start_1:
0x0: {  	(tag) =	ssettag $0x1  }
0x1: {  	s0 =	rddreg [dreg:$0x0]  }
0x2: {  	s3 =	rddreg [dreg:$0x1]  }
0x3: {  	s1 =	rddreg [dreg:$0x2]  }
0x4: {  	s4 =	srdreg.scid;
	s11 =	stileid.u32  }
0x5: {  	s2 =	simm.s32 $0x0;
	s5 =	sand.u32 $0x1, s4;
	s6 =	smul.u32 $0x4E000, s11  }
0x6: {  	[smem:$0x7FF] =	sst s2;
	s7 =	sadd.s32 $0xCA00, s3;
	s4 =	ssub.s32 $0x2, s5  }
0x7: {  	s3 =	sadd.s32 $0x1CA00, s3;
	s8 =	sshrl.u32 s4, $0x1;
	s12 =	sshrl.u32 s6, $0x2  }
0x8: {  	s13 =	smul.u32 $0x2700, s11;
	s8 =	ssub.s32 s4, s8;
	s4 =	sadd.s32 s12, s1  }
0x9: {  	s9 =	sshll.u32 s11, $0xC;
	_ =	strace $0x80000047;
	s10 =	sadd.s32 $0xC00, s4  }
0xa: {  	p0 =	seq.s32 s5, $0x1;
	s14 =	sadd.s32 $0x1800, s4;
	[dreg:$0x4] =	wrdreg s10  }
0xb: {  	s20 =	smul.u32 $0x27100, s5;
	s15 =	sadd.s32 $0x2400, s4;
	[dreg:$0x5] =	wrdreg s14  }
0xc: {  	s5 =	smul.u32 $0x138800, s5;
	s16 =	sadd.s32 $0x3000, s4;
	[dreg:$0x6] =	wrdreg s15  }
0xd: {  	s0 =	smov.u32 @p0 s7;
	s17 =	sadd.s32 $0x3C00, s4;
	[dreg:$0x7] =	wrdreg s16  }
0xe: {  	p0 =	sne.s32 s11, $0x0;
	s18 =	sadd.s32 $0x4800, s4;
	[dreg:$0x8] =	wrdreg s17  }
0xf: {  	s11 =	simm.s32 $0x50;
	s19 =	sadd.s32 $0x5400, s4;
	[dreg:$0x9] =	wrdreg s18  }
0x10: {  	s6 =	sadd.s32 s13, s20;
	s12 =	sadd.s32 $0x6000, s4;
	[dreg:$0xa] =	wrdreg s19  }
0x11: {  	s5 =	sshrl.u32 s5, $0x3;
	s21 =	sadd.s32 $0x6C00, s4;
	[dreg:$0xb] =	wrdreg s12  }
0x12: {  	s13 =	simm.s32 $0x2;
	s22 =	sadd.s32 $0x7800, s4;
	[dreg:$0xc] =	wrdreg s21  }
0x13: {  	s23 =	sadd.s32 $0x8400, s4;
	s24 =	sadd.s32 $0x9000, s4;
	[dreg:$0xd] =	wrdreg s22  }
0x14: {  	s25 =	sadd.s32 $0x9C00, s4;
	s26 =	sadd.s32 $0xA800, s4;
	[dreg:$0xe] =	wrdreg s23  }
0x15: {  	s6 =	sadd.s32 s3, s6;
	s3 =	sadd.s32 s3, s5;
	[dreg:$0xf] =	wrdreg s24  }
0x16: {  	s20 =	sadd.s32 $0xB400, s4;
	s28 =	sadd.s32 $0xE400, s4;
	[dreg:$0x10] =	wrdreg s25  }
0x17: {  	s29 =	sadd.s32 $0xF000, s4;
	s30 =	sadd.s32 $0xFC00, s4;
	[dreg:$0x11] =	wrdreg s26  }
0x18: {  	s31 =	sadd.s32 $0x10800, s4;
	s5 =	sadd.s32 $0x12C00, s4;
	[dreg:$0x12] =	wrdreg s6  }
0x19: {  	s21 =	sadd.s32 $0xC000, s4;
	s22 =	sadd.s32 s0, s9;
	s23 =	sadd.s32 $0xCC00, s4  }
0x1a: {  	s24 =	sadd.s32 $0x27000, s3;
	s25 =	smax.u32 s8, $0x1;
	s26 =	sadd.s32 $0xD800, s4  }
0x1b: {  	s0 =	sadd.s32 $0x11400, s4;
	s3 =	sadd.s32 $0x12000, s4;
	s6 =	sadd.s32 $0x138000, s1  }
0x1c: {  	s8 =	simm.s32 $0x3;
	s9 =	simm.s32 $0xA800;
	s10 =	simm.s32 $0x1  }
0x1d: {  	v0 =	vimm.f32 $1.000000000e+00;
	v1 =	vimm.f32 $0.0e+00;
	s12 =	simm.s32 $0x8000;
	s14 =	simm.s32 $0x0;
	s7 =	sadd.s32 $0x800, s22  }
.LBB2_1:
0x1e: {  	[tilespmem:s2], [sflag:$0x3] =	stream.linear.gather [hbm4b:s22+s2], $0x3E80, $0x38;
	[tilespmem:$0x1EC80] =	vst v63  }
0x1f: {  	s15 =	simm.s32 $0x4000  }
0x20: {  	[tilespmem:s15], [sflag:$0x3] =	stream.linear.gather [hbm4b:s7+s2], $0x3E80, $0x38;
	[tilespmem:$0x1EC80] =	vst v63  }
0x21: {  	_ =	swait.ge [sflag:s8], $0x7D00  }
0x22: {  	[sflag:s8] =	ssyncset.done $0x0  }
0x23: {  	s16 =	simm.s32 $0x3C0;
	s15 =	simm.s32 $0x70;
	[sflag:s8] =	ssyncadd.s32 $0xFFFF8300  }
.LBB2_2:
0x24: {  	p1 =	sne.s32 s16, $0x9FC0;
	[tilespmem:s15+$0x8000] =	vst v0  }
0x25: {  	[tilespmem:s15+$0x7F90] =	vst v0  }
0x26: {  	[tilespmem:s15+$0x7FA0] =	vst v0  }
.Ltmp0:
0x27: {  	[tilespmem:s15+$0x7FB0] =	vst v0;
	(pc) =	sbr.rel @p1 .LBB2_2-.Ltmp0, $4  }
0x28: {  	[tilespmem:s15+$0x7FC0] =	vst v0  }
0x29: {  	[tilespmem:s15+$0x7FD0] =	vst v0  }
0x2a: {  	[tilespmem:s15+$0x7FE0] =	vst v0  }
0x2b: {  	[tilespmem:s15+$0x7FF0] =	vst v0;
	s15 =	sshra.s32 s16, $0x2;
	s16 =	sadd.s32 $0x200, s16  }
0x2c: {  	[tilespmem:s15+$0x8000] =	vst v0  }
0x2d: {  	[tilespmem:s15+$0x7F90] =	vst v0  }
0x2e: {  	[tilespmem:s15+$0x7FA0] =	vst v0  }
0x2f: {  	[tilespmem:s15+$0x7FB0] =	vst v0  }
0x30: {  	[tilespmem:s15+$0x7FC0] =	vst v0  }
0x31: {  	[tilespmem:s15+$0x7FD0] =	vst v0  }
0x32: {  	[tilespmem:s15+$0x7FE0] =	vst v0  }
0x33: {  	[tilespmem:s15+$0x7FF0] =	vst v0;
	s15 =	simm.s32 $0x70;
	s16 =	simm.s32 $0x3C0  }
.LBB2_4:
0x34: {  	p1 =	sne.s32 s16, $0x2FC0;
	[tilespmem:s15+$0xA800] =	vst v1  }
0x35: {  	[tilespmem:s15+$0xA790] =	vst v1  }
0x36: {  	[tilespmem:s15+$0xA7A0] =	vst v1  }
.Ltmp1:
0x37: {  	[tilespmem:s15+$0xA7B0] =	vst v1;
	(pc) =	sbr.rel @p1 .LBB2_4-.Ltmp1, $4  }
0x38: {  	[tilespmem:s15+$0xA7C0] =	vst v1  }
0x39: {  	[tilespmem:s15+$0xA7D0] =	vst v1  }
0x3a: {  	[tilespmem:s15+$0xA7E0] =	vst v1  }
0x3b: {  	[tilespmem:s15+$0xA7F0] =	vst v1;
	s15 =	sshra.s32 s16, $0x2;
	s16 =	sadd.s32 $0x200, s16  }
0x3c: {  	[tilespmem:s15+$0xA800] =	vst v1  }
0x3d: {  	[tilespmem:s15+$0xA790] =	vst v1  }
0x3e: {  	[tilespmem:s15+$0xA7A0] =	vst v1  }
0x3f: {  	[tilespmem:s15+$0xA7B0] =	vst v1  }
0x40: {  	[tilespmem:s15+$0xA7C0] =	vst v1  }
0x41: {  	[tilespmem:s15+$0xA7D0] =	vst v1  }
0x42: {  	[tilespmem:s15+$0xA7E0] =	vst v1  }
0x43: {  	[tilespmem:s15+$0xA7F0] =	vst v1  }
0x44: {  	[spmem:s4] =	stream.linear.scatter [tilespmem:s9], [sflag:$0x1], $0xC00, $0x38;
	[tilespmem:$0x1EC80] =	vst v63  }
0x45: {  	s16 =	rddreg [dreg:$0x4]  }
0x46: {  	[spmem:s16] =	stream.linear.scatter [tilespmem:s9], [sflag:$0x1], $0xC00, $0x38;
	[tilespmem:$0x1EC80] =	vst v63  }
0x47: {  	s17 =	rddreg [dreg:$0x5]  }
0x48: {  	[spmem:s17] =	stream.linear.scatter [tilespmem:s9], [sflag:$0x1], $0xC00, $0x38;
	[tilespmem:$0x1EC80] =	vst v63  }
0x49: {  	s18 =	rddreg [dreg:$0x6]  }
0x4a: {  	[spmem:s18] =	stream.linear.scatter [tilespmem:s9], [sflag:$0x1], $0xC00, $0x38;
	[tilespmem:$0x1EC80] =	vst v63  }
0x4b: {  	s19 =	rddreg [dreg:$0x7]  }
0x4c: {  	[spmem:s19] =	stream.linear.scatter [tilespmem:s9], [sflag:$0x1], $0xC00, $0x38;
	[tilespmem:$0x1EC80] =	vst v63  }
0x4d: {  	s16 =	rddreg [dreg:$0x8]  }
0x4e: {  	[spmem:s16] =	stream.linear.scatter [tilespmem:s9], [sflag:$0x1], $0xC00, $0x38;
	[tilespmem:$0x1EC80] =	vst v63  }
0x4f: {  	s17 =	rddreg [dreg:$0x9]  }
0x50: {  	[spmem:s17] =	stream.linear.scatter [tilespmem:s9], [sflag:$0x1], $0xC00, $0x38;
	[tilespmem:$0x1EC80] =	vst v63  }
0x51: {  	s18 =	rddreg [dreg:$0xa]  }
0x52: {  	[spmem:s18] =	stream.linear.scatter [tilespmem:s9], [sflag:$0x1], $0xC00, $0x38;
	[tilespmem:$0x1EC80] =	vst v63  }
0x53: {  	s19 =	rddreg [dreg:$0xb]  }
0x54: {  	[spmem:s19] =	stream.linear.scatter [tilespmem:s9], [sflag:$0x1], $0xC00, $0x38;
	[tilespmem:$0x1EC80] =	vst v63  }
0x55: {  	s16 =	rddreg [dreg:$0xc]  }
0x56: {  	[spmem:s16] =	stream.linear.scatter [tilespmem:s9], [sflag:$0x1], $0xC00, $0x38;
	[tilespmem:$0x1EC80] =	vst v63  }
0x57: {  	s17 =	rddreg [dreg:$0xd]  }
0x58: {  	[spmem:s17] =	stream.linear.scatter [tilespmem:s9], [sflag:$0x1], $0xC00, $0x38;
	[tilespmem:$0x1EC80] =	vst v63  }
0x59: {  	s18 =	rddreg [dreg:$0xe]  }
0x5a: {  	[spmem:s18] =	stream.linear.scatter [tilespmem:s9], [sflag:$0x1], $0xC00, $0x38;
	[tilespmem:$0x1EC80] =	vst v63  }
0x5b: {  	s19 =	rddreg [dreg:$0xf]  }
0x5c: {  	[spmem:s19] =	stream.linear.scatter [tilespmem:s9], [sflag:$0x1], $0xC00, $0x38;
	[tilespmem:$0x1EC80] =	vst v63  }
0x5d: {  	s16 =	rddreg [dreg:$0x10]  }
0x5e: {  	[spmem:s16] =	stream.linear.scatter [tilespmem:s9], [sflag:$0x1], $0xC00, $0x38;
	[tilespmem:$0x1EC80] =	vst v63  }
0x5f: {  	s17 =	rddreg [dreg:$0x11]  }
0x60: {  	[spmem:s17] =	stream.linear.scatter [tilespmem:s9], [sflag:$0x1], $0xC00, $0x38;
	[tilespmem:$0x1EC80] =	vst v63  }
0x61: {  	_ = 	snop  }
0x62: {  	[spmem:s20] =	stream.linear.scatter [tilespmem:s9], [sflag:$0x1], $0xC00, $0x38;
	[tilespmem:$0x1EC80] =	vst v63  }
0x63: {  	_ = 	snop  }
0x64: {  	[spmem:s21] =	stream.linear.scatter [tilespmem:s9], [sflag:$0x1], $0xC00, $0x38;
	[tilespmem:$0x1EC80] =	vst v63  }
0x65: {  	_ = 	snop  }
0x66: {  	[spmem:s23] =	stream.linear.scatter [tilespmem:s9], [sflag:$0x1], $0xC00, $0x38;
	[tilespmem:$0x1EC80] =	vst v63  }
0x67: {  	_ = 	snop  }
0x68: {  	[spmem:s26] =	stream.linear.scatter [tilespmem:s9], [sflag:$0x1], $0xC00, $0x38;
	[tilespmem:$0x1EC80] =	vst v63  }
0x69: {  	_ = 	snop  }
0x6a: {  	[spmem:s28] =	stream.linear.scatter [tilespmem:s9], [sflag:$0x1], $0xC00, $0x38;
	[tilespmem:$0x1EC80] =	vst v63  }
0x6b: {  	_ = 	snop  }
0x6c: {  	[spmem:s29] =	stream.linear.scatter [tilespmem:s9], [sflag:$0x1], $0xC00, $0x38;
	[tilespmem:$0x1EC80] =	vst v63  }
0x6d: {  	_ = 	snop  }
0x6e: {  	[spmem:s30] =	stream.linear.scatter [tilespmem:s9], [sflag:$0x1], $0xC00, $0x38;
	[tilespmem:$0x1EC80] =	vst v63  }
0x6f: {  	_ = 	snop  }
0x70: {  	[spmem:s31] =	stream.linear.scatter [tilespmem:s9], [sflag:$0x1], $0xC00, $0x38;
	[tilespmem:$0x1EC80] =	vst v63  }
0x71: {  	_ = 	snop  }
0x72: {  	[spmem:s0] =	stream.linear.scatter [tilespmem:s9], [sflag:$0x1], $0xC00, $0x38;
	[tilespmem:$0x1EC80] =	vst v63  }
0x73: {  	_ = 	snop  }
0x74: {  	[spmem:s3] =	stream.linear.scatter [tilespmem:s9], [sflag:$0x1], $0xC00, $0x38;
	[tilespmem:$0x1EC80] =	vst v63  }
0x75: {  	_ = 	snop  }
0x76: {  	[spmem:s5] =	stream.linear.scatter [tilespmem:s9], [sflag:$0x1], $0xC00, $0x38;
	[tilespmem:$0x1EC80] =	vst v63  }
0x77: {  	s15 =	simm.s32 @!p0 $0xA800  }
0x78: {  	[spmem:s6] =	stream.linear.scatter @!p0 [tilespmem:s15], [sflag:$0x3], $0x800, $0x38;
	[tilespmem:$0x1EC80] =	vst v63  }
0x79: {  	s15 =	simm.s32 @!p0 $0x3  }
0x7a: {  	_ =	swait.ge @!p0 [sflag:s15], $0x800  }
0x7b: {  	[sflag:s15] =	ssyncset.done @!p0 $0x0  }
0x7c: {  	[sflag:s15] =	ssyncadd.s32 @!p0 $0xFFFFF800  }
0x7d: {  	_ =	swait.ge [sflag:s10], $0xC00  }
0x7e: {  	[sflag:s10] =	ssyncset.done $0x0  }
0x7f: {  	[sflag:s10] =	ssyncadd.s32 $0xFFFFF400  }
0x80: {  	_ =	swait.ge [sflag:s10], $0xC00  }
0x81: {  	[sflag:s10] =	ssyncset.done $0x0  }
0x82: {  	[sflag:s10] =	ssyncadd.s32 $0xFFFFF400  }
0x83: {  	_ =	swait.ge [sflag:s10], $0xC00  }
0x84: {  	[sflag:s10] =	ssyncset.done $0x0  }
0x85: {  	[sflag:s10] =	ssyncadd.s32 $0xFFFFF400  }
0x86: {  	_ =	swait.ge [sflag:s10], $0xC00  }
0x87: {  	[sflag:s10] =	ssyncset.done $0x0  }
0x88: {  	[sflag:s10] =	ssyncadd.s32 $0xFFFFF400  }
0x89: {  	_ =	swait.ge [sflag:s10], $0xC00  }
0x8a: {  	[sflag:s10] =	ssyncset.done $0x0  }
0x8b: {  	[sflag:s10] =	ssyncadd.s32 $0xFFFFF400  }
0x8c: {  	_ =	swait.ge [sflag:s10], $0xC00  }
0x8d: {  	[sflag:s10] =	ssyncset.done $0x0  }
0x8e: {  	[sflag:s10] =	ssyncadd.s32 $0xFFFFF400  }
0x8f: {  	_ =	swait.ge [sflag:s10], $0xC00  }
0x90: {  	[sflag:s10] =	ssyncset.done $0x0  }
0x91: {  	[sflag:s10] =	ssyncadd.s32 $0xFFFFF400  }
0x92: {  	_ =	swait.ge [sflag:s10], $0xC00  }
0x93: {  	[sflag:s10] =	ssyncset.done $0x0  }
0x94: {  	[sflag:s10] =	ssyncadd.s32 $0xFFFFF400  }
0x95: {  	_ =	swait.ge [sflag:s10], $0xC00  }
0x96: {  	[sflag:s10] =	ssyncset.done $0x0  }
0x97: {  	[sflag:s10] =	ssyncadd.s32 $0xFFFFF400  }
0x98: {  	_ =	swait.ge [sflag:s10], $0xC00  }
0x99: {  	[sflag:s10] =	ssyncset.done $0x0  }
0x9a: {  	[sflag:s10] =	ssyncadd.s32 $0xFFFFF400  }
0x9b: {  	_ =	swait.ge [sflag:s10], $0xC00  }
0x9c: {  	[sflag:s10] =	ssyncset.done $0x0  }
0x9d: {  	[sflag:s10] =	ssyncadd.s32 $0xFFFFF400  }
0x9e: {  	_ =	swait.ge [sflag:s10], $0xC00  }
0x9f: {  	[sflag:s10] =	ssyncset.done $0x0  }
0xa0: {  	[sflag:s10] =	ssyncadd.s32 $0xFFFFF400  }
0xa1: {  	_ =	swait.ge [sflag:s10], $0xC00  }
0xa2: {  	[sflag:s10] =	ssyncset.done $0x0  }
0xa3: {  	[sflag:s10] =	ssyncadd.s32 $0xFFFFF400  }
0xa4: {  	_ =	swait.ge [sflag:s10], $0xC00  }
0xa5: {  	[sflag:s10] =	ssyncset.done $0x0  }
0xa6: {  	[sflag:s10] =	ssyncadd.s32 $0xFFFFF400  }
0xa7: {  	_ =	swait.ge [sflag:s10], $0xC00  }
0xa8: {  	[sflag:s10] =	ssyncset.done $0x0  }
0xa9: {  	[sflag:s10] =	ssyncadd.s32 $0xFFFFF400  }
0xaa: {  	_ =	swait.ge [sflag:s10], $0xC00  }
0xab: {  	[sflag:s10] =	ssyncset.done $0x0  }
0xac: {  	[sflag:s10] =	ssyncadd.s32 $0xFFFFF400  }
0xad: {  	_ =	swait.ge [sflag:s10], $0xC00  }
0xae: {  	[sflag:s10] =	ssyncset.done $0x0  }
0xaf: {  	[sflag:s10] =	ssyncadd.s32 $0xFFFFF400  }
0xb0: {  	_ =	swait.ge [sflag:s10], $0xC00  }
0xb1: {  	[sflag:s10] =	ssyncset.done $0x0  }
0xb2: {  	[sflag:s10] =	ssyncadd.s32 $0xFFFFF400  }
0xb3: {  	_ =	swait.ge [sflag:s10], $0xC00  }
0xb4: {  	[sflag:s10] =	ssyncset.done $0x0  }
0xb5: {  	[sflag:s10] =	ssyncadd.s32 $0xFFFFF400  }
0xb6: {  	_ =	swait.ge [sflag:s10], $0xC00  }
0xb7: {  	[sflag:s10] =	ssyncset.done $0x0  }
0xb8: {  	[sflag:s10] =	ssyncadd.s32 $0xFFFFF400  }
0xb9: {  	_ =	swait.ge [sflag:s10], $0xC00  }
0xba: {  	[sflag:s10] =	ssyncset.done $0x0  }
0xbb: {  	[sflag:s10] =	ssyncadd.s32 $0xFFFFF400  }
0xbc: {  	_ =	swait.ge [sflag:s10], $0xC00  }
0xbd: {  	[sflag:s10] =	ssyncset.done $0x0  }
0xbe: {  	[sflag:s10] =	ssyncadd.s32 $0xFFFFF400  }
0xbf: {  	_ =	swait.ge [sflag:s10], $0xC00  }
0xc0: {  	[sflag:s10] =	ssyncset.done $0x0  }
0xc1: {  	[sflag:s10] =	ssyncadd.s32 $0xFFFFF400  }
0xc2: {  	_ =	swait.ge [sflag:s10], $0xC00  }
0xc3: {  	[sflag:s10] =	ssyncset.done $0x0  }
0xc4: {  	[sflag:s10] =	ssyncadd.s32 $0xFFFFF400  }
0xc5: {  	_ =	swait.ge [sflag:s10], $0xC00  }
0xc6: {  	[sflag:s10] =	ssyncset.done $0x0  }
0xc7: {  	[sflag:s10] =	ssyncadd.s32 $0xFFFFF400  }
0xc8: {  	_ =	swait.ge [sflag:s10], $0xC00  }
0xc9: {  	[sflag:s10] =	ssyncset.done $0x0  }
0xca: {  	[sflag:s10] =	ssyncadd.s32 $0xFFFFF400  }
0xcb: {  	[bflag:$0x0] =	sbarrier.arrive $0xFFFF  }
0xcc: {  	[spmem:s1] =	stream.indirect.scatter.add.f32 [tilespmem:s12], [sflag:$0x1], $0x80, s2, s11, $0xb8;
	[tilespmem:$0x1EC80] =	vst v63  }
0xcd: {  	s18 =	simm.s32 $0x4000  }
0xce: {  	[spmem:s1] =	stream.indirect.scatter.add.f32 [tilespmem:s12], [sflag:$0x2], $0x80, s18, s11, $0xb8;
	[tilespmem:$0x1EC80] =	vst v63  }
0xcf: {  	_ =	swait.ge [sflag:s10], $0x2800  }
0xd0: {  	[sflag:s10] =	ssyncset.done $0x0  }
0xd1: {  	s19 =	simm.s32 $0x80;
	[sflag:s10] =	ssyncadd.s32 $0xFFFFD800  }
0xd2: {  	[spmem:s1] =	stream.indirect.scatter.add.f32 [tilespmem:s12], [sflag:$0x1], $0x80, s19, s11, $0xb8;
	[tilespmem:$0x1EC80] =	vst v63  }
0xd3: {  	_ =	swait.ge [sflag:s13], $0x2800  }
0xd4: {  	s16 =	simm.s32 $0xFFFF0C00;
	s15 =	simm.s32 $0xFFFFC280;
	[sflag:s13] =	ssyncset.done $0x0  }
.LBB2_6:
0xd5: {  	s17 =	sadd.s32 $0x7E00, s15  }
0xd6: {  	[sflag:s13] =	ssyncadd.s32 $0xFFFFD800;
	s18 =	smov.u32 s16;
	s19 =	sadd.s32 $0x200, s16  }
0xd7: {  	[spmem:s1] =	stream.indirect.scatter.add.f32 [tilespmem:s12], [sflag:$0x2], $0x80, s17, s11, $0xb8;
	[tilespmem:$0x1EC80] =	vst v63  }
0xd8: {  	p1 =	sne.s32 s16, $0xFFFFFE00;
	_ =	swait.ge [sflag:s10], $0x2800  }
.Ltmp2:
0xd9: {  	[sflag:s10] =	ssyncset.done $0x0;
	(pc) =	sbr.rel @p1 .LBB2_6-.Ltmp2, $4  }
0xda: {  	s15 =	sadd.s32 $0x3E80, s15;
	[sflag:s10] =	ssyncadd.s32 $0xFFFFD800  }
0xdb: {  	[spmem:s1] =	stream.indirect.scatter.add.f32 [tilespmem:s12], [sflag:$0x1], $0x80, s15, s11, $0xb8;
	[tilespmem:$0x1EC80] =	vst v63  }
0xdc: {  	_ =	swait.ge [sflag:s13], $0x2800  }
0xdd: {  	s16 =	smov.u32 s19;
	s15 =	sshra.s32 s18, $0x2;
	[sflag:s13] =	ssyncset.done $0x0  }
0xde: {  	s16 =	sadd.s32 $0x7E00, s15;
	[sflag:s13] =	ssyncadd.s32 $0xFFFFD800  }
0xdf: {  	[spmem:s1] =	stream.indirect.scatter.add.f32 [tilespmem:s12], [sflag:$0x2], $0x80, s16, s11, $0xb8;
	[tilespmem:$0x1EC80] =	vst v63  }
0xe0: {  	_ =	swait.ge [sflag:s10], $0x2800  }
0xe1: {  	[sflag:s10] =	ssyncset.done $0x0  }
0xe2: {  	s16 =	sadd.s32 $0x3E80, s15;
	[sflag:s10] =	ssyncadd.s32 $0xFFFFD800  }
0xe3: {  	[spmem:s1] =	stream.indirect.scatter.add.f32 [tilespmem:s12], [sflag:$0x1], $0x80, s16, s11, $0xb8;
	[tilespmem:$0x1EC80] =	vst v63  }
0xe4: {  	_ =	swait.ge [sflag:s13], $0x2800  }
0xe5: {  	[sflag:s13] =	ssyncset.done $0x0  }
0xe6: {  	s17 =	simm.s32 $0x7E00;
	[sflag:s13] =	ssyncadd.s32 $0xFFFFD800  }
0xe7: {  	[spmem:s1] =	stream.indirect.scatter.add.f32 [tilespmem:s12], [sflag:$0x2], $0x80, s17, s11, $0xb8;
	[tilespmem:$0x1EC80] =	vst v63  }
0xe8: {  	_ =	swait.ge [sflag:s10], $0x2800  }
0xe9: {  	[sflag:s10] =	ssyncset.done $0x0  }
0xea: {  	[sflag:s10] =	ssyncadd.s32 $0xFFFFD800  }
0xeb: {  	_ =	swait.ge [sflag:s13], $0x2800  }
0xec: {  	[sflag:s13] =	ssyncset.done $0x0  }
0xed: {  	s18 =	stileid.u32;
	[sflag:s13] =	ssyncadd.s32 $0xFFFFD800  }
0xee: {  	s15 =	sshll.u32 s18, $0x6;
	[bflag:$0x0] =	sbarrier.arrive $0xFFFF  }
0xef: {  	s19 =	sshrl.u32 s4, $0x3;
	s15 =	sor.u32 $0x1C03, s15;
	s17 =	rddreg [dreg:$0x12]  }
0xf0: {  	[hbm:s17], [sflag:s15] =	dma.local [spmem:s19], $0x2700  }
0xf1: {  	_ =	swait.ge [sflag:s8], $0x2700  }
0xf2: {  	s14 =	sadd.s32 $0x1, s14;
	[sflag:s8] =	ssyncset.done $0x0  }
0xf3: {  	p1 =	sne.s32 s14, s25;
	s16 =	sshrl.u32 @!p0 s6, $0x3;
	[sflag:s8] =	ssyncadd.s32 $0xFFFFD900  }
0xf4: {  	[hbm:s24], [sflag:s15] =	dma.local @!p0 [spmem:s16], $0x100  }
.Ltmp3:
0xf5: {  	_ = 	snop;
	(pc) =	sbr.rel @p1 .LBB2_1-.Ltmp3, $4  }
0xf6: {  	s15 =	simm.s32 @!p0 $0x3  }
0xf7: {  	_ =	swait.ge @!p0 [sflag:s15], $0x100  }
0xf8: {  	[sflag:s15] =	ssyncset.done @!p0 $0x0  }
0xf9: {  	[sflag:s15] =	ssyncadd.s32 @!p0 $0xFFFFFF00  }
0xfa: {  	_ =	sfence.sel $0x180000  }
0xfb: {  	[bflag:$0x0] =	sbarrier.arrive $0xFFFF  }
0xfc: {  	_ =	strace $0x90000047  }
0xfd: {  	[bflag:$0x2] =	sbarrier.arrive $0xFFFF  }
0xfe: {  	s0 =	rddreg [dreg:$0x3]  }
0xff: {  	s0 =	sadd.s32 @!p0 $0x100000, s0  }
0x100: {  	[sflag:s0] =	ssyncadd.tile.s32 @!p0 $0x1;
	_ =	shalt  }
.Lfunc_end2:
_tile_overlayer_lowered:
.L_overlay_start_2:
0x101: {  	(tag) =	ssettag $0x2  }
0x102: {  	s0 =	rddreg [dreg:$0x0];
	s2 =	stileid.u32  }
0x103: {  	s1 =	rddreg [dreg:$0x1];
	p0 =	sne.s32 s2, $0x0  }
0x104: {  	s3 =	rddreg [dreg:$0x2];
	[bflag:$0x3] =	sbarrier.arrive $0xFFFF;
	s2 =	simm.s32 @!p0 $0x1C03  }
0x105: {  	[timem:s3], [sflag:s2] =	dma.local @!p0 [hbm:s0], s1  }
0x106: {  	s0 =	simm.s32 @!p0 $0x3  }
0x107: {  	_ =	swait.ge @!p0 [sflag:s0], s1  }
0x108: {  	s1 =	ssub.s32 @!p0 $0x0, s1;
	[sflag:s0] =	ssyncset.done @!p0 $0x0  }
0x109: {  	[sflag:s0] =	ssyncadd.s32 @!p0 s1  }
0x10a: {  	[bflag:$0x3] =	sbarrier.arrive $0xFFFF  }
0x10b: {  	_ =	shalt  }

// kernel: kernel.13.cloned.1.call-start
scs
__scs_entry_jumppad:
0x0: {  	(pc) =	sbr.rel $0x88, $3  }
0x1: {  	(tag) =	ssettag $0x0;
	lr =	simm.s32 $0x1  }
0x2: {  	[smem:$0x3F99] =	sst lr;
	_ =	strace $0xD0000000  }
0x3: {  	_ = 	snop  }
0x4: {  	_ = 	snop  }
0x5: {  	_ = 	snop  }
0x6: {  	_ = 	snop  }
0x7: {  	_ = 	snop  }
__scs_overlays_trampoline_lowered:
0x8: {  	[smem:$0x3FA8] =	sst s0  }
0x9: {  	[smem:$0x3FA9] =	sst s1  }
0xa: {  	[smem:$0x3FAA] =	sst s2  }
0xb: {  	[smem:$0x3FAB] =	sst s3  }
0xc: {  	[smem:$0x3FAC] =	sst s4  }
0xd: {  	[smem:$0x3FAD] =	sst s5  }
0xe: {  	[smem:$0x3FAE] =	sst s6  }
0xf: {  	[smem:$0x3FAF] =	sst s7  }
0x10: {  	[smem:$0x3FB0] =	sst s8  }
0x11: {  	[smem:$0x3FB1] =	sst s9;
	s0 =	simm.s32 @!p0 $0x0  }
0x12: {  	s1 =	sld [smem:$0x3F97];
	s0 =	simm.s32 @p0 $0x1  }
0x13: {  	[smem:$0x3FB2] =	sst s0;
	s0 =	simm.s32 @!p1 $0x0  }
0x14: {  	s2 =	sld [smem:$0x3F96];
	s0 =	simm.s32 @p1 $0x1  }
0x15: {  	[smem:$0x3FB3] =	sst s0;
	s0 =	simm.s32 @!p2 $0x0  }
0x16: {  	s3 =	sld [smem:$0x3FDB];
	s0 =	simm.s32 @p2 $0x1  }
0x17: {  	s4 =	simm.s32 $0x1BF5;
	[smem:$0x3FB5] =	sst s0  }
0x18: {  	s0 =	sld [smem:$0x3F98];
	_ =	swait.ge [sflag:s4], $0x0  }
0x19: {  	s7 =	sld [smem:$0x3F99]  }
0x1a: {  	s8 =	sadd.s32 $0xFFFFE003, lr  }
0x1b: {  	s9 =	sadd.s32 $0xFFFFFEF7, lr;
	s5 =	simm.s32 $0xFFFFFFFF;
	p2 =	slt.u32 s8, $0xFFFFF086  }
0x1c: {  	p1 =	slt.u32 s9, $0xF7A;
	s5 =	simm.s32 @!p2 $0x0  }
0x1d: {  	s5 =	simm.s32 @p1 $0x1;
	p0 =	seq.s32 s7, s2  }
0x1e: {  	s7 =	smul.u32 @!p0 $0xF7A, s2;
	p2 =	seq.s32 @!p0 s5, $0x0  }
0x1f: {  	s9 =	smul.u32 $0xF7A, s1;
	s8 =	simm.s32 @!p0 $0x1BF5;
	p2 =	por !p2, p0  }
0x20: {  	[sflag:s8] =	ssyncset.s32 @!p0 $0xFFFFF086;
	s6 =	sadd.s32 @!p0 s3, s7;
	s7 =	simm.s32 @!p0 $0x108  }
0x21: {  	s3 =	sadd.s32 s3, s9;
	s6 =	sadd.s32 @!p0 $0x88, s6;
	s7 =	simm.s32 @p2 $0x1082  }
0x22: {  	[simem:s7], [sflag:s8] =	dma.local @!p0 [hbm:s6], $0xF7A  }
0x23: {  	s9 =	sor.u32 $0xD0000000, s2;
	s6 =	simm.s32 $0x108;
	_ =	swait.ge @!p0 [sflag:s8], $0x0  }
0x24: {  	s3 =	sadd.s32 $0x88, s3;
	s6 =	simm.s32 @!p1 $0x1082;
	[sflag:s4] =	ssyncset.s32 $0xFFFFF086  }
0x25: {  	[simem:s6], [sflag:s4] =	dma.local [hbm:s3], $0xF7A  }
0x26: {  	[smem:$0x3F99] =	sst s1;
	(tag) =	ssettag s2;
	_ =	strace s9  }
0x27: {  	s1 =	sld [smem:$0x3FA9]  }
0x28: {  	s2 =	sld [smem:$0x3FAA]  }
0x29: {  	s4 =	sld [smem:$0x3FAC]  }
0x2a: {  	p0 =	seq.s32 s5, $0x0;
	s5 =	sld [smem:$0x3FAD]  }
0x2b: {  	s6 =	sld [smem:$0x3FAE]  }
0x2c: {  	s7 =	sld [smem:$0x3FAF]  }
0x2d: {  	s3 =	simm.s32 $0x108;
	s8 =	sld [smem:$0x3FB0]  }
0x2e: {  	s3 =	simm.s32 @!p0 $0x1082;
	s9 =	sld [smem:$0x3FB1]  }
0x2f: {  	lr =	sadd.s32 s0, s3;
	s0 =	sld [smem:$0x3FA8]  }
0x30: {  	s3 =	sld [smem:$0x3FAB]  }
0x31: {  	[smem:$0x3FB4] =	sst s10  }
0x32: {  	s10 =	sld [smem:$0x3FB2];
	_ =	sdelay $0x3  }
0x33: {  	p0 =	seq.s32 s10, $0x1;
	s10 =	sld [smem:$0x3FB4];
	_ =	sdelay $0x3  }
0x34: {  	[smem:$0x3FB4] =	sst s10  }
0x35: {  	s10 =	sld [smem:$0x3FB3];
	_ =	sdelay $0x3  }
0x36: {  	p1 =	seq.s32 s10, $0x1;
	s10 =	sld [smem:$0x3FB4];
	_ =	sdelay $0x3  }
0x37: {  	[smem:$0x3FB4] =	sst s10  }
0x38: {  	s10 =	sld [smem:$0x3FB5]  }
0x39: {  	_ = 	snop;
	(pc) =	sbr.ind lr, $3  }
0x3a: {  	_ = 	snop  }
0x3b: {  	_ = 	snop  }
0x3c: {  	p2 =	seq.s32 s10, $0x1;
	s10 =	sld [smem:$0x3FB4]  }
0x3d: {  	_ =	shalt  }
0x3e: {  	_ =	shalt  }
0x3f: {  	_ =	shalt  }
0x40: {  	_ =	shalt  }
0x41: {  	_ =	shalt  }
0x42: {  	_ =	shalt  }
0x43: {  	_ =	shalt  }
0x44: {  	_ =	shalt  }
0x45: {  	_ =	shalt  }
0x46: {  	_ =	shalt  }
0x47: {  	_ =	shalt  }
0x48: {  	_ =	shalt  }
0x49: {  	_ =	shalt  }
0x4a: {  	_ =	shalt  }
0x4b: {  	_ =	shalt  }
0x4c: {  	_ =	shalt  }
0x4d: {  	_ =	shalt  }
0x4e: {  	_ =	shalt  }
0x4f: {  	_ =	shalt  }
0x50: {  	_ =	shalt  }
0x51: {  	_ =	shalt  }
0x52: {  	_ =	shalt  }
0x53: {  	_ =	shalt  }
0x54: {  	_ =	shalt  }
0x55: {  	_ =	shalt  }
0x56: {  	_ =	shalt  }
0x57: {  	_ =	shalt  }
0x58: {  	_ =	shalt  }
0x59: {  	_ =	shalt  }
0x5a: {  	_ =	shalt  }
0x5b: {  	_ =	shalt  }
0x5c: {  	_ =	shalt  }
0x5d: {  	_ =	shalt  }
0x5e: {  	_ =	shalt  }
0x5f: {  	_ =	shalt  }
0x60: {  	_ =	shalt  }
0x61: {  	_ =	shalt  }
0x62: {  	_ =	shalt  }
0x63: {  	_ =	shalt  }
0x64: {  	_ =	shalt  }
0x65: {  	_ =	shalt  }
0x66: {  	_ =	shalt  }
0x67: {  	_ =	shalt  }
0x68: {  	_ =	shalt  }
0x69: {  	_ =	shalt  }
0x6a: {  	_ =	shalt  }
0x6b: {  	_ =	shalt  }
0x6c: {  	_ =	shalt  }
0x6d: {  	_ =	shalt  }
0x6e: {  	_ =	shalt  }
0x6f: {  	_ =	shalt  }
0x70: {  	_ =	shalt  }
0x71: {  	_ =	shalt  }
0x72: {  	_ =	shalt  }
0x73: {  	_ =	shalt  }
0x74: {  	_ =	shalt  }
0x75: {  	_ =	shalt  }
0x76: {  	_ =	shalt  }
0x77: {  	_ =	shalt  }
0x78: {  	_ =	shalt  }
0x79: {  	_ =	shalt  }
0x7a: {  	_ =	shalt  }
0x7b: {  	_ =	shalt  }
0x7c: {  	_ =	shalt  }
0x7d: {  	_ =	shalt  }
0x7e: {  	_ =	shalt  }
0x7f: {  	_ =	shalt  }
0x80: {  	_ =	shalt  }
0x81: {  	_ =	shalt  }
0x82: {  	_ =	shalt  }
0x83: {  	_ =	shalt  }
0x84: {  	_ =	shalt  }
0x85: {  	_ =	shalt  }
0x86: {  	_ =	shalt  }
0x87: {  	_ =	shalt  }
.Lfunc_end0:
.L_simem_size_0:
called_computation.1_lowered:
.L_overlay_start_0:
0x88: {  	s2 =	sld [smem:$0x3FD9]  }
0x89: {  	s3 =	sld [smem:$0x3FFE];
	_ =	sdelay $0x1  }
0x8a: {  	s1 =	srdreg.scid  }
0x8b: {  	s0 =	sand.u32 $0x1, s1  }
0x8c: {  	s17 =	sshll.u32 s0, $0xA;
	s2 =	sadd.s32 s3, s2  }
0x8d: {  	s2 =	sadd.s32 s2, s17  }
0x8e: {  	[smem:$0x3FC0] =	sst s2  }
0x8f: {  	_ = 	snop  }
0x90: {  	s2 =	sld [smem:$0x3FD0];
	(tm) =	ssettm $0x1  }
0x91: {  	s18 =	sld [smem:$0x3FFB];
	_ =	sdelay $0x3  }
0x92: {  	_ =	strace s18  }
0x93: {  	s3 =	sld [smem:$0x3FFC];
	_ =	sdelay $0x3  }
0x94: {  	_ =	strace s3  }
0x95: {  	s3 =	sld [smem:$0x3FFD];
	_ =	sdelay $0x3  }
0x96: {  	_ =	strace s3  }
0x97: {  	_ =	strace $0x8FFFFFFF  }
0x98: {  	s19 =	sld [smem:$0x3FDB];
	_ =	sdelay $0x1  }
0x99: {  	s4 =	simm.s32 $_scs_section_size  }
0x9a: {  	s5 =	simm.s32 $_size__tile_overlayer_lowered;
	s6 =	simm.s32 $_tile_overlayer_lowered  }
0x9b: {  	s22 =	simm.s32 $0x1BFF;
	s21 =	sshll.u32 s6, $0x1;
	s3 =	sadd.s32 s4, s19  }
0x9c: {  	s7 =	simm.s32 $0x0;
	s20 =	sshll.u32 s5, $0x1;
	s5 =	sadd.s32 s21, s3  }
0x9d: {  	[timem:s7], [sflag:s22] =	dma.local [hbm:s5], s20  }
0x9e: {  	_ =	swait.ge [sflag:s22], s20  }
0x9f: {  	s4 =	ssub.s32 $0x0, s20;
	[sflag:s22] =	ssyncset.done $0x0  }
0xa0: {  	[sflag:s22] =	ssyncadd.s32 s4;
	_ =	sdelay $0x1  }
0xa1: {  	s23 =	simm.s32 $0x1B8B  }
0xa2: {  	_ =	swait.ge [sflag:s23], $0x1  }
0xa3: {  	[sflag:s23] =	ssyncset.done $0x0  }
0xa4: {  	s25 =	simm.s32 $0x1B8E;
	s24 =	sld [smem:$0x3FFE];
	[sflag:s23] =	ssyncadd.s32 $0xFFFFFFFF  }
0xa5: {  	s26 =	simm.s32 $execute0_lowered;
	[smem:$0x3FD2] =	sst s25  }
0xa6: {  	s5 =	sshll.u32 s26, $0x1;
	_ =	strace $0x80000049;
	[dreg:$0x1] =	wrdreg $0xFFFFFFFF  }
0xa7: {  	s28 =	simm.s32 $_size_execute0_lowered;
	s3 =	sadd.s32 s3, s5;
	[dreg:$0x0] =	wrdreg $0x0  }
0xa8: {  	s5 =	sshll.u32 s28, $0x1;
	[dreg:$0x2] =	wrdreg s3  }
0xa9: {  	[dreg:$0x3] =	wrdreg s5  }
0xaa: {  	[dreg:$0x4] =	wrdreg $0xC0  }
0xab: {  	_ =	task [dreg:s7], $0x5FFFF  }
0xac: {  	[dreg:$0x1] =	wrdreg $0xFFFFFFFF  }
0xad: {  	[dreg:$0x0] =	wrdreg $0x60  }
0xae: {  	[dreg:$0x2] =	wrdreg s2  }
0xaf: {  	[dreg:$0x3] =	wrdreg s24  }
0xb0: {  	[dreg:$0x4] =	wrdreg $0xB7800  }
0xb1: {  	[dreg:$0x5] =	wrdreg $0x9  }
0xb2: {  	_ =	task.clear_ibuf [dreg:s7], $0x6FFFF;
	_ =	strace $0x90000049  }
0xb3: {  	s29 =	simm.s32 $0x9;
	_ =	strace $0x8000004B  }
0xb4: {  	_ =	swait.ge [sflag:s29], $0x1  }
0xb5: {  	[sflag:s29] =	ssyncadd.s32 $0xFFFFFFFF  }
0xb6: {  	_ =	strace $0x9000004B  }
0xb7: {  	_ =	sfence  }
0xb8: {  	s30 =	sld [smem:$0x0];
	_ =	sdelay $0x2  }
0xb9: {  	s31 =	sshll.u32 s1, $0xD;
	s1 =	sshrl.u32 s1, $0x2  }
0xba: {  	s3 =	sand.u32 $0x4000, s31;
	s1 =	sadd.s32 s1, s30  }
0xbb: {  	s0 =	sor.u32 s3, s0;
	s1 =	sshll.u32 s1, $0x11  }
0xbc: {  	s0 =	sor.u32 s1, s0  }
0xbd: {  	s0 =	sadd.s32 $0x8F2B, s0  }
0xbe: {  	[sflag:s0] =	ssyncadd.remote.s32 $0x1  }
0xbf: {  	_ =	sfence.sel $0xFFFF  }
0xc0: {  	[dreg:$0x0] =	wrdreg $0xFFFFFFFF;
	(pc) =	sbr.abs _section_cstart, $3  }
0xc1: {  	[dreg:$0x1] =	wrdreg $0xFFFFFFFF  }
0xc2: {  	_ =	task.clear_ibuf [dreg:s7], $0x2FFFF;
	_ =	strace $0x9FFFFFFF  }
0xc3: {  	(tm) =	ssettm $0x7FFFFFFF  }
tec
execute0_lowered:
.L_overlay_start_1:
0x0: {  	(tag) =	ssettag $0x1  }
0x1: {  	s1 =	rddreg [dreg:$0x0]  }
0x2: {  	s5 =	rddreg [dreg:$0x1]  }
0x3: {  	s2 =	rddreg [dreg:$0x2]  }
0x4: {  	s6 =	srdreg.scid;
	s0 =	stileid.u32;
	s4 =	simm.s32 $0x0  }
0x5: {  	s20 =	stileid.u32;
	s21 =	simm.s32 $0x6780;
	s22 =	simm.s32 $0x1  }
0x6: {  	s23 =	simm.s32 $0x2;
	s24 =	simm.s32 $0x50;
	s25 =	simm.s32 $0x8F80  }
0x7: {  	s26 =	simm.s32 $0x6580;
	s28 =	simm.s32 $0x0;
	s9 =	smul.u32 $0x4E000, s0  }
0x8: {  	s11 =	sand.u32 $0x1, s6;
	s29 =	sshll.u32 s0, $0x1;
	s15 =	smul.u32 $0x2700, s0  }
0x9: {  	[smem:$0x7FF] =	sst s4;
	s17 =	sadd.s32 $0x1CA00, s5;
	s16 =	smul.u32 $0x27100, s11  }
0xa: {  	p0 =	sne.s32 s0, $0x0;
	s6 =	sor.u32 s11, s29;
	s19 =	smul.u32 $0x138800, s11  }
0xb: {  	_ =	strace $0x8000004A;
	s8 =	ssub.s32 $0x2, s11;
	s7 =	smul.u32 $0x4E2, s6  }
0xc: {  	s6 =	sshll.u32 s6, $0xB;
	s30 =	sshrl.u32 s8, $0x1;
	s31 =	sshrl.u32 s9, $0x2  }
0xd: {  	s10 =	sadd.s32 s6, s5;
	s18 =	ssub.s32 s8, s30;
	s6 =	sadd.s32 s31, s2  }
0xe: {  	s16 =	sadd.s32 s15, s16;
	s19 =	sshrl.u32 s19, $0x3;
	s15 =	sadd.s32 $0x138000, s2  }
0xf: {  	s7 =	sadd.s32 s7, s5;
	s8 =	sadd.s32 $0x2800, s6;
	s9 =	sadd.s32 $0x5000, s6  }
0x10: {  	s11 =	sadd.s32 $0xA000, s6;
	s12 =	sadd.s32 $0xC800, s6;
	s13 =	sadd.s32 $0xF000, s6  }
0x11: {  	s14 =	sadd.s32 $0x11800, s6;
	s16 =	sadd.s32 s17, s16;
	s17 =	sadd.s32 s17, s19  }
0x12: {  	s18 =	smax.u32 s18, $0x1;
	s19 =	simm.s32 $0x3;
	s5 =	sadd.s32 $0x2C00, s7  }
0x13: {  	v0 =	vimm.f32 $0.0e+00;
	s7 =	sadd.s32 $0xCA00, s10;
	s10 =	sadd.s32 $0x7800, s6;
	s17 =	sadd.s32 $0x27000, s17  }
.LBB2_1:
0x14: {  	[tilespmem:s4], [sflag:$0x3] =	stream.linear.gather [hbm4b:s5+s4], $0x2710, $0x38;
	[tilespmem:$0x1F000] =	vst v63  }
0x15: {  	_ =	swait.ge [sflag:s19], $0x2710  }
0x16: {  	[sflag:s19] =	ssyncset.done $0x0  }
0x17: {  	s0 =	simm.s32 $0x2780;
	[sflag:s19] =	ssyncadd.s32 $0xFFFFD8F0  }
0x18: {  	[tilespmem:s0], [sflag:$0x3] =	stream.linear.gather [hbm4b:s7+s4], $0x3E80, $0x38;
	[tilespmem:$0x1F000] =	vst v63  }
0x19: {  	_ =	swait.ge [sflag:s19], $0x3E80  }
0x1a: {  	[sflag:s19] =	ssyncset.done $0x0  }
0x1b: {  	s29 =	simm.s32 $0x70;
	s30 =	simm.s32 $0x3C0;
	[sflag:s19] =	ssyncadd.s32 $0xFFFFC180  }
.LBB2_2:
0x1c: {  	p1 =	sne.s32 s30, $0x9FC0;
	[tilespmem:s29+$0x6780] =	vst v0  }
0x1d: {  	[tilespmem:s29+$0x6710] =	vst v0  }
0x1e: {  	[tilespmem:s29+$0x6720] =	vst v0  }
.Ltmp0:
0x1f: {  	[tilespmem:s29+$0x6730] =	vst v0;
	(pc) =	sbr.rel @p1 .LBB2_2-.Ltmp0, $4  }
0x20: {  	[tilespmem:s29+$0x6740] =	vst v0  }
0x21: {  	[tilespmem:s29+$0x6750] =	vst v0  }
0x22: {  	[tilespmem:s29+$0x6760] =	vst v0  }
0x23: {  	[tilespmem:s29+$0x6770] =	vst v0;
	s29 =	sshra.s32 s30, $0x2;
	s30 =	sadd.s32 $0x200, s30  }
0x24: {  	[tilespmem:s29+$0x6780] =	vst v0  }
0x25: {  	[tilespmem:s29+$0x6710] =	vst v0  }
0x26: {  	[tilespmem:s29+$0x6720] =	vst v0  }
0x27: {  	[tilespmem:s29+$0x6730] =	vst v0  }
0x28: {  	[tilespmem:s29+$0x6740] =	vst v0  }
0x29: {  	[tilespmem:s29+$0x6750] =	vst v0  }
0x2a: {  	[tilespmem:s29+$0x6760] =	vst v0  }
0x2b: {  	[tilespmem:s29+$0x6770] =	vst v0  }
0x2c: {  	[spmem:s6] =	stream.linear.scatter [tilespmem:s21], [sflag:$0x1], $0x2800, $0x38;
	[tilespmem:$0x1F000] =	vst v63  }
0x2d: {  	_ = 	snop  }
0x2e: {  	[spmem:s8] =	stream.linear.scatter [tilespmem:s21], [sflag:$0x1], $0x2800, $0x38;
	[tilespmem:$0x1F000] =	vst v63  }
0x2f: {  	_ = 	snop  }
0x30: {  	[spmem:s9] =	stream.linear.scatter [tilespmem:s21], [sflag:$0x1], $0x2800, $0x38;
	[tilespmem:$0x1F000] =	vst v63  }
0x31: {  	_ = 	snop  }
0x32: {  	[spmem:s10] =	stream.linear.scatter [tilespmem:s21], [sflag:$0x1], $0x2800, $0x38;
	[tilespmem:$0x1F000] =	vst v63  }
0x33: {  	_ = 	snop  }
0x34: {  	[spmem:s11] =	stream.linear.scatter [tilespmem:s21], [sflag:$0x1], $0x2800, $0x38;
	[tilespmem:$0x1F000] =	vst v63  }
0x35: {  	_ = 	snop  }
0x36: {  	[spmem:s12] =	stream.linear.scatter [tilespmem:s21], [sflag:$0x1], $0x2800, $0x38;
	[tilespmem:$0x1F000] =	vst v63  }
0x37: {  	_ = 	snop  }
0x38: {  	[spmem:s13] =	stream.linear.scatter [tilespmem:s21], [sflag:$0x1], $0x2800, $0x38;
	[tilespmem:$0x1F000] =	vst v63  }
0x39: {  	_ = 	snop  }
0x3a: {  	[spmem:s14] =	stream.linear.scatter [tilespmem:s21], [sflag:$0x2], $0x2000, $0x38;
	[tilespmem:$0x1F000] =	vst v63  }
0x3b: {  	s29 =	simm.s32 @!p0 $0x6780  }
0x3c: {  	[spmem:s15] =	stream.linear.scatter @!p0 [tilespmem:s29], [sflag:$0x3], $0x800, $0x38;
	[tilespmem:$0x1F000] =	vst v63  }
0x3d: {  	s29 =	simm.s32 @!p0 $0x3  }
0x3e: {  	_ =	swait.ge @!p0 [sflag:s29], $0x800  }
0x3f: {  	[sflag:s29] =	ssyncset.done @!p0 $0x0  }
0x40: {  	[sflag:s29] =	ssyncadd.s32 @!p0 $0xFFFFF800  }
0x41: {  	_ =	swait.ge [sflag:s22], $0x2800  }
0x42: {  	[sflag:s22] =	ssyncset.done $0x0  }
0x43: {  	[sflag:s22] =	ssyncadd.s32 $0xFFFFD800  }
0x44: {  	_ =	swait.ge [sflag:s22], $0x2800  }
0x45: {  	[sflag:s22] =	ssyncset.done $0x0  }
0x46: {  	[sflag:s22] =	ssyncadd.s32 $0xFFFFD800  }
0x47: {  	_ =	swait.ge [sflag:s22], $0x2800  }
0x48: {  	[sflag:s22] =	ssyncset.done $0x0  }
0x49: {  	[sflag:s22] =	ssyncadd.s32 $0xFFFFD800  }
0x4a: {  	_ =	swait.ge [sflag:s22], $0x2800  }
0x4b: {  	[sflag:s22] =	ssyncset.done $0x0  }
0x4c: {  	[sflag:s22] =	ssyncadd.s32 $0xFFFFD800  }
0x4d: {  	_ =	swait.ge [sflag:s22], $0x2800  }
0x4e: {  	[sflag:s22] =	ssyncset.done $0x0  }
0x4f: {  	[sflag:s22] =	ssyncadd.s32 $0xFFFFD800  }
0x50: {  	_ =	swait.ge [sflag:s22], $0x2800  }
0x51: {  	[sflag:s22] =	ssyncset.done $0x0  }
0x52: {  	[sflag:s22] =	ssyncadd.s32 $0xFFFFD800  }
0x53: {  	_ =	swait.ge [sflag:s22], $0x2800  }
0x54: {  	[sflag:s22] =	ssyncset.done $0x0  }
0x55: {  	[sflag:s22] =	ssyncadd.s32 $0xFFFFD800  }
0x56: {  	_ =	swait.ge [sflag:s23], $0x2000  }
0x57: {  	[sflag:s23] =	ssyncset.done $0x0  }
0x58: {  	s29 =	simm.s32 $0x0;
	[sflag:s23] =	ssyncadd.s32 $0xFFFFE000  }
0x59: {  	[tilespmem:s21], [sflag:$0x1] =	stream.indirect.gather [hbm4b:s1+s24], $0x80, s29, s24, $0xb8;
	[tilespmem:$0x1F000] =	vst v63  }
0x5a: {  	s29 =	simm.s32 $0x50;
	[bflag:$0x0] =	sbarrier.arrive $0xFFFF  }
0x5b: {  	[tilespmem:s25], [sflag:$0x2] =	stream.indirect.gather [hbm4b:s1+s24], $0x80, s29, s24, $0xb8;
	[tilespmem:$0x1F000] =	vst v63  }
0x5c: {  	_ =	swait.ge [sflag:s22], $0x2800  }
0x5d: {  	[sflag:s22] =	ssyncset.done $0x0  }
0x5e: {  	s29 =	simm.s32 $0x2780;
	[sflag:s22] =	ssyncadd.s32 $0xFFFFD800  }
0x5f: {  	[spmem:s2] =	stream.indirect.scatter.add.f32 [tilespmem:s21], [sflag:$0x3], $0x80, s29, s24, $0xb8;
	[tilespmem:$0x1F000] =	vst v63  }
0x60: {  	_ =	swait.ge [sflag:s19], $0x2800  }
0x61: {  	[sflag:s19] =	ssyncset.done $0x0  }
0x62: {  	s29 =	simm.s32 $0xA0;
	[sflag:s19] =	ssyncadd.s32 $0xFFFFD800  }
0x63: {  	[tilespmem:s21], [sflag:$0x1] =	stream.indirect.gather [hbm4b:s1+s24], $0x80, s29, s24, $0xb8;
	[tilespmem:$0x1F000] =	vst v63  }
0x64: {  	_ =	swait.ge [sflag:s23], $0x2800  }
0x65: {  	[sflag:s23] =	ssyncset.done $0x0  }
0x66: {  	s29 =	simm.s32 $0x2800;
	[sflag:s23] =	ssyncadd.s32 $0xFFFFD800  }
0x67: {  	[spmem:s2] =	stream.indirect.scatter.add.f32 [tilespmem:s25], [sflag:$0x3], $0x80, s29, s24, $0xb8;
	[tilespmem:$0x1F000] =	vst v63  }
0x68: {  	s30 =	simm.s32 $0x400;
	_ =	swait.ge [sflag:s19], $0x2800  }
0x69: {  	s31 =	simm.s32 $0x800;
	s29 =	simm.s32 $0x140;
	[sflag:s19] =	ssyncset.done $0x0  }
.LBB2_4:
0x6a: {  	p1 =	sne.s32 s31, $0xF400;
	s0 =	sadd.s32 $0xFFFFFFB0, s29;
	[sflag:s19] =	ssyncadd.s32 $0xFFFFD800  }
0x6b: {  	[tilespmem:s25], [sflag:$0x2] =	stream.indirect.gather [hbm4b:s1+s24], $0x80, s0, s24, $0xb8;
	[tilespmem:$0x1F000] =	vst v63  }
0x6c: {  	s0 =	smov.u32 s31;
	s31 =	sadd.s32 $0x400, s31;
	_ =	swait.ge [sflag:s22], $0x2800  }
0x6d: {  	s3 =	sshra.s32 s30, $0x2;
	s30 =	smov.u32 s0;
	[sflag:s22] =	ssyncset.done $0x0  }
0x6e: {  	s0 =	sadd.s32 $0x2780, s3;
	[sflag:s22] =	ssyncadd.s32 $0xFFFFD800  }
0x6f: {  	[spmem:s2] =	stream.indirect.scatter.add.f32 [tilespmem:s21], [sflag:$0x3], $0x80, s0, s24, $0xb8;
	[tilespmem:$0x1F000] =	vst v63  }
0x70: {  	_ =	swait.ge [sflag:s19], $0x2800  }
0x71: {  	[sflag:s19] =	ssyncset.done $0x0  }
0x72: {  	[sflag:s19] =	ssyncadd.s32 $0xFFFFD800  }
0x73: {  	[tilespmem:s21], [sflag:$0x1] =	stream.indirect.gather [hbm4b:s1+s24], $0x80, s29, s24, $0xb8;
	[tilespmem:$0x1F000] =	vst v63  }
0x74: {  	_ =	swait.ge [sflag:s23], $0x2800  }
.Ltmp1:
0x75: {  	[sflag:s23] =	ssyncset.done $0x0;
	(pc) =	sbr.rel @p1 .LBB2_4-.Ltmp1, $4  }
0x76: {  	s0 =	sadd.s32 $0x2800, s3;
	[sflag:s23] =	ssyncadd.s32 $0xFFFFD800  }
0x77: {  	[spmem:s2] =	stream.indirect.scatter.add.f32 [tilespmem:s25], [sflag:$0x3], $0x80, s0, s24, $0xb8;
	[tilespmem:$0x1F000] =	vst v63  }
0x78: {  	_ =	swait.ge [sflag:s19], $0x2800  }
0x79: {  	s29 =	sadd.s32 $0xA0, s29;
	[sflag:s19] =	ssyncset.done $0x0  }
0x7a: {  	s0 =	sadd.s32 $0xFFFFFFB0, s29;
	[sflag:s19] =	ssyncadd.s32 $0xFFFFD800  }
0x7b: {  	[tilespmem:s25], [sflag:$0x2] =	stream.indirect.gather [hbm4b:s1+s24], $0x80, s0, s24, $0xb8;
	[tilespmem:$0x1F000] =	vst v63  }
0x7c: {  	_ =	swait.ge [sflag:s22], $0x2800  }
0x7d: {  	s31 =	sshra.s32 s30, $0x2;
	[sflag:s22] =	ssyncset.done $0x0  }
0x7e: {  	s3 =	sadd.s32 $0x2780, s31;
	[sflag:s22] =	ssyncadd.s32 $0xFFFFD800  }
0x7f: {  	[spmem:s2] =	stream.indirect.scatter.add.f32 [tilespmem:s21], [sflag:$0x3], $0x80, s3, s24, $0xb8;
	[tilespmem:$0x1F000] =	vst v63  }
0x80: {  	_ =	swait.ge [sflag:s19], $0x2800  }
0x81: {  	[sflag:s19] =	ssyncset.done $0x0  }
0x82: {  	[sflag:s19] =	ssyncadd.s32 $0xFFFFD800  }
0x83: {  	[tilespmem:s21], [sflag:$0x1] =	stream.indirect.gather [hbm4b:s1+s24], $0x80, s29, s24, $0xb8;
	[tilespmem:$0x1F000] =	vst v63  }
0x84: {  	_ =	swait.ge [sflag:s23], $0x2800  }
0x85: {  	[sflag:s23] =	ssyncset.done $0x0  }
0x86: {  	s0 =	sadd.s32 $0x2800, s31;
	[sflag:s23] =	ssyncadd.s32 $0xFFFFD800  }
0x87: {  	[spmem:s2] =	stream.indirect.scatter.add.f32 [tilespmem:s25], [sflag:$0x3], $0x80, s0, s24, $0xb8;
	[tilespmem:$0x1F000] =	vst v63  }
0x88: {  	_ =	swait.ge [sflag:s19], $0x2800  }
0x89: {  	[sflag:s19] =	ssyncset.done $0x0  }
0x8a: {  	[sflag:s19] =	ssyncadd.s32 $0xFFFFD800  }
0x8b: {  	_ =	swait.ge [sflag:s22], $0x2800  }
0x8c: {  	[sflag:s22] =	ssyncset.done $0x0  }
0x8d: {  	[sflag:s22] =	ssyncadd.s32 $0xFFFFD800  }
0x8e: {  	[spmem:s2] =	stream.indirect.scatter.add.f32 [tilespmem:s21], [sflag:$0x3], $0x80, s26, s24, $0xb8;
	[tilespmem:$0x1F000] =	vst v63  }
0x8f: {  	_ =	swait.ge [sflag:s19], $0x2800  }
0x90: {  	[sflag:s19] =	ssyncset.done $0x0  }
0x91: {  	s30 =	sshll.u32 s20, $0x6;
	[sflag:s19] =	ssyncadd.s32 $0xFFFFD800  }
0x92: {  	s31 =	sshrl.u32 s6, $0x3;
	s0 =	sor.u32 $0x1C03, s30;
	[bflag:$0x0] =	sbarrier.arrive $0xFFFF  }
0x93: {  	[hbm:s16], [sflag:s0] =	dma.local [spmem:s31], $0x2700  }
0x94: {  	_ =	swait.ge [sflag:s19], $0x2700  }
0x95: {  	s28 =	sadd.s32 $0x1, s28;
	[sflag:s19] =	ssyncset.done $0x0  }
0x96: {  	p1 =	sne.s32 s28, s18;
	s3 =	sshrl.u32 @!p0 s15, $0x3;
	[sflag:s19] =	ssyncadd.s32 $0xFFFFD900  }
0x97: {  	[hbm:s17], [sflag:s0] =	dma.local @!p0 [spmem:s3], $0x100  }
.Ltmp2:
0x98: {  	_ = 	snop;
	(pc) =	sbr.rel @p1 .LBB2_1-.Ltmp2, $4  }
0x99: {  	s0 =	simm.s32 @!p0 $0x3  }
0x9a: {  	_ =	swait.ge @!p0 [sflag:s0], $0x100  }
0x9b: {  	[sflag:s0] =	ssyncset.done @!p0 $0x0  }
0x9c: {  	[sflag:s0] =	ssyncadd.s32 @!p0 $0xFFFFFF00  }
0x9d: {  	_ =	sfence.sel $0x180000  }
0x9e: {  	[bflag:$0x0] =	sbarrier.arrive $0xFFFF  }
0x9f: {  	_ =	strace $0x9000004A  }
0xa0: {  	[bflag:$0x2] =	sbarrier.arrive $0xFFFF  }
0xa1: {  	s0 =	rddreg [dreg:$0x3]  }
0xa2: {  	s0 =	sadd.s32 @!p0 $0x100000, s0  }
0xa3: {  	[sflag:s0] =	ssyncadd.tile.s32 @!p0 $0x1;
	_ =	shalt  }
.Lfunc_end2:
_tile_overlayer_lowered:
.L_overlay_start_2:
0xa4: {  	(tag) =	ssettag $0x2  }
0xa5: {  	s0 =	rddreg [dreg:$0x0];
	s2 =	stileid.u32  }
0xa6: {  	s1 =	rddreg [dreg:$0x1];
	p0 =	sne.s32 s2, $0x0  }
0xa7: {  	s3 =	rddreg [dreg:$0x2];
	[bflag:$0x3] =	sbarrier.arrive $0xFFFF;
	s2 =	simm.s32 @!p0 $0x1C03  }
0xa8: {  	[timem:s3], [sflag:s2] =	dma.local @!p0 [hbm:s0], s1  }
0xa9: {  	s0 =	simm.s32 @!p0 $0x3  }
0xaa: {  	_ =	swait.ge @!p0 [sflag:s0], s1  }
0xab: {  	s1 =	ssub.s32 @!p0 $0x0, s1;
	[sflag:s0] =	ssyncset.done @!p0 $0x0  }
0xac: {  	[sflag:s0] =	ssyncadd.s32 @!p0 s1  }
0xad: {  	[bflag:$0x3] =	sbarrier.arrive $0xFFFF  }
0xae: {  	_ =	shalt  }

// kernel: kernel.16.cloned.1.call-start
scs
__scs_entry_jumppad:
0x0: {  	(pc) =	sbr.rel $0x88, $3  }
0x1: {  	(tag) =	ssettag $0x0;
	lr =	simm.s32 $0x1  }
0x2: {  	[smem:$0x3F99] =	sst lr;
	_ =	strace $0xD0000000  }
0x3: {  	_ = 	snop  }
0x4: {  	_ = 	snop  }
0x5: {  	_ = 	snop  }
0x6: {  	_ = 	snop  }
0x7: {  	_ = 	snop  }
__scs_overlays_trampoline_lowered:
0x8: {  	[smem:$0x3FA8] =	sst s0  }
0x9: {  	[smem:$0x3FA9] =	sst s1  }
0xa: {  	[smem:$0x3FAA] =	sst s2  }
0xb: {  	[smem:$0x3FAB] =	sst s3  }
0xc: {  	[smem:$0x3FAC] =	sst s4  }
0xd: {  	[smem:$0x3FAD] =	sst s5  }
0xe: {  	[smem:$0x3FAE] =	sst s6  }
0xf: {  	[smem:$0x3FAF] =	sst s7  }
0x10: {  	[smem:$0x3FB0] =	sst s8  }
0x11: {  	[smem:$0x3FB1] =	sst s9;
	s0 =	simm.s32 @!p0 $0x0  }
0x12: {  	s1 =	sld [smem:$0x3F97];
	s0 =	simm.s32 @p0 $0x1  }
0x13: {  	[smem:$0x3FB2] =	sst s0;
	s0 =	simm.s32 @!p1 $0x0  }
0x14: {  	s2 =	sld [smem:$0x3F96];
	s0 =	simm.s32 @p1 $0x1  }
0x15: {  	[smem:$0x3FB3] =	sst s0;
	s0 =	simm.s32 @!p2 $0x0  }
0x16: {  	s3 =	sld [smem:$0x3FDB];
	s0 =	simm.s32 @p2 $0x1  }
0x17: {  	s4 =	simm.s32 $0x1BF5;
	[smem:$0x3FB5] =	sst s0  }
0x18: {  	s0 =	sld [smem:$0x3F98];
	_ =	swait.ge [sflag:s4], $0x0  }
0x19: {  	s7 =	sld [smem:$0x3F99]  }
0x1a: {  	s8 =	sadd.s32 $0xFFFFE003, lr  }
0x1b: {  	s9 =	sadd.s32 $0xFFFFFEF7, lr;
	s5 =	simm.s32 $0xFFFFFFFF;
	p2 =	slt.u32 s8, $0xFFFFF086  }
0x1c: {  	p1 =	slt.u32 s9, $0xF7A;
	s5 =	simm.s32 @!p2 $0x0  }
0x1d: {  	s5 =	simm.s32 @p1 $0x1;
	p0 =	seq.s32 s7, s2  }
0x1e: {  	s7 =	smul.u32 @!p0 $0xF7A, s2;
	p2 =	seq.s32 @!p0 s5, $0x0  }
0x1f: {  	s9 =	smul.u32 $0xF7A, s1;
	s8 =	simm.s32 @!p0 $0x1BF5;
	p2 =	por !p2, p0  }
0x20: {  	[sflag:s8] =	ssyncset.s32 @!p0 $0xFFFFF086;
	s6 =	sadd.s32 @!p0 s3, s7;
	s7 =	simm.s32 @!p0 $0x108  }
0x21: {  	s3 =	sadd.s32 s3, s9;
	s6 =	sadd.s32 @!p0 $0x88, s6;
	s7 =	simm.s32 @p2 $0x1082  }
0x22: {  	[simem:s7], [sflag:s8] =	dma.local @!p0 [hbm:s6], $0xF7A  }
0x23: {  	s9 =	sor.u32 $0xD0000000, s2;
	s6 =	simm.s32 $0x108;
	_ =	swait.ge @!p0 [sflag:s8], $0x0  }
0x24: {  	s3 =	sadd.s32 $0x88, s3;
	s6 =	simm.s32 @!p1 $0x1082;
	[sflag:s4] =	ssyncset.s32 $0xFFFFF086  }
0x25: {  	[simem:s6], [sflag:s4] =	dma.local [hbm:s3], $0xF7A  }
0x26: {  	[smem:$0x3F99] =	sst s1;
	(tag) =	ssettag s2;
	_ =	strace s9  }
0x27: {  	s1 =	sld [smem:$0x3FA9]  }
0x28: {  	s2 =	sld [smem:$0x3FAA]  }
0x29: {  	s4 =	sld [smem:$0x3FAC]  }
0x2a: {  	p0 =	seq.s32 s5, $0x0;
	s5 =	sld [smem:$0x3FAD]  }
0x2b: {  	s6 =	sld [smem:$0x3FAE]  }
0x2c: {  	s7 =	sld [smem:$0x3FAF]  }
0x2d: {  	s3 =	simm.s32 $0x108;
	s8 =	sld [smem:$0x3FB0]  }
0x2e: {  	s3 =	simm.s32 @!p0 $0x1082;
	s9 =	sld [smem:$0x3FB1]  }
0x2f: {  	lr =	sadd.s32 s0, s3;
	s0 =	sld [smem:$0x3FA8]  }
0x30: {  	s3 =	sld [smem:$0x3FAB]  }
0x31: {  	[smem:$0x3FB4] =	sst s10  }
0x32: {  	s10 =	sld [smem:$0x3FB2];
	_ =	sdelay $0x3  }
0x33: {  	p0 =	seq.s32 s10, $0x1;
	s10 =	sld [smem:$0x3FB4];
	_ =	sdelay $0x3  }
0x34: {  	[smem:$0x3FB4] =	sst s10  }
0x35: {  	s10 =	sld [smem:$0x3FB3];
	_ =	sdelay $0x3  }
0x36: {  	p1 =	seq.s32 s10, $0x1;
	s10 =	sld [smem:$0x3FB4];
	_ =	sdelay $0x3  }
0x37: {  	[smem:$0x3FB4] =	sst s10  }
0x38: {  	s10 =	sld [smem:$0x3FB5]  }
0x39: {  	_ = 	snop;
	(pc) =	sbr.ind lr, $3  }
0x3a: {  	_ = 	snop  }
0x3b: {  	_ = 	snop  }
0x3c: {  	p2 =	seq.s32 s10, $0x1;
	s10 =	sld [smem:$0x3FB4]  }
0x3d: {  	_ =	shalt  }
0x3e: {  	_ =	shalt  }
0x3f: {  	_ =	shalt  }
0x40: {  	_ =	shalt  }
0x41: {  	_ =	shalt  }
0x42: {  	_ =	shalt  }
0x43: {  	_ =	shalt  }
0x44: {  	_ =	shalt  }
0x45: {  	_ =	shalt  }
0x46: {  	_ =	shalt  }
0x47: {  	_ =	shalt  }
0x48: {  	_ =	shalt  }
0x49: {  	_ =	shalt  }
0x4a: {  	_ =	shalt  }
0x4b: {  	_ =	shalt  }
0x4c: {  	_ =	shalt  }
0x4d: {  	_ =	shalt  }
0x4e: {  	_ =	shalt  }
0x4f: {  	_ =	shalt  }
0x50: {  	_ =	shalt  }
0x51: {  	_ =	shalt  }
0x52: {  	_ =	shalt  }
0x53: {  	_ =	shalt  }
0x54: {  	_ =	shalt  }
0x55: {  	_ =	shalt  }
0x56: {  	_ =	shalt  }
0x57: {  	_ =	shalt  }
0x58: {  	_ =	shalt  }
0x59: {  	_ =	shalt  }
0x5a: {  	_ =	shalt  }
0x5b: {  	_ =	shalt  }
0x5c: {  	_ =	shalt  }
0x5d: {  	_ =	shalt  }
0x5e: {  	_ =	shalt  }
0x5f: {  	_ =	shalt  }
0x60: {  	_ =	shalt  }
0x61: {  	_ =	shalt  }
0x62: {  	_ =	shalt  }
0x63: {  	_ =	shalt  }
0x64: {  	_ =	shalt  }
0x65: {  	_ =	shalt  }
0x66: {  	_ =	shalt  }
0x67: {  	_ =	shalt  }
0x68: {  	_ =	shalt  }
0x69: {  	_ =	shalt  }
0x6a: {  	_ =	shalt  }
0x6b: {  	_ =	shalt  }
0x6c: {  	_ =	shalt  }
0x6d: {  	_ =	shalt  }
0x6e: {  	_ =	shalt  }
0x6f: {  	_ =	shalt  }
0x70: {  	_ =	shalt  }
0x71: {  	_ =	shalt  }
0x72: {  	_ =	shalt  }
0x73: {  	_ =	shalt  }
0x74: {  	_ =	shalt  }
0x75: {  	_ =	shalt  }
0x76: {  	_ =	shalt  }
0x77: {  	_ =	shalt  }
0x78: {  	_ =	shalt  }
0x79: {  	_ =	shalt  }
0x7a: {  	_ =	shalt  }
0x7b: {  	_ =	shalt  }
0x7c: {  	_ =	shalt  }
0x7d: {  	_ =	shalt  }
0x7e: {  	_ =	shalt  }
0x7f: {  	_ =	shalt  }
0x80: {  	_ =	shalt  }
0x81: {  	_ =	shalt  }
0x82: {  	_ =	shalt  }
0x83: {  	_ =	shalt  }
0x84: {  	_ =	shalt  }
0x85: {  	_ =	shalt  }
0x86: {  	_ =	shalt  }
0x87: {  	_ =	shalt  }
.Lfunc_end0:
.L_simem_size_0:
called_computation.2_lowered:
.L_overlay_start_0:
0x88: {  	s2 =	sld [smem:$0x3FD9]  }
0x89: {  	s3 =	sld [smem:$0x3FFE];
	_ =	sdelay $0x1  }
0x8a: {  	s1 =	srdreg.scid  }
0x8b: {  	s0 =	sand.u32 $0x1, s1  }
0x8c: {  	s17 =	sshll.u32 s0, $0xA;
	s2 =	sadd.s32 s3, s2  }
0x8d: {  	s2 =	sadd.s32 s2, s17  }
0x8e: {  	[smem:$0x3FC0] =	sst s2  }
0x8f: {  	_ = 	snop  }
0x90: {  	s2 =	sld [smem:$0x3FD0];
	(tm) =	ssettm $0x1  }
0x91: {  	s18 =	sld [smem:$0x3FFB];
	_ =	sdelay $0x3  }
0x92: {  	_ =	strace s18  }
0x93: {  	s3 =	sld [smem:$0x3FFC];
	_ =	sdelay $0x3  }
0x94: {  	_ =	strace s3  }
0x95: {  	s3 =	sld [smem:$0x3FFD];
	_ =	sdelay $0x3  }
0x96: {  	_ =	strace s3  }
0x97: {  	_ =	strace $0x8FFFFFFF  }
0x98: {  	s19 =	sld [smem:$0x3FDB];
	_ =	sdelay $0x1  }
0x99: {  	s4 =	simm.s32 $_scs_section_size  }
0x9a: {  	s5 =	simm.s32 $_size__tile_overlayer_lowered;
	s6 =	simm.s32 $_tile_overlayer_lowered  }
0x9b: {  	s22 =	simm.s32 $0x1BFF;
	s21 =	sshll.u32 s6, $0x1;
	s3 =	sadd.s32 s4, s19  }
0x9c: {  	s7 =	simm.s32 $0x0;
	s20 =	sshll.u32 s5, $0x1;
	s5 =	sadd.s32 s21, s3  }
0x9d: {  	[timem:s7], [sflag:s22] =	dma.local [hbm:s5], s20  }
0x9e: {  	_ =	swait.ge [sflag:s22], s20  }
0x9f: {  	s4 =	ssub.s32 $0x0, s20;
	[sflag:s22] =	ssyncset.done $0x0  }
0xa0: {  	[sflag:s22] =	ssyncadd.s32 s4;
	_ =	sdelay $0x1  }
0xa1: {  	s23 =	simm.s32 $0x1B8B  }
0xa2: {  	_ =	swait.ge [sflag:s23], $0x1  }
0xa3: {  	[sflag:s23] =	ssyncset.done $0x0  }
0xa4: {  	s25 =	simm.s32 $0x1B8E;
	s24 =	sld [smem:$0x3FFE];
	[sflag:s23] =	ssyncadd.s32 $0xFFFFFFFF  }
0xa5: {  	s26 =	simm.s32 $execute0_lowered;
	[smem:$0x3FD2] =	sst s25  }
0xa6: {  	s5 =	sshll.u32 s26, $0x1;
	_ =	strace $0x8000004C;
	[dreg:$0x1] =	wrdreg $0xFFFFFFFF  }
0xa7: {  	s28 =	simm.s32 $_size_execute0_lowered;
	s3 =	sadd.s32 s3, s5;
	[dreg:$0x0] =	wrdreg $0x0  }
0xa8: {  	s5 =	sshll.u32 s28, $0x1;
	[dreg:$0x2] =	wrdreg s3  }
0xa9: {  	[dreg:$0x3] =	wrdreg s5  }
0xaa: {  	[dreg:$0x4] =	wrdreg $0xC0  }
0xab: {  	_ =	task [dreg:s7], $0x5FFFF  }
0xac: {  	[dreg:$0x1] =	wrdreg $0xFFFFFFFF  }
0xad: {  	[dreg:$0x0] =	wrdreg $0x60  }
0xae: {  	[dreg:$0x2] =	wrdreg s2  }
0xaf: {  	[dreg:$0x3] =	wrdreg s24  }
0xb0: {  	[dreg:$0x4] =	wrdreg $0xB7800  }
0xb1: {  	[dreg:$0x5] =	wrdreg $0x9  }
0xb2: {  	_ =	task.clear_ibuf [dreg:s7], $0x6FFFF;
	_ =	strace $0x9000004C  }
0xb3: {  	s29 =	simm.s32 $0x9;
	_ =	strace $0x8000004E  }
0xb4: {  	_ =	swait.ge [sflag:s29], $0x1  }
0xb5: {  	[sflag:s29] =	ssyncadd.s32 $0xFFFFFFFF  }
0xb6: {  	_ =	strace $0x9000004E  }
0xb7: {  	_ =	sfence  }
0xb8: {  	s30 =	sld [smem:$0x0];
	_ =	sdelay $0x2  }
0xb9: {  	s31 =	sshll.u32 s1, $0xD;
	s1 =	sshrl.u32 s1, $0x2  }
0xba: {  	s3 =	sand.u32 $0x4000, s31;
	s1 =	sadd.s32 s1, s30  }
0xbb: {  	s0 =	sor.u32 s3, s0;
	s1 =	sshll.u32 s1, $0x11  }
0xbc: {  	s0 =	sor.u32 s1, s0  }
0xbd: {  	s0 =	sadd.s32 $0x8F2B, s0  }
0xbe: {  	[sflag:s0] =	ssyncadd.remote.s32 $0x1  }
0xbf: {  	_ =	sfence.sel $0xFFFF  }
0xc0: {  	[dreg:$0x0] =	wrdreg $0xFFFFFFFF;
	(pc) =	sbr.abs _section_cstart, $3  }
0xc1: {  	[dreg:$0x1] =	wrdreg $0xFFFFFFFF  }
0xc2: {  	_ =	task.clear_ibuf [dreg:s7], $0x2FFFF;
	_ =	strace $0x9FFFFFFF  }
0xc3: {  	(tm) =	ssettm $0x7FFFFFFF  }
tec
execute0_lowered:
.L_overlay_start_1:
0x0: {  	(tag) =	ssettag $0x1  }
0x1: {  	s1 =	rddreg [dreg:$0x0]  }
0x2: {  	s5 =	rddreg [dreg:$0x1]  }
0x3: {  	s2 =	rddreg [dreg:$0x2]  }
0x4: {  	s6 =	srdreg.scid;
	s0 =	stileid.u32;
	s4 =	simm.s32 $0x0  }
0x5: {  	s20 =	stileid.u32;
	s21 =	simm.s32 $0x6780;
	s22 =	simm.s32 $0x1  }
0x6: {  	s23 =	simm.s32 $0x2;
	s24 =	simm.s32 $0x50;
	s25 =	simm.s32 $0x8F80  }
0x7: {  	s26 =	simm.s32 $0x6580;
	s28 =	simm.s32 $0x0;
	s9 =	smul.u32 $0x4E000, s0  }
0x8: {  	s11 =	sand.u32 $0x1, s6;
	s29 =	sshll.u32 s0, $0x1;
	s15 =	smul.u32 $0x2700, s0  }
0x9: {  	[smem:$0x7FF] =	sst s4;
	s17 =	sadd.s32 $0x1CA00, s5;
	s16 =	smul.u32 $0x27100, s11  }
0xa: {  	p0 =	sne.s32 s0, $0x0;
	s6 =	sor.u32 s11, s29;
	s19 =	smul.u32 $0x138800, s11  }
0xb: {  	_ =	strace $0x8000004D;
	s8 =	ssub.s32 $0x2, s11;
	s7 =	smul.u32 $0x4E2, s6  }
0xc: {  	s6 =	sshll.u32 s6, $0xB;
	s30 =	sshrl.u32 s8, $0x1;
	s31 =	sshrl.u32 s9, $0x2  }
0xd: {  	s10 =	sadd.s32 s6, s5;
	s18 =	ssub.s32 s8, s30;
	s6 =	sadd.s32 s31, s2  }
0xe: {  	s16 =	sadd.s32 s15, s16;
	s19 =	sshrl.u32 s19, $0x3;
	s15 =	sadd.s32 $0x138000, s2  }
0xf: {  	s7 =	sadd.s32 s7, s5;
	s8 =	sadd.s32 $0x2800, s6;
	s9 =	sadd.s32 $0x5000, s6  }
0x10: {  	s11 =	sadd.s32 $0xA000, s6;
	s12 =	sadd.s32 $0xC800, s6;
	s13 =	sadd.s32 $0xF000, s6  }
0x11: {  	s14 =	sadd.s32 $0x11800, s6;
	s16 =	sadd.s32 s17, s16;
	s17 =	sadd.s32 s17, s19  }
0x12: {  	s18 =	smax.u32 s18, $0x1;
	s19 =	simm.s32 $0x3;
	s5 =	sadd.s32 $0x2C00, s7  }
0x13: {  	v0 =	vimm.f32 $0.0e+00;
	s7 =	sadd.s32 $0xCA00, s10;
	s10 =	sadd.s32 $0x7800, s6;
	s17 =	sadd.s32 $0x27000, s17  }
.LBB2_1:
0x14: {  	[tilespmem:s4], [sflag:$0x3] =	stream.linear.gather [hbm4b:s5+s4], $0x2710, $0x38;
	[tilespmem:$0x1F000] =	vst v63  }
0x15: {  	_ =	swait.ge [sflag:s19], $0x2710  }
0x16: {  	[sflag:s19] =	ssyncset.done $0x0  }
0x17: {  	s0 =	simm.s32 $0x2780;
	[sflag:s19] =	ssyncadd.s32 $0xFFFFD8F0  }
0x18: {  	[tilespmem:s0], [sflag:$0x3] =	stream.linear.gather [hbm4b:s7+s4], $0x3E80, $0x38;
	[tilespmem:$0x1F000] =	vst v63  }
0x19: {  	_ =	swait.ge [sflag:s19], $0x3E80  }
0x1a: {  	[sflag:s19] =	ssyncset.done $0x0  }
0x1b: {  	s29 =	simm.s32 $0x70;
	s30 =	simm.s32 $0x3C0;
	[sflag:s19] =	ssyncadd.s32 $0xFFFFC180  }
.LBB2_2:
0x1c: {  	p1 =	sne.s32 s30, $0x9FC0;
	[tilespmem:s29+$0x6780] =	vst v0  }
0x1d: {  	[tilespmem:s29+$0x6710] =	vst v0  }
0x1e: {  	[tilespmem:s29+$0x6720] =	vst v0  }
.Ltmp0:
0x1f: {  	[tilespmem:s29+$0x6730] =	vst v0;
	(pc) =	sbr.rel @p1 .LBB2_2-.Ltmp0, $4  }
0x20: {  	[tilespmem:s29+$0x6740] =	vst v0  }
0x21: {  	[tilespmem:s29+$0x6750] =	vst v0  }
0x22: {  	[tilespmem:s29+$0x6760] =	vst v0  }
0x23: {  	[tilespmem:s29+$0x6770] =	vst v0;
	s29 =	sshra.s32 s30, $0x2;
	s30 =	sadd.s32 $0x200, s30  }
0x24: {  	[tilespmem:s29+$0x6780] =	vst v0  }
0x25: {  	[tilespmem:s29+$0x6710] =	vst v0  }
0x26: {  	[tilespmem:s29+$0x6720] =	vst v0  }
0x27: {  	[tilespmem:s29+$0x6730] =	vst v0  }
0x28: {  	[tilespmem:s29+$0x6740] =	vst v0  }
0x29: {  	[tilespmem:s29+$0x6750] =	vst v0  }
0x2a: {  	[tilespmem:s29+$0x6760] =	vst v0  }
0x2b: {  	[tilespmem:s29+$0x6770] =	vst v0  }
0x2c: {  	[spmem:s6] =	stream.linear.scatter [tilespmem:s21], [sflag:$0x1], $0x2800, $0x38;
	[tilespmem:$0x1F000] =	vst v63  }
0x2d: {  	_ = 	snop  }
0x2e: {  	[spmem:s8] =	stream.linear.scatter [tilespmem:s21], [sflag:$0x1], $0x2800, $0x38;
	[tilespmem:$0x1F000] =	vst v63  }
0x2f: {  	_ = 	snop  }
0x30: {  	[spmem:s9] =	stream.linear.scatter [tilespmem:s21], [sflag:$0x1], $0x2800, $0x38;
	[tilespmem:$0x1F000] =	vst v63  }
0x31: {  	_ = 	snop  }
0x32: {  	[spmem:s10] =	stream.linear.scatter [tilespmem:s21], [sflag:$0x1], $0x2800, $0x38;
	[tilespmem:$0x1F000] =	vst v63  }
0x33: {  	_ = 	snop  }
0x34: {  	[spmem:s11] =	stream.linear.scatter [tilespmem:s21], [sflag:$0x1], $0x2800, $0x38;
	[tilespmem:$0x1F000] =	vst v63  }
0x35: {  	_ = 	snop  }
0x36: {  	[spmem:s12] =	stream.linear.scatter [tilespmem:s21], [sflag:$0x1], $0x2800, $0x38;
	[tilespmem:$0x1F000] =	vst v63  }
0x37: {  	_ = 	snop  }
0x38: {  	[spmem:s13] =	stream.linear.scatter [tilespmem:s21], [sflag:$0x1], $0x2800, $0x38;
	[tilespmem:$0x1F000] =	vst v63  }
0x39: {  	_ = 	snop  }
0x3a: {  	[spmem:s14] =	stream.linear.scatter [tilespmem:s21], [sflag:$0x2], $0x2000, $0x38;
	[tilespmem:$0x1F000] =	vst v63  }
0x3b: {  	s29 =	simm.s32 @!p0 $0x6780  }
0x3c: {  	[spmem:s15] =	stream.linear.scatter @!p0 [tilespmem:s29], [sflag:$0x3], $0x800, $0x38;
	[tilespmem:$0x1F000] =	vst v63  }
0x3d: {  	s29 =	simm.s32 @!p0 $0x3  }
0x3e: {  	_ =	swait.ge @!p0 [sflag:s29], $0x800  }
0x3f: {  	[sflag:s29] =	ssyncset.done @!p0 $0x0  }
0x40: {  	[sflag:s29] =	ssyncadd.s32 @!p0 $0xFFFFF800  }
0x41: {  	_ =	swait.ge [sflag:s22], $0x2800  }
0x42: {  	[sflag:s22] =	ssyncset.done $0x0  }
0x43: {  	[sflag:s22] =	ssyncadd.s32 $0xFFFFD800  }
0x44: {  	_ =	swait.ge [sflag:s22], $0x2800  }
0x45: {  	[sflag:s22] =	ssyncset.done $0x0  }
0x46: {  	[sflag:s22] =	ssyncadd.s32 $0xFFFFD800  }
0x47: {  	_ =	swait.ge [sflag:s22], $0x2800  }
0x48: {  	[sflag:s22] =	ssyncset.done $0x0  }
0x49: {  	[sflag:s22] =	ssyncadd.s32 $0xFFFFD800  }
0x4a: {  	_ =	swait.ge [sflag:s22], $0x2800  }
0x4b: {  	[sflag:s22] =	ssyncset.done $0x0  }
0x4c: {  	[sflag:s22] =	ssyncadd.s32 $0xFFFFD800  }
0x4d: {  	_ =	swait.ge [sflag:s22], $0x2800  }
0x4e: {  	[sflag:s22] =	ssyncset.done $0x0  }
0x4f: {  	[sflag:s22] =	ssyncadd.s32 $0xFFFFD800  }
0x50: {  	_ =	swait.ge [sflag:s22], $0x2800  }
0x51: {  	[sflag:s22] =	ssyncset.done $0x0  }
0x52: {  	[sflag:s22] =	ssyncadd.s32 $0xFFFFD800  }
0x53: {  	_ =	swait.ge [sflag:s22], $0x2800  }
0x54: {  	[sflag:s22] =	ssyncset.done $0x0  }
0x55: {  	[sflag:s22] =	ssyncadd.s32 $0xFFFFD800  }
0x56: {  	_ =	swait.ge [sflag:s23], $0x2000  }
0x57: {  	[sflag:s23] =	ssyncset.done $0x0  }
0x58: {  	s29 =	simm.s32 $0x0;
	[sflag:s23] =	ssyncadd.s32 $0xFFFFE000  }
0x59: {  	[tilespmem:s21], [sflag:$0x1] =	stream.indirect.gather [hbm4b:s1+s24], $0x80, s29, s24, $0xb8;
	[tilespmem:$0x1F000] =	vst v63  }
0x5a: {  	s29 =	simm.s32 $0x50;
	[bflag:$0x0] =	sbarrier.arrive $0xFFFF  }
0x5b: {  	[tilespmem:s25], [sflag:$0x2] =	stream.indirect.gather [hbm4b:s1+s24], $0x80, s29, s24, $0xb8;
	[tilespmem:$0x1F000] =	vst v63  }
0x5c: {  	_ =	swait.ge [sflag:s22], $0x2800  }
0x5d: {  	[sflag:s22] =	ssyncset.done $0x0  }
0x5e: {  	s29 =	simm.s32 $0x2780;
	[sflag:s22] =	ssyncadd.s32 $0xFFFFD800  }
0x5f: {  	[spmem:s2] =	stream.indirect.scatter.add.f32 [tilespmem:s21], [sflag:$0x3], $0x80, s29, s24, $0xb8;
	[tilespmem:$0x1F000] =	vst v63  }
0x60: {  	_ =	swait.ge [sflag:s19], $0x2800  }
0x61: {  	[sflag:s19] =	ssyncset.done $0x0  }
0x62: {  	s29 =	simm.s32 $0xA0;
	[sflag:s19] =	ssyncadd.s32 $0xFFFFD800  }
0x63: {  	[tilespmem:s21], [sflag:$0x1] =	stream.indirect.gather [hbm4b:s1+s24], $0x80, s29, s24, $0xb8;
	[tilespmem:$0x1F000] =	vst v63  }
0x64: {  	_ =	swait.ge [sflag:s23], $0x2800  }
0x65: {  	[sflag:s23] =	ssyncset.done $0x0  }
0x66: {  	s29 =	simm.s32 $0x2800;
	[sflag:s23] =	ssyncadd.s32 $0xFFFFD800  }
0x67: {  	[spmem:s2] =	stream.indirect.scatter.add.f32 [tilespmem:s25], [sflag:$0x3], $0x80, s29, s24, $0xb8;
	[tilespmem:$0x1F000] =	vst v63  }
0x68: {  	s30 =	simm.s32 $0x400;
	_ =	swait.ge [sflag:s19], $0x2800  }
0x69: {  	s31 =	simm.s32 $0x800;
	s29 =	simm.s32 $0x140;
	[sflag:s19] =	ssyncset.done $0x0  }
.LBB2_4:
0x6a: {  	p1 =	sne.s32 s31, $0xF400;
	s0 =	sadd.s32 $0xFFFFFFB0, s29;
	[sflag:s19] =	ssyncadd.s32 $0xFFFFD800  }
0x6b: {  	[tilespmem:s25], [sflag:$0x2] =	stream.indirect.gather [hbm4b:s1+s24], $0x80, s0, s24, $0xb8;
	[tilespmem:$0x1F000] =	vst v63  }
0x6c: {  	s0 =	smov.u32 s31;
	s31 =	sadd.s32 $0x400, s31;
	_ =	swait.ge [sflag:s22], $0x2800  }
0x6d: {  	s3 =	sshra.s32 s30, $0x2;
	s30 =	smov.u32 s0;
	[sflag:s22] =	ssyncset.done $0x0  }
0x6e: {  	s0 =	sadd.s32 $0x2780, s3;
	[sflag:s22] =	ssyncadd.s32 $0xFFFFD800  }
0x6f: {  	[spmem:s2] =	stream.indirect.scatter.add.f32 [tilespmem:s21], [sflag:$0x3], $0x80, s0, s24, $0xb8;
	[tilespmem:$0x1F000] =	vst v63  }
0x70: {  	_ =	swait.ge [sflag:s19], $0x2800  }
0x71: {  	[sflag:s19] =	ssyncset.done $0x0  }
0x72: {  	[sflag:s19] =	ssyncadd.s32 $0xFFFFD800  }
0x73: {  	[tilespmem:s21], [sflag:$0x1] =	stream.indirect.gather [hbm4b:s1+s24], $0x80, s29, s24, $0xb8;
	[tilespmem:$0x1F000] =	vst v63  }
0x74: {  	_ =	swait.ge [sflag:s23], $0x2800  }
.Ltmp1:
0x75: {  	[sflag:s23] =	ssyncset.done $0x0;
	(pc) =	sbr.rel @p1 .LBB2_4-.Ltmp1, $4  }
0x76: {  	s0 =	sadd.s32 $0x2800, s3;
	[sflag:s23] =	ssyncadd.s32 $0xFFFFD800  }
0x77: {  	[spmem:s2] =	stream.indirect.scatter.add.f32 [tilespmem:s25], [sflag:$0x3], $0x80, s0, s24, $0xb8;
	[tilespmem:$0x1F000] =	vst v63  }
0x78: {  	_ =	swait.ge [sflag:s19], $0x2800  }
0x79: {  	s29 =	sadd.s32 $0xA0, s29;
	[sflag:s19] =	ssyncset.done $0x0  }
0x7a: {  	s0 =	sadd.s32 $0xFFFFFFB0, s29;
	[sflag:s19] =	ssyncadd.s32 $0xFFFFD800  }
0x7b: {  	[tilespmem:s25], [sflag:$0x2] =	stream.indirect.gather [hbm4b:s1+s24], $0x80, s0, s24, $0xb8;
	[tilespmem:$0x1F000] =	vst v63  }
0x7c: {  	_ =	swait.ge [sflag:s22], $0x2800  }
0x7d: {  	s31 =	sshra.s32 s30, $0x2;
	[sflag:s22] =	ssyncset.done $0x0  }
0x7e: {  	s3 =	sadd.s32 $0x2780, s31;
	[sflag:s22] =	ssyncadd.s32 $0xFFFFD800  }
0x7f: {  	[spmem:s2] =	stream.indirect.scatter.add.f32 [tilespmem:s21], [sflag:$0x3], $0x80, s3, s24, $0xb8;
	[tilespmem:$0x1F000] =	vst v63  }
0x80: {  	_ =	swait.ge [sflag:s19], $0x2800  }
0x81: {  	[sflag:s19] =	ssyncset.done $0x0  }
0x82: {  	[sflag:s19] =	ssyncadd.s32 $0xFFFFD800  }
0x83: {  	[tilespmem:s21], [sflag:$0x1] =	stream.indirect.gather [hbm4b:s1+s24], $0x80, s29, s24, $0xb8;
	[tilespmem:$0x1F000] =	vst v63  }
0x84: {  	_ =	swait.ge [sflag:s23], $0x2800  }
0x85: {  	[sflag:s23] =	ssyncset.done $0x0  }
0x86: {  	s0 =	sadd.s32 $0x2800, s31;
	[sflag:s23] =	ssyncadd.s32 $0xFFFFD800  }
0x87: {  	[spmem:s2] =	stream.indirect.scatter.add.f32 [tilespmem:s25], [sflag:$0x3], $0x80, s0, s24, $0xb8;
	[tilespmem:$0x1F000] =	vst v63  }
0x88: {  	_ =	swait.ge [sflag:s19], $0x2800  }
0x89: {  	[sflag:s19] =	ssyncset.done $0x0  }
0x8a: {  	[sflag:s19] =	ssyncadd.s32 $0xFFFFD800  }
0x8b: {  	_ =	swait.ge [sflag:s22], $0x2800  }
0x8c: {  	[sflag:s22] =	ssyncset.done $0x0  }
0x8d: {  	[sflag:s22] =	ssyncadd.s32 $0xFFFFD800  }
0x8e: {  	[spmem:s2] =	stream.indirect.scatter.add.f32 [tilespmem:s21], [sflag:$0x3], $0x80, s26, s24, $0xb8;
	[tilespmem:$0x1F000] =	vst v63  }
0x8f: {  	_ =	swait.ge [sflag:s19], $0x2800  }
0x90: {  	[sflag:s19] =	ssyncset.done $0x0  }
0x91: {  	s30 =	sshll.u32 s20, $0x6;
	[sflag:s19] =	ssyncadd.s32 $0xFFFFD800  }
0x92: {  	s31 =	sshrl.u32 s6, $0x3;
	s0 =	sor.u32 $0x1C03, s30;
	[bflag:$0x0] =	sbarrier.arrive $0xFFFF  }
0x93: {  	[hbm:s16], [sflag:s0] =	dma.local [spmem:s31], $0x2700  }
0x94: {  	_ =	swait.ge [sflag:s19], $0x2700  }
0x95: {  	s28 =	sadd.s32 $0x1, s28;
	[sflag:s19] =	ssyncset.done $0x0  }
0x96: {  	p1 =	sne.s32 s28, s18;
	s3 =	sshrl.u32 @!p0 s15, $0x3;
	[sflag:s19] =	ssyncadd.s32 $0xFFFFD900  }
0x97: {  	[hbm:s17], [sflag:s0] =	dma.local @!p0 [spmem:s3], $0x100  }
.Ltmp2:
0x98: {  	_ = 	snop;
	(pc) =	sbr.rel @p1 .LBB2_1-.Ltmp2, $4  }
0x99: {  	s0 =	simm.s32 @!p0 $0x3  }
0x9a: {  	_ =	swait.ge @!p0 [sflag:s0], $0x100  }
0x9b: {  	[sflag:s0] =	ssyncset.done @!p0 $0x0  }
0x9c: {  	[sflag:s0] =	ssyncadd.s32 @!p0 $0xFFFFFF00  }
0x9d: {  	_ =	sfence.sel $0x180000  }
0x9e: {  	[bflag:$0x0] =	sbarrier.arrive $0xFFFF  }
0x9f: {  	_ =	strace $0x9000004D  }
0xa0: {  	[bflag:$0x2] =	sbarrier.arrive $0xFFFF  }
0xa1: {  	s0 =	rddreg [dreg:$0x3]  }
0xa2: {  	s0 =	sadd.s32 @!p0 $0x100000, s0  }
0xa3: {  	[sflag:s0] =	ssyncadd.tile.s32 @!p0 $0x1;
	_ =	shalt  }
.Lfunc_end2:
_tile_overlayer_lowered:
.L_overlay_start_2:
0xa4: {  	(tag) =	ssettag $0x2  }
0xa5: {  	s0 =	rddreg [dreg:$0x0];
	s2 =	stileid.u32  }
0xa6: {  	s1 =	rddreg [dreg:$0x1];
	p0 =	sne.s32 s2, $0x0  }
0xa7: {  	s3 =	rddreg [dreg:$0x2];
	[bflag:$0x3] =	sbarrier.arrive $0xFFFF;
	s2 =	simm.s32 @!p0 $0x1C03  }
0xa8: {  	[timem:s3], [sflag:s2] =	dma.local @!p0 [hbm:s0], s1  }
0xa9: {  	s0 =	simm.s32 @!p0 $0x3  }
0xaa: {  	_ =	swait.ge @!p0 [sflag:s0], s1  }
0xab: {  	s1 =	ssub.s32 @!p0 $0x0, s1;
	[sflag:s0] =	ssyncset.done @!p0 $0x0  }
0xac: {  	[sflag:s0] =	ssyncadd.s32 @!p0 s1  }
0xad: {  	[bflag:$0x3] =	sbarrier.arrive $0xFFFF  }
0xae: {  	_ =	shalt  }

// kernel: kernel.19.cloned.1.call-start
scs
__scs_entry_jumppad:
0x0: {  	(pc) =	sbr.rel $0x88, $3  }
0x1: {  	(tag) =	ssettag $0x0;
	lr =	simm.s32 $0x1  }
0x2: {  	[smem:$0x3F99] =	sst lr;
	_ =	strace $0xD0000000  }
0x3: {  	_ = 	snop  }
0x4: {  	_ = 	snop  }
0x5: {  	_ = 	snop  }
0x6: {  	_ = 	snop  }
0x7: {  	_ = 	snop  }
__scs_overlays_trampoline_lowered:
0x8: {  	[smem:$0x3FA8] =	sst s0  }
0x9: {  	[smem:$0x3FA9] =	sst s1  }
0xa: {  	[smem:$0x3FAA] =	sst s2  }
0xb: {  	[smem:$0x3FAB] =	sst s3  }
0xc: {  	[smem:$0x3FAC] =	sst s4  }
0xd: {  	[smem:$0x3FAD] =	sst s5  }
0xe: {  	[smem:$0x3FAE] =	sst s6  }
0xf: {  	[smem:$0x3FAF] =	sst s7  }
0x10: {  	[smem:$0x3FB0] =	sst s8  }
0x11: {  	[smem:$0x3FB1] =	sst s9;
	s0 =	simm.s32 @!p0 $0x0  }
0x12: {  	s1 =	sld [smem:$0x3F97];
	s0 =	simm.s32 @p0 $0x1  }
0x13: {  	[smem:$0x3FB2] =	sst s0;
	s0 =	simm.s32 @!p1 $0x0  }
0x14: {  	s2 =	sld [smem:$0x3F96];
	s0 =	simm.s32 @p1 $0x1  }
0x15: {  	[smem:$0x3FB3] =	sst s0;
	s0 =	simm.s32 @!p2 $0x0  }
0x16: {  	s3 =	sld [smem:$0x3FDB];
	s0 =	simm.s32 @p2 $0x1  }
0x17: {  	s4 =	simm.s32 $0x1BF5;
	[smem:$0x3FB5] =	sst s0  }
0x18: {  	s0 =	sld [smem:$0x3F98];
	_ =	swait.ge [sflag:s4], $0x0  }
0x19: {  	s7 =	sld [smem:$0x3F99]  }
0x1a: {  	s8 =	sadd.s32 $0xFFFFE003, lr  }
0x1b: {  	s9 =	sadd.s32 $0xFFFFFEF7, lr;
	s5 =	simm.s32 $0xFFFFFFFF;
	p2 =	slt.u32 s8, $0xFFFFF086  }
0x1c: {  	p1 =	slt.u32 s9, $0xF7A;
	s5 =	simm.s32 @!p2 $0x0  }
0x1d: {  	s5 =	simm.s32 @p1 $0x1;
	p0 =	seq.s32 s7, s2  }
0x1e: {  	s7 =	smul.u32 @!p0 $0xF7A, s2;
	p2 =	seq.s32 @!p0 s5, $0x0  }
0x1f: {  	s9 =	smul.u32 $0xF7A, s1;
	s8 =	simm.s32 @!p0 $0x1BF5;
	p2 =	por !p2, p0  }
0x20: {  	[sflag:s8] =	ssyncset.s32 @!p0 $0xFFFFF086;
	s6 =	sadd.s32 @!p0 s3, s7;
	s7 =	simm.s32 @!p0 $0x108  }
0x21: {  	s3 =	sadd.s32 s3, s9;
	s6 =	sadd.s32 @!p0 $0x88, s6;
	s7 =	simm.s32 @p2 $0x1082  }
0x22: {  	[simem:s7], [sflag:s8] =	dma.local @!p0 [hbm:s6], $0xF7A  }
0x23: {  	s9 =	sor.u32 $0xD0000000, s2;
	s6 =	simm.s32 $0x108;
	_ =	swait.ge @!p0 [sflag:s8], $0x0  }
0x24: {  	s3 =	sadd.s32 $0x88, s3;
	s6 =	simm.s32 @!p1 $0x1082;
	[sflag:s4] =	ssyncset.s32 $0xFFFFF086  }
0x25: {  	[simem:s6], [sflag:s4] =	dma.local [hbm:s3], $0xF7A  }
0x26: {  	[smem:$0x3F99] =	sst s1;
	(tag) =	ssettag s2;
	_ =	strace s9  }
0x27: {  	s1 =	sld [smem:$0x3FA9]  }
0x28: {  	s2 =	sld [smem:$0x3FAA]  }
0x29: {  	s4 =	sld [smem:$0x3FAC]  }
0x2a: {  	p0 =	seq.s32 s5, $0x0;
	s5 =	sld [smem:$0x3FAD]  }
0x2b: {  	s6 =	sld [smem:$0x3FAE]  }
0x2c: {  	s7 =	sld [smem:$0x3FAF]  }
0x2d: {  	s3 =	simm.s32 $0x108;
	s8 =	sld [smem:$0x3FB0]  }
0x2e: {  	s3 =	simm.s32 @!p0 $0x1082;
	s9 =	sld [smem:$0x3FB1]  }
0x2f: {  	lr =	sadd.s32 s0, s3;
	s0 =	sld [smem:$0x3FA8]  }
0x30: {  	s3 =	sld [smem:$0x3FAB]  }
0x31: {  	[smem:$0x3FB4] =	sst s10  }
0x32: {  	s10 =	sld [smem:$0x3FB2];
	_ =	sdelay $0x3  }
0x33: {  	p0 =	seq.s32 s10, $0x1;
	s10 =	sld [smem:$0x3FB4];
	_ =	sdelay $0x3  }
0x34: {  	[smem:$0x3FB4] =	sst s10  }
0x35: {  	s10 =	sld [smem:$0x3FB3];
	_ =	sdelay $0x3  }
0x36: {  	p1 =	seq.s32 s10, $0x1;
	s10 =	sld [smem:$0x3FB4];
	_ =	sdelay $0x3  }
0x37: {  	[smem:$0x3FB4] =	sst s10  }
0x38: {  	s10 =	sld [smem:$0x3FB5]  }
0x39: {  	_ = 	snop;
	(pc) =	sbr.ind lr, $3  }
0x3a: {  	_ = 	snop  }
0x3b: {  	_ = 	snop  }
0x3c: {  	p2 =	seq.s32 s10, $0x1;
	s10 =	sld [smem:$0x3FB4]  }
0x3d: {  	_ =	shalt  }
0x3e: {  	_ =	shalt  }
0x3f: {  	_ =	shalt  }
0x40: {  	_ =	shalt  }
0x41: {  	_ =	shalt  }
0x42: {  	_ =	shalt  }
0x43: {  	_ =	shalt  }
0x44: {  	_ =	shalt  }
0x45: {  	_ =	shalt  }
0x46: {  	_ =	shalt  }
0x47: {  	_ =	shalt  }
0x48: {  	_ =	shalt  }
0x49: {  	_ =	shalt  }
0x4a: {  	_ =	shalt  }
0x4b: {  	_ =	shalt  }
0x4c: {  	_ =	shalt  }
0x4d: {  	_ =	shalt  }
0x4e: {  	_ =	shalt  }
0x4f: {  	_ =	shalt  }
0x50: {  	_ =	shalt  }
0x51: {  	_ =	shalt  }
0x52: {  	_ =	shalt  }
0x53: {  	_ =	shalt  }
0x54: {  	_ =	shalt  }
0x55: {  	_ =	shalt  }
0x56: {  	_ =	shalt  }
0x57: {  	_ =	shalt  }
0x58: {  	_ =	shalt  }
0x59: {  	_ =	shalt  }
0x5a: {  	_ =	shalt  }
0x5b: {  	_ =	shalt  }
0x5c: {  	_ =	shalt  }
0x5d: {  	_ =	shalt  }
0x5e: {  	_ =	shalt  }
0x5f: {  	_ =	shalt  }
0x60: {  	_ =	shalt  }
0x61: {  	_ =	shalt  }
0x62: {  	_ =	shalt  }
0x63: {  	_ =	shalt  }
0x64: {  	_ =	shalt  }
0x65: {  	_ =	shalt  }
0x66: {  	_ =	shalt  }
0x67: {  	_ =	shalt  }
0x68: {  	_ =	shalt  }
0x69: {  	_ =	shalt  }
0x6a: {  	_ =	shalt  }
0x6b: {  	_ =	shalt  }
0x6c: {  	_ =	shalt  }
0x6d: {  	_ =	shalt  }
0x6e: {  	_ =	shalt  }
0x6f: {  	_ =	shalt  }
0x70: {  	_ =	shalt  }
0x71: {  	_ =	shalt  }
0x72: {  	_ =	shalt  }
0x73: {  	_ =	shalt  }
0x74: {  	_ =	shalt  }
0x75: {  	_ =	shalt  }
0x76: {  	_ =	shalt  }
0x77: {  	_ =	shalt  }
0x78: {  	_ =	shalt  }
0x79: {  	_ =	shalt  }
0x7a: {  	_ =	shalt  }
0x7b: {  	_ =	shalt  }
0x7c: {  	_ =	shalt  }
0x7d: {  	_ =	shalt  }
0x7e: {  	_ =	shalt  }
0x7f: {  	_ =	shalt  }
0x80: {  	_ =	shalt  }
0x81: {  	_ =	shalt  }
0x82: {  	_ =	shalt  }
0x83: {  	_ =	shalt  }
0x84: {  	_ =	shalt  }
0x85: {  	_ =	shalt  }
0x86: {  	_ =	shalt  }
0x87: {  	_ =	shalt  }
.Lfunc_end0:
.L_simem_size_0:
called_computation.3_lowered:
.L_overlay_start_0:
0x88: {  	s2 =	sld [smem:$0x3FD9]  }
0x89: {  	s3 =	sld [smem:$0x3FFE];
	_ =	sdelay $0x1  }
0x8a: {  	s1 =	srdreg.scid  }
0x8b: {  	s0 =	sand.u32 $0x1, s1  }
0x8c: {  	s17 =	sshll.u32 s0, $0xA;
	s2 =	sadd.s32 s3, s2  }
0x8d: {  	s2 =	sadd.s32 s2, s17  }
0x8e: {  	[smem:$0x3FC0] =	sst s2  }
0x8f: {  	_ = 	snop  }
0x90: {  	s2 =	sld [smem:$0x3FD0];
	(tm) =	ssettm $0x1  }
0x91: {  	s18 =	sld [smem:$0x3FFB];
	_ =	sdelay $0x3  }
0x92: {  	_ =	strace s18  }
0x93: {  	s3 =	sld [smem:$0x3FFC];
	_ =	sdelay $0x3  }
0x94: {  	_ =	strace s3  }
0x95: {  	s3 =	sld [smem:$0x3FFD];
	_ =	sdelay $0x3  }
0x96: {  	_ =	strace s3  }
0x97: {  	_ =	strace $0x8FFFFFFF  }
0x98: {  	s19 =	sld [smem:$0x3FDB];
	_ =	sdelay $0x1  }
0x99: {  	s4 =	simm.s32 $_scs_section_size  }
0x9a: {  	s5 =	simm.s32 $_size__tile_overlayer_lowered;
	s6 =	simm.s32 $_tile_overlayer_lowered  }
0x9b: {  	s22 =	simm.s32 $0x1BFF;
	s21 =	sshll.u32 s6, $0x1;
	s3 =	sadd.s32 s4, s19  }
0x9c: {  	s7 =	simm.s32 $0x0;
	s20 =	sshll.u32 s5, $0x1;
	s5 =	sadd.s32 s21, s3  }
0x9d: {  	[timem:s7], [sflag:s22] =	dma.local [hbm:s5], s20  }
0x9e: {  	_ =	swait.ge [sflag:s22], s20  }
0x9f: {  	s4 =	ssub.s32 $0x0, s20;
	[sflag:s22] =	ssyncset.done $0x0  }
0xa0: {  	[sflag:s22] =	ssyncadd.s32 s4;
	_ =	sdelay $0x1  }
0xa1: {  	s23 =	simm.s32 $0x1B8B  }
0xa2: {  	_ =	swait.ge [sflag:s23], $0x1  }
0xa3: {  	[sflag:s23] =	ssyncset.done $0x0  }
0xa4: {  	s25 =	simm.s32 $0x1B8E;
	s24 =	sld [smem:$0x3FFE];
	[sflag:s23] =	ssyncadd.s32 $0xFFFFFFFF  }
0xa5: {  	s26 =	simm.s32 $execute0_lowered;
	[smem:$0x3FD2] =	sst s25  }
0xa6: {  	s5 =	sshll.u32 s26, $0x1;
	_ =	strace $0x8000004F;
	[dreg:$0x1] =	wrdreg $0xFFFFFFFF  }
0xa7: {  	s28 =	simm.s32 $_size_execute0_lowered;
	s3 =	sadd.s32 s3, s5;
	[dreg:$0x0] =	wrdreg $0x0  }
0xa8: {  	s5 =	sshll.u32 s28, $0x1;
	[dreg:$0x2] =	wrdreg s3  }
0xa9: {  	[dreg:$0x3] =	wrdreg s5  }
0xaa: {  	[dreg:$0x4] =	wrdreg $0xC0  }
0xab: {  	_ =	task [dreg:s7], $0x5FFFF  }
0xac: {  	[dreg:$0x1] =	wrdreg $0xFFFFFFFF  }
0xad: {  	[dreg:$0x0] =	wrdreg $0x60  }
0xae: {  	[dreg:$0x2] =	wrdreg s2  }
0xaf: {  	[dreg:$0x3] =	wrdreg s24  }
0xb0: {  	[dreg:$0x4] =	wrdreg $0xB7800  }
0xb1: {  	[dreg:$0x5] =	wrdreg $0x9  }
0xb2: {  	_ =	task.clear_ibuf [dreg:s7], $0x6FFFF;
	_ =	strace $0x9000004F  }
0xb3: {  	s29 =	simm.s32 $0x9;
	_ =	strace $0x80000051  }
0xb4: {  	_ =	swait.ge [sflag:s29], $0x1  }
0xb5: {  	[sflag:s29] =	ssyncadd.s32 $0xFFFFFFFF  }
0xb6: {  	_ =	strace $0x90000051  }
0xb7: {  	_ =	sfence  }
0xb8: {  	s30 =	sld [smem:$0x0];
	_ =	sdelay $0x2  }
0xb9: {  	s31 =	sshll.u32 s1, $0xD;
	s1 =	sshrl.u32 s1, $0x2  }
0xba: {  	s3 =	sand.u32 $0x4000, s31;
	s1 =	sadd.s32 s1, s30  }
0xbb: {  	s0 =	sor.u32 s3, s0;
	s1 =	sshll.u32 s1, $0x11  }
0xbc: {  	s0 =	sor.u32 s1, s0  }
0xbd: {  	s0 =	sadd.s32 $0x8F2B, s0  }
0xbe: {  	[sflag:s0] =	ssyncadd.remote.s32 $0x1  }
0xbf: {  	_ =	sfence.sel $0xFFFF  }
0xc0: {  	[dreg:$0x0] =	wrdreg $0xFFFFFFFF;
	(pc) =	sbr.abs _section_cstart, $3  }
0xc1: {  	[dreg:$0x1] =	wrdreg $0xFFFFFFFF  }
0xc2: {  	_ =	task.clear_ibuf [dreg:s7], $0x2FFFF;
	_ =	strace $0x9FFFFFFF  }
0xc3: {  	(tm) =	ssettm $0x7FFFFFFF  }
tec
execute0_lowered:
.L_overlay_start_1:
0x0: {  	(tag) =	ssettag $0x1  }
0x1: {  	s1 =	rddreg [dreg:$0x0]  }
0x2: {  	s5 =	rddreg [dreg:$0x1]  }
0x3: {  	s2 =	rddreg [dreg:$0x2]  }
0x4: {  	s6 =	srdreg.scid;
	s0 =	stileid.u32;
	s4 =	simm.s32 $0x0  }
0x5: {  	s20 =	stileid.u32;
	s21 =	simm.s32 $0x6780;
	s22 =	simm.s32 $0x1  }
0x6: {  	s23 =	simm.s32 $0x2;
	s24 =	simm.s32 $0x50;
	s25 =	simm.s32 $0x8F80  }
0x7: {  	s26 =	simm.s32 $0x6580;
	s28 =	simm.s32 $0x0;
	s9 =	smul.u32 $0x4E000, s0  }
0x8: {  	s11 =	sand.u32 $0x1, s6;
	s29 =	sshll.u32 s0, $0x1;
	s15 =	smul.u32 $0x2700, s0  }
0x9: {  	[smem:$0x7FF] =	sst s4;
	s17 =	sadd.s32 $0x1CA00, s5;
	s16 =	smul.u32 $0x27100, s11  }
0xa: {  	p0 =	sne.s32 s0, $0x0;
	s6 =	sor.u32 s11, s29;
	s19 =	smul.u32 $0x138800, s11  }
0xb: {  	_ =	strace $0x80000050;
	s8 =	ssub.s32 $0x2, s11;
	s7 =	smul.u32 $0x4E2, s6  }
0xc: {  	s6 =	sshll.u32 s6, $0xB;
	s30 =	sshrl.u32 s8, $0x1;
	s31 =	sshrl.u32 s9, $0x2  }
0xd: {  	s10 =	sadd.s32 s6, s5;
	s18 =	ssub.s32 s8, s30;
	s6 =	sadd.s32 s31, s2  }
0xe: {  	s16 =	sadd.s32 s15, s16;
	s19 =	sshrl.u32 s19, $0x3;
	s15 =	sadd.s32 $0x138000, s2  }
0xf: {  	s7 =	sadd.s32 s7, s5;
	s8 =	sadd.s32 $0x2800, s6;
	s9 =	sadd.s32 $0x5000, s6  }
0x10: {  	s11 =	sadd.s32 $0xA000, s6;
	s12 =	sadd.s32 $0xC800, s6;
	s13 =	sadd.s32 $0xF000, s6  }
0x11: {  	s14 =	sadd.s32 $0x11800, s6;
	s16 =	sadd.s32 s17, s16;
	s17 =	sadd.s32 s17, s19  }
0x12: {  	s18 =	smax.u32 s18, $0x1;
	s19 =	simm.s32 $0x3;
	s5 =	sadd.s32 $0x2C00, s7  }
0x13: {  	v0 =	vimm.f32 $0.0e+00;
	s7 =	sadd.s32 $0xCA00, s10;
	s10 =	sadd.s32 $0x7800, s6;
	s17 =	sadd.s32 $0x27000, s17  }
.LBB2_1:
0x14: {  	[tilespmem:s4], [sflag:$0x3] =	stream.linear.gather [hbm4b:s5+s4], $0x2710, $0x38;
	[tilespmem:$0x1F000] =	vst v63  }
0x15: {  	_ =	swait.ge [sflag:s19], $0x2710  }
0x16: {  	[sflag:s19] =	ssyncset.done $0x0  }
0x17: {  	s0 =	simm.s32 $0x2780;
	[sflag:s19] =	ssyncadd.s32 $0xFFFFD8F0  }
0x18: {  	[tilespmem:s0], [sflag:$0x3] =	stream.linear.gather [hbm4b:s7+s4], $0x3E80, $0x38;
	[tilespmem:$0x1F000] =	vst v63  }
0x19: {  	_ =	swait.ge [sflag:s19], $0x3E80  }
0x1a: {  	[sflag:s19] =	ssyncset.done $0x0  }
0x1b: {  	s29 =	simm.s32 $0x70;
	s30 =	simm.s32 $0x3C0;
	[sflag:s19] =	ssyncadd.s32 $0xFFFFC180  }
.LBB2_2:
0x1c: {  	p1 =	sne.s32 s30, $0x9FC0;
	[tilespmem:s29+$0x6780] =	vst v0  }
0x1d: {  	[tilespmem:s29+$0x6710] =	vst v0  }
0x1e: {  	[tilespmem:s29+$0x6720] =	vst v0  }
.Ltmp0:
0x1f: {  	[tilespmem:s29+$0x6730] =	vst v0;
	(pc) =	sbr.rel @p1 .LBB2_2-.Ltmp0, $4  }
0x20: {  	[tilespmem:s29+$0x6740] =	vst v0  }
0x21: {  	[tilespmem:s29+$0x6750] =	vst v0  }
0x22: {  	[tilespmem:s29+$0x6760] =	vst v0  }
0x23: {  	[tilespmem:s29+$0x6770] =	vst v0;
	s29 =	sshra.s32 s30, $0x2;
	s30 =	sadd.s32 $0x200, s30  }
0x24: {  	[tilespmem:s29+$0x6780] =	vst v0  }
0x25: {  	[tilespmem:s29+$0x6710] =	vst v0  }
0x26: {  	[tilespmem:s29+$0x6720] =	vst v0  }
0x27: {  	[tilespmem:s29+$0x6730] =	vst v0  }
0x28: {  	[tilespmem:s29+$0x6740] =	vst v0  }
0x29: {  	[tilespmem:s29+$0x6750] =	vst v0  }
0x2a: {  	[tilespmem:s29+$0x6760] =	vst v0  }
0x2b: {  	[tilespmem:s29+$0x6770] =	vst v0  }
0x2c: {  	[spmem:s6] =	stream.linear.scatter [tilespmem:s21], [sflag:$0x1], $0x2800, $0x38;
	[tilespmem:$0x1F000] =	vst v63  }
0x2d: {  	_ = 	snop  }
0x2e: {  	[spmem:s8] =	stream.linear.scatter [tilespmem:s21], [sflag:$0x1], $0x2800, $0x38;
	[tilespmem:$0x1F000] =	vst v63  }
0x2f: {  	_ = 	snop  }
0x30: {  	[spmem:s9] =	stream.linear.scatter [tilespmem:s21], [sflag:$0x1], $0x2800, $0x38;
	[tilespmem:$0x1F000] =	vst v63  }
0x31: {  	_ = 	snop  }
0x32: {  	[spmem:s10] =	stream.linear.scatter [tilespmem:s21], [sflag:$0x1], $0x2800, $0x38;
	[tilespmem:$0x1F000] =	vst v63  }
0x33: {  	_ = 	snop  }
0x34: {  	[spmem:s11] =	stream.linear.scatter [tilespmem:s21], [sflag:$0x1], $0x2800, $0x38;
	[tilespmem:$0x1F000] =	vst v63  }
0x35: {  	_ = 	snop  }
0x36: {  	[spmem:s12] =	stream.linear.scatter [tilespmem:s21], [sflag:$0x1], $0x2800, $0x38;
	[tilespmem:$0x1F000] =	vst v63  }
0x37: {  	_ = 	snop  }
0x38: {  	[spmem:s13] =	stream.linear.scatter [tilespmem:s21], [sflag:$0x1], $0x2800, $0x38;
	[tilespmem:$0x1F000] =	vst v63  }
0x39: {  	_ = 	snop  }
0x3a: {  	[spmem:s14] =	stream.linear.scatter [tilespmem:s21], [sflag:$0x2], $0x2000, $0x38;
	[tilespmem:$0x1F000] =	vst v63  }
0x3b: {  	s29 =	simm.s32 @!p0 $0x6780  }
0x3c: {  	[spmem:s15] =	stream.linear.scatter @!p0 [tilespmem:s29], [sflag:$0x3], $0x800, $0x38;
	[tilespmem:$0x1F000] =	vst v63  }
0x3d: {  	s29 =	simm.s32 @!p0 $0x3  }
0x3e: {  	_ =	swait.ge @!p0 [sflag:s29], $0x800  }
0x3f: {  	[sflag:s29] =	ssyncset.done @!p0 $0x0  }
0x40: {  	[sflag:s29] =	ssyncadd.s32 @!p0 $0xFFFFF800  }
0x41: {  	_ =	swait.ge [sflag:s22], $0x2800  }
0x42: {  	[sflag:s22] =	ssyncset.done $0x0  }
0x43: {  	[sflag:s22] =	ssyncadd.s32 $0xFFFFD800  }
0x44: {  	_ =	swait.ge [sflag:s22], $0x2800  }
0x45: {  	[sflag:s22] =	ssyncset.done $0x0  }
0x46: {  	[sflag:s22] =	ssyncadd.s32 $0xFFFFD800  }
0x47: {  	_ =	swait.ge [sflag:s22], $0x2800  }
0x48: {  	[sflag:s22] =	ssyncset.done $0x0  }
0x49: {  	[sflag:s22] =	ssyncadd.s32 $0xFFFFD800  }
0x4a: {  	_ =	swait.ge [sflag:s22], $0x2800  }
0x4b: {  	[sflag:s22] =	ssyncset.done $0x0  }
0x4c: {  	[sflag:s22] =	ssyncadd.s32 $0xFFFFD800  }
0x4d: {  	_ =	swait.ge [sflag:s22], $0x2800  }
0x4e: {  	[sflag:s22] =	ssyncset.done $0x0  }
0x4f: {  	[sflag:s22] =	ssyncadd.s32 $0xFFFFD800  }
0x50: {  	_ =	swait.ge [sflag:s22], $0x2800  }
0x51: {  	[sflag:s22] =	ssyncset.done $0x0  }
0x52: {  	[sflag:s22] =	ssyncadd.s32 $0xFFFFD800  }
0x53: {  	_ =	swait.ge [sflag:s22], $0x2800  }
0x54: {  	[sflag:s22] =	ssyncset.done $0x0  }
0x55: {  	[sflag:s22] =	ssyncadd.s32 $0xFFFFD800  }
0x56: {  	_ =	swait.ge [sflag:s23], $0x2000  }
0x57: {  	[sflag:s23] =	ssyncset.done $0x0  }
0x58: {  	s29 =	simm.s32 $0x0;
	[sflag:s23] =	ssyncadd.s32 $0xFFFFE000  }
0x59: {  	[tilespmem:s21], [sflag:$0x1] =	stream.indirect.gather [hbm4b:s1+s24], $0x80, s29, s24, $0xb8;
	[tilespmem:$0x1F000] =	vst v63  }
0x5a: {  	s29 =	simm.s32 $0x50;
	[bflag:$0x0] =	sbarrier.arrive $0xFFFF  }
0x5b: {  	[tilespmem:s25], [sflag:$0x2] =	stream.indirect.gather [hbm4b:s1+s24], $0x80, s29, s24, $0xb8;
	[tilespmem:$0x1F000] =	vst v63  }
0x5c: {  	_ =	swait.ge [sflag:s22], $0x2800  }
0x5d: {  	[sflag:s22] =	ssyncset.done $0x0  }
0x5e: {  	s29 =	simm.s32 $0x2780;
	[sflag:s22] =	ssyncadd.s32 $0xFFFFD800  }
0x5f: {  	[spmem:s2] =	stream.indirect.scatter.add.f32 [tilespmem:s21], [sflag:$0x3], $0x80, s29, s24, $0xb8;
	[tilespmem:$0x1F000] =	vst v63  }
0x60: {  	_ =	swait.ge [sflag:s19], $0x2800  }
0x61: {  	[sflag:s19] =	ssyncset.done $0x0  }
0x62: {  	s29 =	simm.s32 $0xA0;
	[sflag:s19] =	ssyncadd.s32 $0xFFFFD800  }
0x63: {  	[tilespmem:s21], [sflag:$0x1] =	stream.indirect.gather [hbm4b:s1+s24], $0x80, s29, s24, $0xb8;
	[tilespmem:$0x1F000] =	vst v63  }
0x64: {  	_ =	swait.ge [sflag:s23], $0x2800  }
0x65: {  	[sflag:s23] =	ssyncset.done $0x0  }
0x66: {  	s29 =	simm.s32 $0x2800;
	[sflag:s23] =	ssyncadd.s32 $0xFFFFD800  }
0x67: {  	[spmem:s2] =	stream.indirect.scatter.add.f32 [tilespmem:s25], [sflag:$0x3], $0x80, s29, s24, $0xb8;
	[tilespmem:$0x1F000] =	vst v63  }
0x68: {  	s30 =	simm.s32 $0x400;
	_ =	swait.ge [sflag:s19], $0x2800  }
0x69: {  	s31 =	simm.s32 $0x800;
	s29 =	simm.s32 $0x140;
	[sflag:s19] =	ssyncset.done $0x0  }
.LBB2_4:
0x6a: {  	p1 =	sne.s32 s31, $0xF400;
	s0 =	sadd.s32 $0xFFFFFFB0, s29;
	[sflag:s19] =	ssyncadd.s32 $0xFFFFD800  }
0x6b: {  	[tilespmem:s25], [sflag:$0x2] =	stream.indirect.gather [hbm4b:s1+s24], $0x80, s0, s24, $0xb8;
	[tilespmem:$0x1F000] =	vst v63  }
0x6c: {  	s0 =	smov.u32 s31;
	s31 =	sadd.s32 $0x400, s31;
	_ =	swait.ge [sflag:s22], $0x2800  }
0x6d: {  	s3 =	sshra.s32 s30, $0x2;
	s30 =	smov.u32 s0;
	[sflag:s22] =	ssyncset.done $0x0  }
0x6e: {  	s0 =	sadd.s32 $0x2780, s3;
	[sflag:s22] =	ssyncadd.s32 $0xFFFFD800  }
0x6f: {  	[spmem:s2] =	stream.indirect.scatter.add.f32 [tilespmem:s21], [sflag:$0x3], $0x80, s0, s24, $0xb8;
	[tilespmem:$0x1F000] =	vst v63  }
0x70: {  	_ =	swait.ge [sflag:s19], $0x2800  }
0x71: {  	[sflag:s19] =	ssyncset.done $0x0  }
0x72: {  	[sflag:s19] =	ssyncadd.s32 $0xFFFFD800  }
0x73: {  	[tilespmem:s21], [sflag:$0x1] =	stream.indirect.gather [hbm4b:s1+s24], $0x80, s29, s24, $0xb8;
	[tilespmem:$0x1F000] =	vst v63  }
0x74: {  	_ =	swait.ge [sflag:s23], $0x2800  }
.Ltmp1:
0x75: {  	[sflag:s23] =	ssyncset.done $0x0;
	(pc) =	sbr.rel @p1 .LBB2_4-.Ltmp1, $4  }
0x76: {  	s0 =	sadd.s32 $0x2800, s3;
	[sflag:s23] =	ssyncadd.s32 $0xFFFFD800  }
0x77: {  	[spmem:s2] =	stream.indirect.scatter.add.f32 [tilespmem:s25], [sflag:$0x3], $0x80, s0, s24, $0xb8;
	[tilespmem:$0x1F000] =	vst v63  }
0x78: {  	_ =	swait.ge [sflag:s19], $0x2800  }
0x79: {  	s29 =	sadd.s32 $0xA0, s29;
	[sflag:s19] =	ssyncset.done $0x0  }
0x7a: {  	s0 =	sadd.s32 $0xFFFFFFB0, s29;
	[sflag:s19] =	ssyncadd.s32 $0xFFFFD800  }
0x7b: {  	[tilespmem:s25], [sflag:$0x2] =	stream.indirect.gather [hbm4b:s1+s24], $0x80, s0, s24, $0xb8;
	[tilespmem:$0x1F000] =	vst v63  }
0x7c: {  	_ =	swait.ge [sflag:s22], $0x2800  }
0x7d: {  	s31 =	sshra.s32 s30, $0x2;
	[sflag:s22] =	ssyncset.done $0x0  }
0x7e: {  	s3 =	sadd.s32 $0x2780, s31;
	[sflag:s22] =	ssyncadd.s32 $0xFFFFD800  }
0x7f: {  	[spmem:s2] =	stream.indirect.scatter.add.f32 [tilespmem:s21], [sflag:$0x3], $0x80, s3, s24, $0xb8;
	[tilespmem:$0x1F000] =	vst v63  }
0x80: {  	_ =	swait.ge [sflag:s19], $0x2800  }
0x81: {  	[sflag:s19] =	ssyncset.done $0x0  }
0x82: {  	[sflag:s19] =	ssyncadd.s32 $0xFFFFD800  }
0x83: {  	[tilespmem:s21], [sflag:$0x1] =	stream.indirect.gather [hbm4b:s1+s24], $0x80, s29, s24, $0xb8;
	[tilespmem:$0x1F000] =	vst v63  }
0x84: {  	_ =	swait.ge [sflag:s23], $0x2800  }
0x85: {  	[sflag:s23] =	ssyncset.done $0x0  }
0x86: {  	s0 =	sadd.s32 $0x2800, s31;
	[sflag:s23] =	ssyncadd.s32 $0xFFFFD800  }
0x87: {  	[spmem:s2] =	stream.indirect.scatter.add.f32 [tilespmem:s25], [sflag:$0x3], $0x80, s0, s24, $0xb8;
	[tilespmem:$0x1F000] =	vst v63  }
0x88: {  	_ =	swait.ge [sflag:s19], $0x2800  }
0x89: {  	[sflag:s19] =	ssyncset.done $0x0  }
0x8a: {  	[sflag:s19] =	ssyncadd.s32 $0xFFFFD800  }
0x8b: {  	_ =	swait.ge [sflag:s22], $0x2800  }
0x8c: {  	[sflag:s22] =	ssyncset.done $0x0  }
0x8d: {  	[sflag:s22] =	ssyncadd.s32 $0xFFFFD800  }
0x8e: {  	[spmem:s2] =	stream.indirect.scatter.add.f32 [tilespmem:s21], [sflag:$0x3], $0x80, s26, s24, $0xb8;
	[tilespmem:$0x1F000] =	vst v63  }
0x8f: {  	_ =	swait.ge [sflag:s19], $0x2800  }
0x90: {  	[sflag:s19] =	ssyncset.done $0x0  }
0x91: {  	s30 =	sshll.u32 s20, $0x6;
	[sflag:s19] =	ssyncadd.s32 $0xFFFFD800  }
0x92: {  	s31 =	sshrl.u32 s6, $0x3;
	s0 =	sor.u32 $0x1C03, s30;
	[bflag:$0x0] =	sbarrier.arrive $0xFFFF  }
0x93: {  	[hbm:s16], [sflag:s0] =	dma.local [spmem:s31], $0x2700  }
0x94: {  	_ =	swait.ge [sflag:s19], $0x2700  }
0x95: {  	s28 =	sadd.s32 $0x1, s28;
	[sflag:s19] =	ssyncset.done $0x0  }
0x96: {  	p1 =	sne.s32 s28, s18;
	s3 =	sshrl.u32 @!p0 s15, $0x3;
	[sflag:s19] =	ssyncadd.s32 $0xFFFFD900  }
0x97: {  	[hbm:s17], [sflag:s0] =	dma.local @!p0 [spmem:s3], $0x100  }
.Ltmp2:
0x98: {  	_ = 	snop;
	(pc) =	sbr.rel @p1 .LBB2_1-.Ltmp2, $4  }
0x99: {  	s0 =	simm.s32 @!p0 $0x3  }
0x9a: {  	_ =	swait.ge @!p0 [sflag:s0], $0x100  }
0x9b: {  	[sflag:s0] =	ssyncset.done @!p0 $0x0  }
0x9c: {  	[sflag:s0] =	ssyncadd.s32 @!p0 $0xFFFFFF00  }
0x9d: {  	_ =	sfence.sel $0x180000  }
0x9e: {  	[bflag:$0x0] =	sbarrier.arrive $0xFFFF  }
0x9f: {  	_ =	strace $0x90000050  }
0xa0: {  	[bflag:$0x2] =	sbarrier.arrive $0xFFFF  }
0xa1: {  	s0 =	rddreg [dreg:$0x3]  }
0xa2: {  	s0 =	sadd.s32 @!p0 $0x100000, s0  }
0xa3: {  	[sflag:s0] =	ssyncadd.tile.s32 @!p0 $0x1;
	_ =	shalt  }
.Lfunc_end2:
_tile_overlayer_lowered:
.L_overlay_start_2:
0xa4: {  	(tag) =	ssettag $0x2  }
0xa5: {  	s0 =	rddreg [dreg:$0x0];
	s2 =	stileid.u32  }
0xa6: {  	s1 =	rddreg [dreg:$0x1];
	p0 =	sne.s32 s2, $0x0  }
0xa7: {  	s3 =	rddreg [dreg:$0x2];
	[bflag:$0x3] =	sbarrier.arrive $0xFFFF;
	s2 =	simm.s32 @!p0 $0x1C03  }
0xa8: {  	[timem:s3], [sflag:s2] =	dma.local @!p0 [hbm:s0], s1  }
0xa9: {  	s0 =	simm.s32 @!p0 $0x3  }
0xaa: {  	_ =	swait.ge @!p0 [sflag:s0], s1  }
0xab: {  	s1 =	ssub.s32 @!p0 $0x0, s1;
	[sflag:s0] =	ssyncset.done @!p0 $0x0  }
0xac: {  	[sflag:s0] =	ssyncadd.s32 @!p0 s1  }
0xad: {  	[bflag:$0x3] =	sbarrier.arrive $0xFFFF  }
0xae: {  	_ =	shalt  }

</sc_bundles>
